<compile_context>
chip_gen: v7x
topology: tpu7x:2x2x1
jax: 0.10.2.dev20260603
libtpu: 0.0.44.dev20260713+nightly
codegen_flags: <defaults>
</compile_context>

<pallas_src>
import jax
import jax.numpy as jnp
from jax import lax
from jax.experimental import pallas as pl
from jax.experimental.pallas import tpu as pltpu
from jax.experimental.pallas import tpu_sc as plsc

NUM_TYPES = 1365
BATCH = 4096
NUM_PARENTS = 341
W_PAD = 1376

_NC = 2
_NS = 16
_NW = _NC * _NS
ROWS_PER_PASS = 64
PASSES = BATCH // (_NW * ROWS_PER_PASS)


def _tree_body(x_hbm, w_hbm, out_hbm, w_v, sw_v, tile_v):
    wid = lax.axis_index("s") * _NC + lax.axis_index("c")

    pltpu.sync_copy(w_hbm, w_v)
    for i in range(W_PAD // 16):
        wv = w_v[pl.ds(i * 16, 16)]
        sw_v[pl.ds(i * 16, 16)] = 1.0 / (1.0 + jnp.exp(-wv))

    iota = lax.iota(jnp.int32, 16)
    zeros16 = jnp.zeros((16,), jnp.int32)

    for pass_ in range(PASSES):
        row0 = (wid * PASSES + pass_) * ROWS_PER_PASS
        pltpu.sync_copy(x_hbm.at[pl.ds(row0, ROWS_PER_PASS)], tile_v)

        def parent_step(i, carry):
            p = NUM_PARENTS - 1 - i
            base = 4 * p + 1
            ws = [plsc.load_gather(sw_v, [zeros16 + (base + k)])
                  for k in range(4)]
            pidx = zeros16 + p
            for c in range(ROWS_PER_PASS // 16):
                rows = iota + (c * 16)
                acc = jnp.zeros((16,), jnp.float32)
                for k in range(4):
                    v = plsc.load_gather(tile_v, [rows, zeros16 + (base + k)])
                    acc = acc + ws[k] * v
                acc = jnp.clip(acc, 0.0, 1.0)
                plsc.store_scatter(tile_v, [rows, pidx], acc)
            return carry

        lax.fori_loop(0, NUM_PARENTS, parent_step, 0)
        pltpu.sync_copy(tile_v, out_hbm.at[pl.ds(row0, ROWS_PER_PASS)])


def kernel(predicted_probabilities, weights_lukasiewicz):
    w_pad = jnp.zeros((W_PAD,), jnp.float32)
    w_pad = w_pad.at[:NUM_TYPES].set(weights_lukasiewicz.astype(jnp.float32))

    mesh = plsc.VectorSubcoreMesh(core_axis_name="c", subcore_axis_name="s")
    f = pl.kernel(
        _tree_body,
        out_type=jax.ShapeDtypeStruct((BATCH, NUM_TYPES), jnp.float32),
        mesh=mesh,
        compiler_params=pltpu.CompilerParams(needs_layout_passes=False),
        scratch_types=[
            pltpu.VMEM((W_PAD,), jnp.float32),
            pltpu.VMEM((W_PAD,), jnp.float32),
            pltpu.VMEM((ROWS_PER_PASS, NUM_TYPES), jnp.float32),
        ],
    )
    return f(predicted_probabilities, w_pad)

# --- scband reference (transcript-rebuilt; emitter-appended) ---
"""Pipeline reference for scband-ontology-nn-29180007809800 (READ-ONLY COPY).

The authoritative reference and input builder live on the scoring server;
editing this copy changes nothing except your own understanding.
"""

import jax, jax.numpy as jnp
import numpy as np

NUM_TYPES = 1365
BATCH = 4096
K_ARY = 4


def _build_ontology():
    # child_to_parent for a complete 4-ary tree: parent(i) = (i-1)//K, root -> -1
    child_to_parent = [-1] + [(i - 1) // K_ARY for i in range(1, NUM_TYPES)]
    parent_to_child = {}
    for child_idx, parent_idx in enumerate(child_to_parent):
        if parent_idx != -1:
            parent_to_child.setdefault(parent_idx, []).append(child_idx)
    parent_to_child = {k: np.asarray(v, dtype=np.int64) for k, v in parent_to_child.items()}
    set_of_nodes = set(range(len(child_to_parent)))
    set_of_parents = set(child_to_parent)
    set_of_leaves = set_of_nodes - set_of_parents

    def dist_to_root(node_idx):
        if node_idx < 0:
            return 0
        d = 1
        p = node_idx
        while child_to_parent[p] != -1:
            d += 1
            p = child_to_parent[p]
        return d

    non_leaf = []
    for node_idx in range(len(child_to_parent)):
        if node_idx not in set_of_leaves:
            non_leaf.append({'node_idx': node_idx, 'distance': dist_to_root(node_idx)})
    non_leaf_sorted = sorted(non_leaf, reverse=True, key=lambda x: x['distance'])
    order = [item['node_idx'] for item in non_leaf_sorted]
    return parent_to_child, order


_P2C, _ORDER = _build_ontology()


def setup_inputs(seed: int = 0) -> dict:
    key = jax.random.key(seed)
    k1, k2 = jax.random.split(key)
    predicted_probabilities = jax.random.uniform(k1, (BATCH, NUM_TYPES), dtype=jnp.float32)
    weights_lukasiewicz = jax.random.normal(k2, (NUM_TYPES,), dtype=jnp.float32)
    return {
        'predicted_probabilities': predicted_probabilities,
        'weights_lukasiewicz': weights_lukasiewicz,
    }


def reference(predicted_probabilities, weights_lukasiewicz):
    # predicted_probabilities: [B, num_types]
    pt = predicted_probabilities.T  # [num_types, B]
    for node_to_process in _ORDER:
        child_idx = _P2C[node_to_process]
        pred_children = pt[child_idx]  # [n_children, B]  (gather)
        w = jax.nn.sigmoid(weights_lukasiewicz[child_idx])[:, None]  # [n_children, 1]
        values = jnp.sum(pred_children * w, axis=0)
        values_clamped = jnp.clip(values, 0.0, 1.0)
        pt = pt.at[node_to_process].set(values_clamped)  # scatter-overwrite
    return pt.T

if __name__ == "__main__":
    import jax
    _d = setup_inputs()
    print(jax.jit(kernel)(*tuple(_d.values())))

</pallas_src>

<mosaic_0001>
#map = affine_map<(d0, d1) -> (0, 0)>
#map1 = affine_map<(d0, d1) -> (0)>
module attributes {stable_mosaic.version = 14 : i64} {
  func.func @_tree_body(%arg0: i32, %arg1: i32, %arg2: memref<4096x1365xf32, #tpu.memory_space<hbm>>, %arg3: memref<1376xf32, #tpu.memory_space<hbm>>, %arg4: memref<4096x1365xf32, #tpu.memory_space<hbm>>, %arg5: memref<1376xf32, #tpu.memory_space<vmem>>, %arg6: memref<1376xf32, #tpu.memory_space<vmem>>, %arg7: memref<64x1365xf32, #tpu.memory_space<vmem>>) attributes {dimension_semantics = [#tpu.dimension_semantics<core_parallel>, #tpu.dimension_semantics<subcore_parallel>], iteration_bounds = array<i64: 2, 16>, scalar_prefetch = 0 : i64, scratch_operands = 3 : i64, tpu.core_type = #tpu.core_type<sc_vector_subcore>, window_params = [{transform_indices = #map}, {transform_indices = #map1}, {transform_indices = #map}]} {
    %mul3A = arith.constant 2 : i32
    %mul3A_0 = arith.muli %arg1, %mul3A : i32
    %add3A = arith.addi %mul3A_0, %arg0 : i32
    "tpu.region"() ({
      %run_scoped3A = tpu.sem_alloc : memref<!tpu.dma_semaphore, #tpu.memory_space<semaphore_mem>>
      tpu.enqueue_dma source(%arg3 : memref<1376xf32, #tpu.memory_space<hbm>>) target(%arg5 : memref<1376xf32, #tpu.memory_space<vmem>>) target_semaphore(%run_scoped3A : memref<!tpu.dma_semaphore, #tpu.memory_space<semaphore_mem>>)
      tpu.wait_dma2 semaphore(%run_scoped3A : memref<!tpu.dma_semaphore, #tpu.memory_space<semaphore_mem>>) src(%arg3 : memref<1376xf32, #tpu.memory_space<hbm>>) dst(%arg5 : memref<1376xf32, #tpu.memory_space<vmem>>)
      tpu.yield
    }) : () -> ()
    %get3A = arith.constant 0 : index
    %get3A_1 = tpu.vector_load %arg5[%get3A] {strides = array<i32>} : memref<1376xf32, #tpu.memory_space<vmem>>, vector<16xf32>,
    %neg3A = arith.constant 0.000000e+00 : f32
    %neg3A_2 = vector.broadcast %neg3A : f32 to vector<16xf32>
    %neg3A_3 = arith.subf %neg3A_2, %get3A_1 : vector<16xf32>
    %exp3A = math.exp %neg3A_3 : vector<16xf32>
    %add3A_4 = arith.constant 1.000000e+00 : f32
    %add3A_5 = vector.broadcast %add3A_4 : f32 to vector<16xf32>
    %add3A_6 = arith.addf %add3A_5, %exp3A : vector<16xf32>
    %div3A = arith.constant 1.000000e+00 : f32
    %div3A_7 = vector.broadcast %div3A : f32 to vector<16xf32>
    %div3A_8 = arith.divf %div3A_7, %add3A_6 : vector<16xf32>
    %swap3A = arith.constant 0 : index
    %swap3A_9 = tpu.vector_load %arg6[%swap3A] {strides = array<i32>} : memref<1376xf32, #tpu.memory_space<vmem>>, vector<16xf32>,
    tpu.vector_store %arg6[%swap3A], %div3A_8 {strides = array<i32>} : memref<1376xf32, #tpu.memory_space<vmem>>, vector<16xf32>,
    %get3A_10 = arith.constant 16 : index
    %get3A_11 = tpu.vector_load %arg5[%get3A_10] {strides = array<i32>} : memref<1376xf32, #tpu.memory_space<vmem>>, vector<16xf32>,
    %neg3A_12 = arith.constant 0.000000e+00 : f32
    %neg3A_13 = vector.broadcast %neg3A_12 : f32 to vector<16xf32>
    %neg3A_14 = arith.subf %neg3A_13, %get3A_11 : vector<16xf32>
    %exp3A_15 = math.exp %neg3A_14 : vector<16xf32>
    %add3A_16 = arith.constant 1.000000e+00 : f32
    %add3A_17 = vector.broadcast %add3A_16 : f32 to vector<16xf32>
    %add3A_18 = arith.addf %add3A_17, %exp3A_15 : vector<16xf32>
    %div3A_19 = arith.constant 1.000000e+00 : f32
    %div3A_20 = vector.broadcast %div3A_19 : f32 to vector<16xf32>
    %div3A_21 = arith.divf %div3A_20, %add3A_18 : vector<16xf32>
    %swap3A_22 = arith.constant 16 : index
    %swap3A_23 = tpu.vector_load %arg6[%swap3A_22] {strides = array<i32>} : memref<1376xf32, #tpu.memory_space<vmem>>, vector<16xf32>,
    tpu.vector_store %arg6[%swap3A_22], %div3A_21 {strides = array<i32>} : memref<1376xf32, #tpu.memory_space<vmem>>, vector<16xf32>,
    %get3A_24 = arith.constant 32 : index
    %get3A_25 = tpu.vector_load %arg5[%get3A_24] {strides = array<i32>} : memref<1376xf32, #tpu.memory_space<vmem>>, vector<16xf32>,
    %neg3A_26 = arith.constant 0.000000e+00 : f32
    %neg3A_27 = vector.broadcast %neg3A_26 : f32 to vector<16xf32>
    %neg3A_28 = arith.subf %neg3A_27, %get3A_25 : vector<16xf32>
    %exp3A_29 = math.exp %neg3A_28 : vector<16xf32>
    %add3A_30 = arith.constant 1.000000e+00 : f32
    %add3A_31 = vector.broadcast %add3A_30 : f32 to vector<16xf32>
    %add3A_32 = arith.addf %add3A_31, %exp3A_29 : vector<16xf32>
    %div3A_33 = arith.constant 1.000000e+00 : f32
    %div3A_34 = vector.broadcast %div3A_33 : f32 to vector<16xf32>
    %div3A_35 = arith.divf %div3A_34, %add3A_32 : vector<16xf32>
    %swap3A_36 = arith.constant 32 : index
    %swap3A_37 = tpu.vector_load %arg6[%swap3A_36] {strides = array<i32>} : memref<1376xf32, #tpu.memory_space<vmem>>, vector<16xf32>,
    tpu.vector_store %arg6[%swap3A_36], %div3A_35 {strides = array<i32>} : memref<1376xf32, #tpu.memory_space<vmem>>, vector<16xf32>,
    %get3A_38 = arith.constant 48 : index
    %get3A_39 = tpu.vector_load %arg5[%get3A_38] {strides = array<i32>} : memref<1376xf32, #tpu.memory_space<vmem>>, vector<16xf32>,
    %neg3A_40 = arith.constant 0.000000e+00 : f32
    %neg3A_41 = vector.broadcast %neg3A_40 : f32 to vector<16xf32>
    %neg3A_42 = arith.subf %neg3A_41, %get3A_39 : vector<16xf32>
    %exp3A_43 = math.exp %neg3A_42 : vector<16xf32>
    %add3A_44 = arith.constant 1.000000e+00 : f32
    %add3A_45 = vector.broadcast %add3A_44 : f32 to vector<16xf32>
    %add3A_46 = arith.addf %add3A_45, %exp3A_43 : vector<16xf32>
    %div3A_47 = arith.constant 1.000000e+00 : f32
    %div3A_48 = vector.broadcast %div3A_47 : f32 to vector<16xf32>
    %div3A_49 = arith.divf %div3A_48, %add3A_46 : vector<16xf32>
    %swap3A_50 = arith.constant 48 : index
    %swap3A_51 = tpu.vector_load %arg6[%swap3A_50] {strides = array<i32>} : memref<1376xf32, #tpu.memory_space<vmem>>, vector<16xf32>,
    tpu.vector_store %arg6[%swap3A_50], %div3A_49 {strides = array<i32>} : memref<1376xf32, #tpu.memory_space<vmem>>, vector<16xf32>,
    %get3A_52 = arith.constant 64 : index
    %get3A_53 = tpu.vector_load %arg5[%get3A_52] {strides = array<i32>} : memref<1376xf32, #tpu.memory_space<vmem>>, vector<16xf32>,
    %neg3A_54 = arith.constant 0.000000e+00 : f32
    %neg3A_55 = vector.broadcast %neg3A_54 : f32 to vector<16xf32>
    %neg3A_56 = arith.subf %neg3A_55, %get3A_53 : vector<16xf32>
    %exp3A_57 = math.exp %neg3A_56 : vector<16xf32>
    %add3A_58 = arith.constant 1.000000e+00 : f32
    %add3A_59 = vector.broadcast %add3A_58 : f32 to vector<16xf32>
    %add3A_60 = arith.addf %add3A_59, %exp3A_57 : vector<16xf32>
    %div3A_61 = arith.constant 1.000000e+00 : f32
    %div3A_62 = vector.broadcast %div3A_61 : f32 to vector<16xf32>
    %div3A_63 = arith.divf %div3A_62, %add3A_60 : vector<16xf32>
    %swap3A_64 = arith.constant 64 : index
    %swap3A_65 = tpu.vector_load %arg6[%swap3A_64] {strides = array<i32>} : memref<1376xf32, #tpu.memory_space<vmem>>, vector<16xf32>,
    tpu.vector_store %arg6[%swap3A_64], %div3A_63 {strides = array<i32>} : memref<1376xf32, #tpu.memory_space<vmem>>, vector<16xf32>,
    %get3A_66 = arith.constant 80 : index
    %get3A_67 = tpu.vector_load %arg5[%get3A_66] {strides = array<i32>} : memref<1376xf32, #tpu.memory_space<vmem>>, vector<16xf32>,
    %neg3A_68 = arith.constant 0.000000e+00 : f32
    %neg3A_69 = vector.broadcast %neg3A_68 : f32 to vector<16xf32>
    %neg3A_70 = arith.subf %neg3A_69, %get3A_67 : vector<16xf32>
    %exp3A_71 = math.exp %neg3A_70 : vector<16xf32>
    %add3A_72 = arith.constant 1.000000e+00 : f32
    %add3A_73 = vector.broadcast %add3A_72 : f32 to vector<16xf32>
    %add3A_74 = arith.addf %add3A_73, %exp3A_71 : vector<16xf32>
    %div3A_75 = arith.constant 1.000000e+00 : f32
    %div3A_76 = vector.broadcast %div3A_75 : f32 to vector<16xf32>
    %div3A_77 = arith.divf %div3A_76, %add3A_74 : vector<16xf32>
    %swap3A_78 = arith.constant 80 : index
    %swap3A_79 = tpu.vector_load %arg6[%swap3A_78] {strides = array<i32>} : memref<1376xf32, #tpu.memory_space<vmem>>, vector<16xf32>,
    tpu.vector_store %arg6[%swap3A_78], %div3A_77 {strides = array<i32>} : memref<1376xf32, #tpu.memory_space<vmem>>, vector<16xf32>,
    %get3A_80 = arith.constant 96 : index
    %get3A_81 = tpu.vector_load %arg5[%get3A_80] {strides = array<i32>} : memref<1376xf32, #tpu.memory_space<vmem>>, vector<16xf32>,
    %neg3A_82 = arith.constant 0.000000e+00 : f32
    %neg3A_83 = vector.broadcast %neg3A_82 : f32 to vector<16xf32>
    %neg3A_84 = arith.subf %neg3A_83, %get3A_81 : vector<16xf32>
    %exp3A_85 = math.exp %neg3A_84 : vector<16xf32>
    %add3A_86 = arith.constant 1.000000e+00 : f32
    %add3A_87 = vector.broadcast %add3A_86 : f32 to vector<16xf32>
    %add3A_88 = arith.addf %add3A_87, %exp3A_85 : vector<16xf32>
    %div3A_89 = arith.constant 1.000000e+00 : f32
    %div3A_90 = vector.broadcast %div3A_89 : f32 to vector<16xf32>
    %div3A_91 = arith.divf %div3A_90, %add3A_88 : vector<16xf32>
    %swap3A_92 = arith.constant 96 : index
    %swap3A_93 = tpu.vector_load %arg6[%swap3A_92] {strides = array<i32>} : memref<1376xf32, #tpu.memory_space<vmem>>, vector<16xf32>,
    tpu.vector_store %arg6[%swap3A_92], %div3A_91 {strides = array<i32>} : memref<1376xf32, #tpu.memory_space<vmem>>, vector<16xf32>,
    %get3A_94 = arith.constant 112 : index
    %get3A_95 = tpu.vector_load %arg5[%get3A_94] {strides = array<i32>} : memref<1376xf32, #tpu.memory_space<vmem>>, vector<16xf32>,
    %neg3A_96 = arith.constant 0.000000e+00 : f32
    %neg3A_97 = vector.broadcast %neg3A_96 : f32 to vector<16xf32>
    %neg3A_98 = arith.subf %neg3A_97, %get3A_95 : vector<16xf32>
    %exp3A_99 = math.exp %neg3A_98 : vector<16xf32>
    %add3A_100 = arith.constant 1.000000e+00 : f32
    %add3A_101 = vector.broadcast %add3A_100 : f32 to vector<16xf32>
    %add3A_102 = arith.addf %add3A_101, %exp3A_99 : vector<16xf32>
    %div3A_103 = arith.constant 1.000000e+00 : f32
    %div3A_104 = vector.broadcast %div3A_103 : f32 to vector<16xf32>
    %div3A_105 = arith.divf %div3A_104, %add3A_102 : vector<16xf32>
    %swap3A_106 = arith.constant 112 : index
    %swap3A_107 = tpu.vector_load %arg6[%swap3A_106] {strides = array<i32>} : memref<1376xf32, #tpu.memory_space<vmem>>, vector<16xf32>,
    tpu.vector_store %arg6[%swap3A_106], %div3A_105 {strides = array<i32>} : memref<1376xf32, #tpu.memory_space<vmem>>, vector<16xf32>,
    %get3A_108 = arith.constant 128 : index
    %get3A_109 = tpu.vector_load %arg5[%get3A_108] {strides = array<i32>} : memref<1376xf32, #tpu.memory_space<vmem>>, vector<16xf32>,
    %neg3A_110 = arith.constant 0.000000e+00 : f32
    %neg3A_111 = vector.broadcast %neg3A_110 : f32 to vector<16xf32>
    %neg3A_112 = arith.subf %neg3A_111, %get3A_109 : vector<16xf32>
    %exp3A_113 = math.exp %neg3A_112 : vector<16xf32>
    %add3A_114 = arith.constant 1.000000e+00 : f32
    %add3A_115 = vector.broadcast %add3A_114 : f32 to vector<16xf32>
    %add3A_116 = arith.addf %add3A_115, %exp3A_113 : vector<16xf32>
    %div3A_117 = arith.constant 1.000000e+00 : f32
    %div3A_118 = vector.broadcast %div3A_117 : f32 to vector<16xf32>
    %div3A_119 = arith.divf %div3A_118, %add3A_116 : vector<16xf32>
    %swap3A_120 = arith.constant 128 : index
    %swap3A_121 = tpu.vector_load %arg6[%swap3A_120] {strides = array<i32>} : memref<1376xf32, #tpu.memory_space<vmem>>, vector<16xf32>,
    tpu.vector_store %arg6[%swap3A_120], %div3A_119 {strides = array<i32>} : memref<1376xf32, #tpu.memory_space<vmem>>, vector<16xf32>,
    %get3A_122 = arith.constant 144 : index
    %get3A_123 = tpu.vector_load %arg5[%get3A_122] {strides = array<i32>} : memref<1376xf32, #tpu.memory_space<vmem>>, vector<16xf32>,
    %neg3A_124 = arith.constant 0.000000e+00 : f32
    %neg3A_125 = vector.broadcast %neg3A_124 : f32 to vector<16xf32>
    %neg3A_126 = arith.subf %neg3A_125, %get3A_123 : vector<16xf32>
    %exp3A_127 = math.exp %neg3A_126 : vector<16xf32>
    %add3A_128 = arith.constant 1.000000e+00 : f32
    %add3A_129 = vector.broadcast %add3A_128 : f32 to vector<16xf32>
    %add3A_130 = arith.addf %add3A_129, %exp3A_127 : vector<16xf32>
    %div3A_131 = arith.constant 1.000000e+00 : f32
    %div3A_132 = vector.broadcast %div3A_131 : f32 to vector<16xf32>
    %div3A_133 = arith.divf %div3A_132, %add3A_130 : vector<16xf32>
    %swap3A_134 = arith.constant 144 : index
    %swap3A_135 = tpu.vector_load %arg6[%swap3A_134] {strides = array<i32>} : memref<1376xf32, #tpu.memory_space<vmem>>, vector<16xf32>,
    tpu.vector_store %arg6[%swap3A_134], %div3A_133 {strides = array<i32>} : memref<1376xf32, #tpu.memory_space<vmem>>, vector<16xf32>,
    %get3A_136 = arith.constant 160 : index
    %get3A_137 = tpu.vector_load %arg5[%get3A_136] {strides = array<i32>} : memref<1376xf32, #tpu.memory_space<vmem>>, vector<16xf32>,
    %neg3A_138 = arith.constant 0.000000e+00 : f32
    %neg3A_139 = vector.broadcast %neg3A_138 : f32 to vector<16xf32>
    %neg3A_140 = arith.subf %neg3A_139, %get3A_137 : vector<16xf32>
    %exp3A_141 = math.exp %neg3A_140 : vector<16xf32>
    %add3A_142 = arith.constant 1.000000e+00 : f32
    %add3A_143 = vector.broadcast %add3A_142 : f32 to vector<16xf32>
    %add3A_144 = arith.addf %add3A_143, %exp3A_141 : vector<16xf32>
    %div3A_145 = arith.constant 1.000000e+00 : f32
    %div3A_146 = vector.broadcast %div3A_145 : f32 to vector<16xf32>
    %div3A_147 = arith.divf %div3A_146, %add3A_144 : vector<16xf32>
    %swap3A_148 = arith.constant 160 : index
    %swap3A_149 = tpu.vector_load %arg6[%swap3A_148] {strides = array<i32>} : memref<1376xf32, #tpu.memory_space<vmem>>, vector<16xf32>,
    tpu.vector_store %arg6[%swap3A_148], %div3A_147 {strides = array<i32>} : memref<1376xf32, #tpu.memory_space<vmem>>, vector<16xf32>,
    %get3A_150 = arith.constant 176 : index
    %get3A_151 = tpu.vector_load %arg5[%get3A_150] {strides = array<i32>} : memref<1376xf32, #tpu.memory_space<vmem>>, vector<16xf32>,
    %neg3A_152 = arith.constant 0.000000e+00 : f32
    %neg3A_153 = vector.broadcast %neg3A_152 : f32 to vector<16xf32>
    %neg3A_154 = arith.subf %neg3A_153, %get3A_151 : vector<16xf32>
    %exp3A_155 = math.exp %neg3A_154 : vector<16xf32>
    %add3A_156 = arith.constant 1.000000e+00 : f32
    %add3A_157 = vector.broadcast %add3A_156 : f32 to vector<16xf32>
    %add3A_158 = arith.addf %add3A_157, %exp3A_155 : vector<16xf32>
    %div3A_159 = arith.constant 1.000000e+00 : f32
    %div3A_160 = vector.broadcast %div3A_159 : f32 to vector<16xf32>
    %div3A_161 = arith.divf %div3A_160, %add3A_158 : vector<16xf32>
    %swap3A_162 = arith.constant 176 : index
    %swap3A_163 = tpu.vector_load %arg6[%swap3A_162] {strides = array<i32>} : memref<1376xf32, #tpu.memory_space<vmem>>, vector<16xf32>,
    tpu.vector_store %arg6[%swap3A_162], %div3A_161 {strides = array<i32>} : memref<1376xf32, #tpu.memory_space<vmem>>, vector<16xf32>,
    %get3A_164 = arith.constant 192 : index
    %get3A_165 = tpu.vector_load %arg5[%get3A_164] {strides = array<i32>} : memref<1376xf32, #tpu.memory_space<vmem>>, vector<16xf32>,
    %neg3A_166 = arith.constant 0.000000e+00 : f32
    %neg3A_167 = vector.broadcast %neg3A_166 : f32 to vector<16xf32>
    %neg3A_168 = arith.subf %neg3A_167, %get3A_165 : vector<16xf32>
    %exp3A_169 = math.exp %neg3A_168 : vector<16xf32>
    %add3A_170 = arith.constant 1.000000e+00 : f32
    %add3A_171 = vector.broadcast %add3A_170 : f32 to vector<16xf32>
    %add3A_172 = arith.addf %add3A_171, %exp3A_169 : vector<16xf32>
    %div3A_173 = arith.constant 1.000000e+00 : f32
    %div3A_174 = vector.broadcast %div3A_173 : f32 to vector<16xf32>
    %div3A_175 = arith.divf %div3A_174, %add3A_172 : vector<16xf32>
    %swap3A_176 = arith.constant 192 : index
    %swap3A_177 = tpu.vector_load %arg6[%swap3A_176] {strides = array<i32>} : memref<1376xf32, #tpu.memory_space<vmem>>, vector<16xf32>,
    tpu.vector_store %arg6[%swap3A_176], %div3A_175 {strides = array<i32>} : memref<1376xf32, #tpu.memory_space<vmem>>, vector<16xf32>,
    %get3A_178 = arith.constant 208 : index
    %get3A_179 = tpu.vector_load %arg5[%get3A_178] {strides = array<i32>} : memref<1376xf32, #tpu.memory_space<vmem>>, vector<16xf32>,
    %neg3A_180 = arith.constant 0.000000e+00 : f32
    %neg3A_181 = vector.broadcast %neg3A_180 : f32 to vector<16xf32>
    %neg3A_182 = arith.subf %neg3A_181, %get3A_179 : vector<16xf32>
    %exp3A_183 = math.exp %neg3A_182 : vector<16xf32>
    %add3A_184 = arith.constant 1.000000e+00 : f32
    %add3A_185 = vector.broadcast %add3A_184 : f32 to vector<16xf32>
    %add3A_186 = arith.addf %add3A_185, %exp3A_183 : vector<16xf32>
    %div3A_187 = arith.constant 1.000000e+00 : f32
    %div3A_188 = vector.broadcast %div3A_187 : f32 to vector<16xf32>
    %div3A_189 = arith.divf %div3A_188, %add3A_186 : vector<16xf32>
    %swap3A_190 = arith.constant 208 : index
    %swap3A_191 = tpu.vector_load %arg6[%swap3A_190] {strides = array<i32>} : memref<1376xf32, #tpu.memory_space<vmem>>, vector<16xf32>,
    tpu.vector_store %arg6[%swap3A_190], %div3A_189 {strides = array<i32>} : memref<1376xf32, #tpu.memory_space<vmem>>, vector<16xf32>,
    %get3A_192 = arith.constant 224 : index
    %get3A_193 = tpu.vector_load %arg5[%get3A_192] {strides = array<i32>} : memref<1376xf32, #tpu.memory_space<vmem>>, vector<16xf32>,
    %neg3A_194 = arith.constant 0.000000e+00 : f32
    %neg3A_195 = vector.broadcast %neg3A_194 : f32 to vector<16xf32>
    %neg3A_196 = arith.subf %neg3A_195, %get3A_193 : vector<16xf32>
    %exp3A_197 = math.exp %neg3A_196 : vector<16xf32>
    %add3A_198 = arith.constant 1.000000e+00 : f32
    %add3A_199 = vector.broadcast %add3A_198 : f32 to vector<16xf32>
    %add3A_200 = arith.addf %add3A_199, %exp3A_197 : vector<16xf32>
    %div3A_201 = arith.constant 1.000000e+00 : f32
    %div3A_202 = vector.broadcast %div3A_201 : f32 to vector<16xf32>
    %div3A_203 = arith.divf %div3A_202, %add3A_200 : vector<16xf32>
    %swap3A_204 = arith.constant 224 : index
    %swap3A_205 = tpu.vector_load %arg6[%swap3A_204] {strides = array<i32>} : memref<1376xf32, #tpu.memory_space<vmem>>, vector<16xf32>,
    tpu.vector_store %arg6[%swap3A_204], %div3A_203 {strides = array<i32>} : memref<1376xf32, #tpu.memory_space<vmem>>, vector<16xf32>,
    %get3A_206 = arith.constant 240 : index
    %get3A_207 = tpu.vector_load %arg5[%get3A_206] {strides = array<i32>} : memref<1376xf32, #tpu.memory_space<vmem>>, vector<16xf32>,
    %neg3A_208 = arith.constant 0.000000e+00 : f32
    %neg3A_209 = vector.broadcast %neg3A_208 : f32 to vector<16xf32>
    %neg3A_210 = arith.subf %neg3A_209, %get3A_207 : vector<16xf32>
    %exp3A_211 = math.exp %neg3A_210 : vector<16xf32>
    %add3A_212 = arith.constant 1.000000e+00 : f32
    %add3A_213 = vector.broadcast %add3A_212 : f32 to vector<16xf32>
    %add3A_214 = arith.addf %add3A_213, %exp3A_211 : vector<16xf32>
    %div3A_215 = arith.constant 1.000000e+00 : f32
    %div3A_216 = vector.broadcast %div3A_215 : f32 to vector<16xf32>
    %div3A_217 = arith.divf %div3A_216, %add3A_214 : vector<16xf32>
    %swap3A_218 = arith.constant 240 : index
    %swap3A_219 = tpu.vector_load %arg6[%swap3A_218] {strides = array<i32>} : memref<1376xf32, #tpu.memory_space<vmem>>, vector<16xf32>,
    tpu.vector_store %arg6[%swap3A_218], %div3A_217 {strides = array<i32>} : memref<1376xf32, #tpu.memory_space<vmem>>, vector<16xf32>,
    %get3A_220 = arith.constant 256 : index
    %get3A_221 = tpu.vector_load %arg5[%get3A_220] {strides = array<i32>} : memref<1376xf32, #tpu.memory_space<vmem>>, vector<16xf32>,
    %neg3A_222 = arith.constant 0.000000e+00 : f32
    %neg3A_223 = vector.broadcast %neg3A_222 : f32 to vector<16xf32>
    %neg3A_224 = arith.subf %neg3A_223, %get3A_221 : vector<16xf32>
    %exp3A_225 = math.exp %neg3A_224 : vector<16xf32>
    %add3A_226 = arith.constant 1.000000e+00 : f32
    %add3A_227 = vector.broadcast %add3A_226 : f32 to vector<16xf32>
    %add3A_228 = arith.addf %add3A_227, %exp3A_225 : vector<16xf32>
    %div3A_229 = arith.constant 1.000000e+00 : f32
    %div3A_230 = vector.broadcast %div3A_229 : f32 to vector<16xf32>
    %div3A_231 = arith.divf %div3A_230, %add3A_228 : vector<16xf32>
    %swap3A_232 = arith.constant 256 : index
    %swap3A_233 = tpu.vector_load %arg6[%swap3A_232] {strides = array<i32>} : memref<1376xf32, #tpu.memory_space<vmem>>, vector<16xf32>,
    tpu.vector_store %arg6[%swap3A_232], %div3A_231 {strides = array<i32>} : memref<1376xf32, #tpu.memory_space<vmem>>, vector<16xf32>,
    %get3A_234 = arith.constant 272 : index
    %get3A_235 = tpu.vector_load %arg5[%get3A_234] {strides = array<i32>} : memref<1376xf32, #tpu.memory_space<vmem>>, vector<16xf32>,
    %neg3A_236 = arith.constant 0.000000e+00 : f32
    %neg3A_237 = vector.broadcast %neg3A_236 : f32 to vector<16xf32>
    %neg3A_238 = arith.subf %neg3A_237, %get3A_235 : vector<16xf32>
    %exp3A_239 = math.exp %neg3A_238 : vector<16xf32>
    %add3A_240 = arith.constant 1.000000e+00 : f32
    %add3A_241 = vector.broadcast %add3A_240 : f32 to vector<16xf32>
    %add3A_242 = arith.addf %add3A_241, %exp3A_239 : vector<16xf32>
    %div3A_243 = arith.constant 1.000000e+00 : f32
    %div3A_244 = vector.broadcast %div3A_243 : f32 to vector<16xf32>
    %div3A_245 = arith.divf %div3A_244, %add3A_242 : vector<16xf32>
    %swap3A_246 = arith.constant 272 : index
    %swap3A_247 = tpu.vector_load %arg6[%swap3A_246] {strides = array<i32>} : memref<1376xf32, #tpu.memory_space<vmem>>, vector<16xf32>,
    tpu.vector_store %arg6[%swap3A_246], %div3A_245 {strides = array<i32>} : memref<1376xf32, #tpu.memory_space<vmem>>, vector<16xf32>,
    %get3A_248 = arith.constant 288 : index
    %get3A_249 = tpu.vector_load %arg5[%get3A_248] {strides = array<i32>} : memref<1376xf32, #tpu.memory_space<vmem>>, vector<16xf32>,
    %neg3A_250 = arith.constant 0.000000e+00 : f32
    %neg3A_251 = vector.broadcast %neg3A_250 : f32 to vector<16xf32>
    %neg3A_252 = arith.subf %neg3A_251, %get3A_249 : vector<16xf32>
    %exp3A_253 = math.exp %neg3A_252 : vector<16xf32>
    %add3A_254 = arith.constant 1.000000e+00 : f32
    %add3A_255 = vector.broadcast %add3A_254 : f32 to vector<16xf32>
    %add3A_256 = arith.addf %add3A_255, %exp3A_253 : vector<16xf32>
    %div3A_257 = arith.constant 1.000000e+00 : f32
    %div3A_258 = vector.broadcast %div3A_257 : f32 to vector<16xf32>
    %div3A_259 = arith.divf %div3A_258, %add3A_256 : vector<16xf32>
    %swap3A_260 = arith.constant 288 : index
    %swap3A_261 = tpu.vector_load %arg6[%swap3A_260] {strides = array<i32>} : memref<1376xf32, #tpu.memory_space<vmem>>, vector<16xf32>,
    tpu.vector_store %arg6[%swap3A_260], %div3A_259 {strides = array<i32>} : memref<1376xf32, #tpu.memory_space<vmem>>, vector<16xf32>,
    %get3A_262 = arith.constant 304 : index
    %get3A_263 = tpu.vector_load %arg5[%get3A_262] {strides = array<i32>} : memref<1376xf32, #tpu.memory_space<vmem>>, vector<16xf32>,
    %neg3A_264 = arith.constant 0.000000e+00 : f32
    %neg3A_265 = vector.broadcast %neg3A_264 : f32 to vector<16xf32>
    %neg3A_266 = arith.subf %neg3A_265, %get3A_263 : vector<16xf32>
    %exp3A_267 = math.exp %neg3A_266 : vector<16xf32>
    %add3A_268 = arith.constant 1.000000e+00 : f32
    %add3A_269 = vector.broadcast %add3A_268 : f32 to vector<16xf32>
    %add3A_270 = arith.addf %add3A_269, %exp3A_267 : vector<16xf32>
    %div3A_271 = arith.constant 1.000000e+00 : f32
    %div3A_272 = vector.broadcast %div3A_271 : f32 to vector<16xf32>
    %div3A_273 = arith.divf %div3A_272, %add3A_270 : vector<16xf32>
    %swap3A_274 = arith.constant 304 : index
    %swap3A_275 = tpu.vector_load %arg6[%swap3A_274] {strides = array<i32>} : memref<1376xf32, #tpu.memory_space<vmem>>, vector<16xf32>,
    tpu.vector_store %arg6[%swap3A_274], %div3A_273 {strides = array<i32>} : memref<1376xf32, #tpu.memory_space<vmem>>, vector<16xf32>,
    %get3A_276 = arith.constant 320 : index
    %get3A_277 = tpu.vector_load %arg5[%get3A_276] {strides = array<i32>} : memref<1376xf32, #tpu.memory_space<vmem>>, vector<16xf32>,
    %neg3A_278 = arith.constant 0.000000e+00 : f32
    %neg3A_279 = vector.broadcast %neg3A_278 : f32 to vector<16xf32>
    %neg3A_280 = arith.subf %neg3A_279, %get3A_277 : vector<16xf32>
    %exp3A_281 = math.exp %neg3A_280 : vector<16xf32>
    %add3A_282 = arith.constant 1.000000e+00 : f32
    %add3A_283 = vector.broadcast %add3A_282 : f32 to vector<16xf32>
    %add3A_284 = arith.addf %add3A_283, %exp3A_281 : vector<16xf32>
    %div3A_285 = arith.constant 1.000000e+00 : f32
    %div3A_286 = vector.broadcast %div3A_285 : f32 to vector<16xf32>
    %div3A_287 = arith.divf %div3A_286, %add3A_284 : vector<16xf32>
    %swap3A_288 = arith.constant 320 : index
    %swap3A_289 = tpu.vector_load %arg6[%swap3A_288] {strides = array<i32>} : memref<1376xf32, #tpu.memory_space<vmem>>, vector<16xf32>,
    tpu.vector_store %arg6[%swap3A_288], %div3A_287 {strides = array<i32>} : memref<1376xf32, #tpu.memory_space<vmem>>, vector<16xf32>,
    %get3A_290 = arith.constant 336 : index
    %get3A_291 = tpu.vector_load %arg5[%get3A_290] {strides = array<i32>} : memref<1376xf32, #tpu.memory_space<vmem>>, vector<16xf32>,
    %neg3A_292 = arith.constant 0.000000e+00 : f32
    %neg3A_293 = vector.broadcast %neg3A_292 : f32 to vector<16xf32>
    %neg3A_294 = arith.subf %neg3A_293, %get3A_291 : vector<16xf32>
    %exp3A_295 = math.exp %neg3A_294 : vector<16xf32>
    %add3A_296 = arith.constant 1.000000e+00 : f32
    %add3A_297 = vector.broadcast %add3A_296 : f32 to vector<16xf32>
    %add3A_298 = arith.addf %add3A_297, %exp3A_295 : vector<16xf32>
    %div3A_299 = arith.constant 1.000000e+00 : f32
    %div3A_300 = vector.broadcast %div3A_299 : f32 to vector<16xf32>
    %div3A_301 = arith.divf %div3A_300, %add3A_298 : vector<16xf32>
    %swap3A_302 = arith.constant 336 : index
    %swap3A_303 = tpu.vector_load %arg6[%swap3A_302] {strides = array<i32>} : memref<1376xf32, #tpu.memory_space<vmem>>, vector<16xf32>,
    tpu.vector_store %arg6[%swap3A_302], %div3A_301 {strides = array<i32>} : memref<1376xf32, #tpu.memory_space<vmem>>, vector<16xf32>,
    %get3A_304 = arith.constant 352 : index
    %get3A_305 = tpu.vector_load %arg5[%get3A_304] {strides = array<i32>} : memref<1376xf32, #tpu.memory_space<vmem>>, vector<16xf32>,
    %neg3A_306 = arith.constant 0.000000e+00 : f32
    %neg3A_307 = vector.broadcast %neg3A_306 : f32 to vector<16xf32>
    %neg3A_308 = arith.subf %neg3A_307, %get3A_305 : vector<16xf32>
    %exp3A_309 = math.exp %neg3A_308 : vector<16xf32>
    %add3A_310 = arith.constant 1.000000e+00 : f32
    %add3A_311 = vector.broadcast %add3A_310 : f32 to vector<16xf32>
    %add3A_312 = arith.addf %add3A_311, %exp3A_309 : vector<16xf32>
    %div3A_313 = arith.constant 1.000000e+00 : f32
    %div3A_314 = vector.broadcast %div3A_313 : f32 to vector<16xf32>
    %div3A_315 = arith.divf %div3A_314, %add3A_312 : vector<16xf32>
    %swap3A_316 = arith.constant 352 : index
    %swap3A_317 = tpu.vector_load %arg6[%swap3A_316] {strides = array<i32>} : memref<1376xf32, #tpu.memory_space<vmem>>, vector<16xf32>,
    tpu.vector_store %arg6[%swap3A_316], %div3A_315 {strides = array<i32>} : memref<1376xf32, #tpu.memory_space<vmem>>, vector<16xf32>,
    %get3A_318 = arith.constant 368 : index
    %get3A_319 = tpu.vector_load %arg5[%get3A_318] {strides = array<i32>} : memref<1376xf32, #tpu.memory_space<vmem>>, vector<16xf32>,
    %neg3A_320 = arith.constant 0.000000e+00 : f32
    %neg3A_321 = vector.broadcast %neg3A_320 : f32 to vector<16xf32>
    %neg3A_322 = arith.subf %neg3A_321, %get3A_319 : vector<16xf32>
    %exp3A_323 = math.exp %neg3A_322 : vector<16xf32>
    %add3A_324 = arith.constant 1.000000e+00 : f32
    %add3A_325 = vector.broadcast %add3A_324 : f32 to vector<16xf32>
    %add3A_326 = arith.addf %add3A_325, %exp3A_323 : vector<16xf32>
    %div3A_327 = arith.constant 1.000000e+00 : f32
    %div3A_328 = vector.broadcast %div3A_327 : f32 to vector<16xf32>
    %div3A_329 = arith.divf %div3A_328, %add3A_326 : vector<16xf32>
    %swap3A_330 = arith.constant 368 : index
    %swap3A_331 = tpu.vector_load %arg6[%swap3A_330] {strides = array<i32>} : memref<1376xf32, #tpu.memory_space<vmem>>, vector<16xf32>,
    tpu.vector_store %arg6[%swap3A_330], %div3A_329 {strides = array<i32>} : memref<1376xf32, #tpu.memory_space<vmem>>, vector<16xf32>,
    %get3A_332 = arith.constant 384 : index
    %get3A_333 = tpu.vector_load %arg5[%get3A_332] {strides = array<i32>} : memref<1376xf32, #tpu.memory_space<vmem>>, vector<16xf32>,
    %neg3A_334 = arith.constant 0.000000e+00 : f32
    %neg3A_335 = vector.broadcast %neg3A_334 : f32 to vector<16xf32>
    %neg3A_336 = arith.subf %neg3A_335, %get3A_333 : vector<16xf32>
    %exp3A_337 = math.exp %neg3A_336 : vector<16xf32>
    %add3A_338 = arith.constant 1.000000e+00 : f32
    %add3A_339 = vector.broadcast %add3A_338 : f32 to vector<16xf32>
    %add3A_340 = arith.addf %add3A_339, %exp3A_337 : vector<16xf32>
    %div3A_341 = arith.constant 1.000000e+00 : f32
    %div3A_342 = vector.broadcast %div3A_341 : f32 to vector<16xf32>
    %div3A_343 = arith.divf %div3A_342, %add3A_340 : vector<16xf32>
    %swap3A_344 = arith.constant 384 : index
    %swap3A_345 = tpu.vector_load %arg6[%swap3A_344] {strides = array<i32>} : memref<1376xf32, #tpu.memory_space<vmem>>, vector<16xf32>,
    tpu.vector_store %arg6[%swap3A_344], %div3A_343 {strides = array<i32>} : memref<1376xf32, #tpu.memory_space<vmem>>, vector<16xf32>,
    %get3A_346 = arith.constant 400 : index
    %get3A_347 = tpu.vector_load %arg5[%get3A_346] {strides = array<i32>} : memref<1376xf32, #tpu.memory_space<vmem>>, vector<16xf32>,
    %neg3A_348 = arith.constant 0.000000e+00 : f32
    %neg3A_349 = vector.broadcast %neg3A_348 : f32 to vector<16xf32>
    %neg3A_350 = arith.subf %neg3A_349, %get3A_347 : vector<16xf32>
    %exp3A_351 = math.exp %neg3A_350 : vector<16xf32>
    %add3A_352 = arith.constant 1.000000e+00 : f32
    %add3A_353 = vector.broadcast %add3A_352 : f32 to vector<16xf32>
    %add3A_354 = arith.addf %add3A_353, %exp3A_351 : vector<16xf32>
    %div3A_355 = arith.constant 1.000000e+00 : f32
    %div3A_356 = vector.broadcast %div3A_355 : f32 to vector<16xf32>
    %div3A_357 = arith.divf %div3A_356, %add3A_354 : vector<16xf32>
    %swap3A_358 = arith.constant 400 : index
    %swap3A_359 = tpu.vector_load %arg6[%swap3A_358] {strides = array<i32>} : memref<1376xf32, #tpu.memory_space<vmem>>, vector<16xf32>,
    tpu.vector_store %arg6[%swap3A_358], %div3A_357 {strides = array<i32>} : memref<1376xf32, #tpu.memory_space<vmem>>, vector<16xf32>,
    %get3A_360 = arith.constant 416 : index
    %get3A_361 = tpu.vector_load %arg5[%get3A_360] {strides = array<i32>} : memref<1376xf32, #tpu.memory_space<vmem>>, vector<16xf32>,
    %neg3A_362 = arith.constant 0.000000e+00 : f32
    %neg3A_363 = vector.broadcast %neg3A_362 : f32 to vector<16xf32>
    %neg3A_364 = arith.subf %neg3A_363, %get3A_361 : vector<16xf32>
    %exp3A_365 = math.exp %neg3A_364 : vector<16xf32>
    %add3A_366 = arith.constant 1.000000e+00 : f32
    %add3A_367 = vector.broadcast %add3A_366 : f32 to vector<16xf32>
    %add3A_368 = arith.addf %add3A_367, %exp3A_365 : vector<16xf32>
    %div3A_369 = arith.constant 1.000000e+00 : f32
    %div3A_370 = vector.broadcast %div3A_369 : f32 to vector<16xf32>
    %div3A_371 = arith.divf %div3A_370, %add3A_368 : vector<16xf32>
    %swap3A_372 = arith.constant 416 : index
    %swap3A_373 = tpu.vector_load %arg6[%swap3A_372] {strides = array<i32>} : memref<1376xf32, #tpu.memory_space<vmem>>, vector<16xf32>,
    tpu.vector_store %arg6[%swap3A_372], %div3A_371 {strides = array<i32>} : memref<1376xf32, #tpu.memory_space<vmem>>, vector<16xf32>,
    %get3A_374 = arith.constant 432 : index
    %get3A_375 = tpu.vector_load %arg5[%get3A_374] {strides = array<i32>} : memref<1376xf32, #tpu.memory_space<vmem>>, vector<16xf32>,
    %neg3A_376 = arith.constant 0.000000e+00 : f32
    %neg3A_377 = vector.broadcast %neg3A_376 : f32 to vector<16xf32>
    %neg3A_378 = arith.subf %neg3A_377, %get3A_375 : vector<16xf32>
    %exp3A_379 = math.exp %neg3A_378 : vector<16xf32>
    %add3A_380 = arith.constant 1.000000e+00 : f32
    %add3A_381 = vector.broadcast %add3A_380 : f32 to vector<16xf32>
    %add3A_382 = arith.addf %add3A_381, %exp3A_379 : vector<16xf32>
    %div3A_383 = arith.constant 1.000000e+00 : f32
    %div3A_384 = vector.broadcast %div3A_383 : f32 to vector<16xf32>
    %div3A_385 = arith.divf %div3A_384, %add3A_382 : vector<16xf32>
    %swap3A_386 = arith.constant 432 : index
    %swap3A_387 = tpu.vector_load %arg6[%swap3A_386] {strides = array<i32>} : memref<1376xf32, #tpu.memory_space<vmem>>, vector<16xf32>,
    tpu.vector_store %arg6[%swap3A_386], %div3A_385 {strides = array<i32>} : memref<1376xf32, #tpu.memory_space<vmem>>, vector<16xf32>,
    %get3A_388 = arith.constant 448 : index
    %get3A_389 = tpu.vector_load %arg5[%get3A_388] {strides = array<i32>} : memref<1376xf32, #tpu.memory_space<vmem>>, vector<16xf32>,
    %neg3A_390 = arith.constant 0.000000e+00 : f32
    %neg3A_391 = vector.broadcast %neg3A_390 : f32 to vector<16xf32>
    %neg3A_392 = arith.subf %neg3A_391, %get3A_389 : vector<16xf32>
    %exp3A_393 = math.exp %neg3A_392 : vector<16xf32>
    %add3A_394 = arith.constant 1.000000e+00 : f32
    %add3A_395 = vector.broadcast %add3A_394 : f32 to vector<16xf32>
    %add3A_396 = arith.addf %add3A_395, %exp3A_393 : vector<16xf32>
    %div3A_397 = arith.constant 1.000000e+00 : f32
    %div3A_398 = vector.broadcast %div3A_397 : f32 to vector<16xf32>
    %div3A_399 = arith.divf %div3A_398, %add3A_396 : vector<16xf32>
    %swap3A_400 = arith.constant 448 : index
    %swap3A_401 = tpu.vector_load %arg6[%swap3A_400] {strides = array<i32>} : memref<1376xf32, #tpu.memory_space<vmem>>, vector<16xf32>,
    tpu.vector_store %arg6[%swap3A_400], %div3A_399 {strides = array<i32>} : memref<1376xf32, #tpu.memory_space<vmem>>, vector<16xf32>,
    %get3A_402 = arith.constant 464 : index
    %get3A_403 = tpu.vector_load %arg5[%get3A_402] {strides = array<i32>} : memref<1376xf32, #tpu.memory_space<vmem>>, vector<16xf32>,
    %neg3A_404 = arith.constant 0.000000e+00 : f32
    %neg3A_405 = vector.broadcast %neg3A_404 : f32 to vector<16xf32>
    %neg3A_406 = arith.subf %neg3A_405, %get3A_403 : vector<16xf32>
    %exp3A_407 = math.exp %neg3A_406 : vector<16xf32>
    %add3A_408 = arith.constant 1.000000e+00 : f32
    %add3A_409 = vector.broadcast %add3A_408 : f32 to vector<16xf32>
    %add3A_410 = arith.addf %add3A_409, %exp3A_407 : vector<16xf32>
    %div3A_411 = arith.constant 1.000000e+00 : f32
    %div3A_412 = vector.broadcast %div3A_411 : f32 to vector<16xf32>
    %div3A_413 = arith.divf %div3A_412, %add3A_410 : vector<16xf32>
    %swap3A_414 = arith.constant 464 : index
    %swap3A_415 = tpu.vector_load %arg6[%swap3A_414] {strides = array<i32>} : memref<1376xf32, #tpu.memory_space<vmem>>, vector<16xf32>,
    tpu.vector_store %arg6[%swap3A_414], %div3A_413 {strides = array<i32>} : memref<1376xf32, #tpu.memory_space<vmem>>, vector<16xf32>,
    %get3A_416 = arith.constant 480 : index
    %get3A_417 = tpu.vector_load %arg5[%get3A_416] {strides = array<i32>} : memref<1376xf32, #tpu.memory_space<vmem>>, vector<16xf32>,
    %neg3A_418 = arith.constant 0.000000e+00 : f32
    %neg3A_419 = vector.broadcast %neg3A_418 : f32 to vector<16xf32>
    %neg3A_420 = arith.subf %neg3A_419, %get3A_417 : vector<16xf32>
    %exp3A_421 = math.exp %neg3A_420 : vector<16xf32>
    %add3A_422 = arith.constant 1.000000e+00 : f32
    %add3A_423 = vector.broadcast %add3A_422 : f32 to vector<16xf32>
    %add3A_424 = arith.addf %add3A_423, %exp3A_421 : vector<16xf32>
    %div3A_425 = arith.constant 1.000000e+00 : f32
    %div3A_426 = vector.broadcast %div3A_425 : f32 to vector<16xf32>
    %div3A_427 = arith.divf %div3A_426, %add3A_424 : vector<16xf32>
    %swap3A_428 = arith.constant 480 : index
    %swap3A_429 = tpu.vector_load %arg6[%swap3A_428] {strides = array<i32>} : memref<1376xf32, #tpu.memory_space<vmem>>, vector<16xf32>,
    tpu.vector_store %arg6[%swap3A_428], %div3A_427 {strides = array<i32>} : memref<1376xf32, #tpu.memory_space<vmem>>, vector<16xf32>,
    %get3A_430 = arith.constant 496 : index
    %get3A_431 = tpu.vector_load %arg5[%get3A_430] {strides = array<i32>} : memref<1376xf32, #tpu.memory_space<vmem>>, vector<16xf32>,
    %neg3A_432 = arith.constant 0.000000e+00 : f32
    %neg3A_433 = vector.broadcast %neg3A_432 : f32 to vector<16xf32>
    %neg3A_434 = arith.subf %neg3A_433, %get3A_431 : vector<16xf32>
    %exp3A_435 = math.exp %neg3A_434 : vector<16xf32>
    %add3A_436 = arith.constant 1.000000e+00 : f32
    %add3A_437 = vector.broadcast %add3A_436 : f32 to vector<16xf32>
    %add3A_438 = arith.addf %add3A_437, %exp3A_435 : vector<16xf32>
    %div3A_439 = arith.constant 1.000000e+00 : f32
    %div3A_440 = vector.broadcast %div3A_439 : f32 to vector<16xf32>
    %div3A_441 = arith.divf %div3A_440, %add3A_438 : vector<16xf32>
    %swap3A_442 = arith.constant 496 : index
    %swap3A_443 = tpu.vector_load %arg6[%swap3A_442] {strides = array<i32>} : memref<1376xf32, #tpu.memory_space<vmem>>, vector<16xf32>,
    tpu.vector_store %arg6[%swap3A_442], %div3A_441 {strides = array<i32>} : memref<1376xf32, #tpu.memory_space<vmem>>, vector<16xf32>,
    %get3A_444 = arith.constant 512 : index
    %get3A_445 = tpu.vector_load %arg5[%get3A_444] {strides = array<i32>} : memref<1376xf32, #tpu.memory_space<vmem>>, vector<16xf32>,
    %neg3A_446 = arith.constant 0.000000e+00 : f32
    %neg3A_447 = vector.broadcast %neg3A_446 : f32 to vector<16xf32>
    %neg3A_448 = arith.subf %neg3A_447, %get3A_445 : vector<16xf32>
    %exp3A_449 = math.exp %neg3A_448 : vector<16xf32>
    %add3A_450 = arith.constant 1.000000e+00 : f32
    %add3A_451 = vector.broadcast %add3A_450 : f32 to vector<16xf32>
    %add3A_452 = arith.addf %add3A_451, %exp3A_449 : vector<16xf32>
    %div3A_453 = arith.constant 1.000000e+00 : f32
    %div3A_454 = vector.broadcast %div3A_453 : f32 to vector<16xf32>
    %div3A_455 = arith.divf %div3A_454, %add3A_452 : vector<16xf32>
    %swap3A_456 = arith.constant 512 : index
    %swap3A_457 = tpu.vector_load %arg6[%swap3A_456] {strides = array<i32>} : memref<1376xf32, #tpu.memory_space<vmem>>, vector<16xf32>,
    tpu.vector_store %arg6[%swap3A_456], %div3A_455 {strides = array<i32>} : memref<1376xf32, #tpu.memory_space<vmem>>, vector<16xf32>,
    %get3A_458 = arith.constant 528 : index
    %get3A_459 = tpu.vector_load %arg5[%get3A_458] {strides = array<i32>} : memref<1376xf32, #tpu.memory_space<vmem>>, vector<16xf32>,
    %neg3A_460 = arith.constant 0.000000e+00 : f32
    %neg3A_461 = vector.broadcast %neg3A_460 : f32 to vector<16xf32>
    %neg3A_462 = arith.subf %neg3A_461, %get3A_459 : vector<16xf32>
    %exp3A_463 = math.exp %neg3A_462 : vector<16xf32>
    %add3A_464 = arith.constant 1.000000e+00 : f32
    %add3A_465 = vector.broadcast %add3A_464 : f32 to vector<16xf32>
    %add3A_466 = arith.addf %add3A_465, %exp3A_463 : vector<16xf32>
    %div3A_467 = arith.constant 1.000000e+00 : f32
    %div3A_468 = vector.broadcast %div3A_467 : f32 to vector<16xf32>
    %div3A_469 = arith.divf %div3A_468, %add3A_466 : vector<16xf32>
    %swap3A_470 = arith.constant 528 : index
    %swap3A_471 = tpu.vector_load %arg6[%swap3A_470] {strides = array<i32>} : memref<1376xf32, #tpu.memory_space<vmem>>, vector<16xf32>,
    tpu.vector_store %arg6[%swap3A_470], %div3A_469 {strides = array<i32>} : memref<1376xf32, #tpu.memory_space<vmem>>, vector<16xf32>,
    %get3A_472 = arith.constant 544 : index
    %get3A_473 = tpu.vector_load %arg5[%get3A_472] {strides = array<i32>} : memref<1376xf32, #tpu.memory_space<vmem>>, vector<16xf32>,
    %neg3A_474 = arith.constant 0.000000e+00 : f32
    %neg3A_475 = vector.broadcast %neg3A_474 : f32 to vector<16xf32>
    %neg3A_476 = arith.subf %neg3A_475, %get3A_473 : vector<16xf32>
    %exp3A_477 = math.exp %neg3A_476 : vector<16xf32>
    %add3A_478 = arith.constant 1.000000e+00 : f32
    %add3A_479 = vector.broadcast %add3A_478 : f32 to vector<16xf32>
    %add3A_480 = arith.addf %add3A_479, %exp3A_477 : vector<16xf32>
    %div3A_481 = arith.constant 1.000000e+00 : f32
    %div3A_482 = vector.broadcast %div3A_481 : f32 to vector<16xf32>
    %div3A_483 = arith.divf %div3A_482, %add3A_480 : vector<16xf32>
    %swap3A_484 = arith.constant 544 : index
    %swap3A_485 = tpu.vector_load %arg6[%swap3A_484] {strides = array<i32>} : memref<1376xf32, #tpu.memory_space<vmem>>, vector<16xf32>,
    tpu.vector_store %arg6[%swap3A_484], %div3A_483 {strides = array<i32>} : memref<1376xf32, #tpu.memory_space<vmem>>, vector<16xf32>,
    %get3A_486 = arith.constant 560 : index
    %get3A_487 = tpu.vector_load %arg5[%get3A_486] {strides = array<i32>} : memref<1376xf32, #tpu.memory_space<vmem>>, vector<16xf32>,
    %neg3A_488 = arith.constant 0.000000e+00 : f32
    %neg3A_489 = vector.broadcast %neg3A_488 : f32 to vector<16xf32>
    %neg3A_490 = arith.subf %neg3A_489, %get3A_487 : vector<16xf32>
    %exp3A_491 = math.exp %neg3A_490 : vector<16xf32>
    %add3A_492 = arith.constant 1.000000e+00 : f32
    %add3A_493 = vector.broadcast %add3A_492 : f32 to vector<16xf32>
    %add3A_494 = arith.addf %add3A_493, %exp3A_491 : vector<16xf32>
    %div3A_495 = arith.constant 1.000000e+00 : f32
    %div3A_496 = vector.broadcast %div3A_495 : f32 to vector<16xf32>
    %div3A_497 = arith.divf %div3A_496, %add3A_494 : vector<16xf32>
    %swap3A_498 = arith.constant 560 : index
    %swap3A_499 = tpu.vector_load %arg6[%swap3A_498] {strides = array<i32>} : memref<1376xf32, #tpu.memory_space<vmem>>, vector<16xf32>,
    tpu.vector_store %arg6[%swap3A_498], %div3A_497 {strides = array<i32>} : memref<1376xf32, #tpu.memory_space<vmem>>, vector<16xf32>,
    %get3A_500 = arith.constant 576 : index
    %get3A_501 = tpu.vector_load %arg5[%get3A_500] {strides = array<i32>} : memref<1376xf32, #tpu.memory_space<vmem>>, vector<16xf32>,
    %neg3A_502 = arith.constant 0.000000e+00 : f32
    %neg3A_503 = vector.broadcast %neg3A_502 : f32 to vector<16xf32>
    %neg3A_504 = arith.subf %neg3A_503, %get3A_501 : vector<16xf32>
    %exp3A_505 = math.exp %neg3A_504 : vector<16xf32>
    %add3A_506 = arith.constant 1.000000e+00 : f32
    %add3A_507 = vector.broadcast %add3A_506 : f32 to vector<16xf32>
    %add3A_508 = arith.addf %add3A_507, %exp3A_505 : vector<16xf32>
    %div3A_509 = arith.constant 1.000000e+00 : f32
    %div3A_510 = vector.broadcast %div3A_509 : f32 to vector<16xf32>
    %div3A_511 = arith.divf %div3A_510, %add3A_508 : vector<16xf32>
    %swap3A_512 = arith.constant 576 : index
    %swap3A_513 = tpu.vector_load %arg6[%swap3A_512] {strides = array<i32>} : memref<1376xf32, #tpu.memory_space<vmem>>, vector<16xf32>,
    tpu.vector_store %arg6[%swap3A_512], %div3A_511 {strides = array<i32>} : memref<1376xf32, #tpu.memory_space<vmem>>, vector<16xf32>,
    %get3A_514 = arith.constant 592 : index
    %get3A_515 = tpu.vector_load %arg5[%get3A_514] {strides = array<i32>} : memref<1376xf32, #tpu.memory_space<vmem>>, vector<16xf32>,
    %neg3A_516 = arith.constant 0.000000e+00 : f32
    %neg3A_517 = vector.broadcast %neg3A_516 : f32 to vector<16xf32>
    %neg3A_518 = arith.subf %neg3A_517, %get3A_515 : vector<16xf32>
    %exp3A_519 = math.exp %neg3A_518 : vector<16xf32>
    %add3A_520 = arith.constant 1.000000e+00 : f32
    %add3A_521 = vector.broadcast %add3A_520 : f32 to vector<16xf32>
    %add3A_522 = arith.addf %add3A_521, %exp3A_519 : vector<16xf32>
    %div3A_523 = arith.constant 1.000000e+00 : f32
    %div3A_524 = vector.broadcast %div3A_523 : f32 to vector<16xf32>
    %div3A_525 = arith.divf %div3A_524, %add3A_522 : vector<16xf32>
    %swap3A_526 = arith.constant 592 : index
    %swap3A_527 = tpu.vector_load %arg6[%swap3A_526] {strides = array<i32>} : memref<1376xf32, #tpu.memory_space<vmem>>, vector<16xf32>,
    tpu.vector_store %arg6[%swap3A_526], %div3A_525 {strides = array<i32>} : memref<1376xf32, #tpu.memory_space<vmem>>, vector<16xf32>,
    %get3A_528 = arith.constant 608 : index
    %get3A_529 = tpu.vector_load %arg5[%get3A_528] {strides = array<i32>} : memref<1376xf32, #tpu.memory_space<vmem>>, vector<16xf32>,
    %neg3A_530 = arith.constant 0.000000e+00 : f32
    %neg3A_531 = vector.broadcast %neg3A_530 : f32 to vector<16xf32>
    %neg3A_532 = arith.subf %neg3A_531, %get3A_529 : vector<16xf32>
    %exp3A_533 = math.exp %neg3A_532 : vector<16xf32>
    %add3A_534 = arith.constant 1.000000e+00 : f32
    %add3A_535 = vector.broadcast %add3A_534 : f32 to vector<16xf32>
    %add3A_536 = arith.addf %add3A_535, %exp3A_533 : vector<16xf32>
    %div3A_537 = arith.constant 1.000000e+00 : f32
    %div3A_538 = vector.broadcast %div3A_537 : f32 to vector<16xf32>
    %div3A_539 = arith.divf %div3A_538, %add3A_536 : vector<16xf32>
    %swap3A_540 = arith.constant 608 : index
    %swap3A_541 = tpu.vector_load %arg6[%swap3A_540] {strides = array<i32>} : memref<1376xf32, #tpu.memory_space<vmem>>, vector<16xf32>,
    tpu.vector_store %arg6[%swap3A_540], %div3A_539 {strides = array<i32>} : memref<1376xf32, #tpu.memory_space<vmem>>, vector<16xf32>,
    %get3A_542 = arith.constant 624 : index
    %get3A_543 = tpu.vector_load %arg5[%get3A_542] {strides = array<i32>} : memref<1376xf32, #tpu.memory_space<vmem>>, vector<16xf32>,
    %neg3A_544 = arith.constant 0.000000e+00 : f32
    %neg3A_545 = vector.broadcast %neg3A_544 : f32 to vector<16xf32>
    %neg3A_546 = arith.subf %neg3A_545, %get3A_543 : vector<16xf32>
    %exp3A_547 = math.exp %neg3A_546 : vector<16xf32>
    %add3A_548 = arith.constant 1.000000e+00 : f32
    %add3A_549 = vector.broadcast %add3A_548 : f32 to vector<16xf32>
    %add3A_550 = arith.addf %add3A_549, %exp3A_547 : vector<16xf32>
    %div3A_551 = arith.constant 1.000000e+00 : f32
    %div3A_552 = vector.broadcast %div3A_551 : f32 to vector<16xf32>
    %div3A_553 = arith.divf %div3A_552, %add3A_550 : vector<16xf32>
    %swap3A_554 = arith.constant 624 : index
    %swap3A_555 = tpu.vector_load %arg6[%swap3A_554] {strides = array<i32>} : memref<1376xf32, #tpu.memory_space<vmem>>, vector<16xf32>,
    tpu.vector_store %arg6[%swap3A_554], %div3A_553 {strides = array<i32>} : memref<1376xf32, #tpu.memory_space<vmem>>, vector<16xf32>,
    %get3A_556 = arith.constant 640 : index
    %get3A_557 = tpu.vector_load %arg5[%get3A_556] {strides = array<i32>} : memref<1376xf32, #tpu.memory_space<vmem>>, vector<16xf32>,
    %neg3A_558 = arith.constant 0.000000e+00 : f32
    %neg3A_559 = vector.broadcast %neg3A_558 : f32 to vector<16xf32>
    %neg3A_560 = arith.subf %neg3A_559, %get3A_557 : vector<16xf32>
    %exp3A_561 = math.exp %neg3A_560 : vector<16xf32>
    %add3A_562 = arith.constant 1.000000e+00 : f32
    %add3A_563 = vector.broadcast %add3A_562 : f32 to vector<16xf32>
    %add3A_564 = arith.addf %add3A_563, %exp3A_561 : vector<16xf32>
    %div3A_565 = arith.constant 1.000000e+00 : f32
    %div3A_566 = vector.broadcast %div3A_565 : f32 to vector<16xf32>
    %div3A_567 = arith.divf %div3A_566, %add3A_564 : vector<16xf32>
    %swap3A_568 = arith.constant 640 : index
    %swap3A_569 = tpu.vector_load %arg6[%swap3A_568] {strides = array<i32>} : memref<1376xf32, #tpu.memory_space<vmem>>, vector<16xf32>,
    tpu.vector_store %arg6[%swap3A_568], %div3A_567 {strides = array<i32>} : memref<1376xf32, #tpu.memory_space<vmem>>, vector<16xf32>,
    %get3A_570 = arith.constant 656 : index
    %get3A_571 = tpu.vector_load %arg5[%get3A_570] {strides = array<i32>} : memref<1376xf32, #tpu.memory_space<vmem>>, vector<16xf32>,
    %neg3A_572 = arith.constant 0.000000e+00 : f32
    %neg3A_573 = vector.broadcast %neg3A_572 : f32 to vector<16xf32>
    %neg3A_574 = arith.subf %neg3A_573, %get3A_571 : vector<16xf32>
    %exp3A_575 = math.exp %neg3A_574 : vector<16xf32>
    %add3A_576 = arith.constant 1.000000e+00 : f32
    %add3A_577 = vector.broadcast %add3A_576 : f32 to vector<16xf32>
    %add3A_578 = arith.addf %add3A_577, %exp3A_575 : vector<16xf32>
    %div3A_579 = arith.constant 1.000000e+00 : f32
    %div3A_580 = vector.broadcast %div3A_579 : f32 to vector<16xf32>
    %div3A_581 = arith.divf %div3A_580, %add3A_578 : vector<16xf32>
    %swap3A_582 = arith.constant 656 : index
    %swap3A_583 = tpu.vector_load %arg6[%swap3A_582] {strides = array<i32>} : memref<1376xf32, #tpu.memory_space<vmem>>, vector<16xf32>,
    tpu.vector_store %arg6[%swap3A_582], %div3A_581 {strides = array<i32>} : memref<1376xf32, #tpu.memory_space<vmem>>, vector<16xf32>,
    %get3A_584 = arith.constant 672 : index
    %get3A_585 = tpu.vector_load %arg5[%get3A_584] {strides = array<i32>} : memref<1376xf32, #tpu.memory_space<vmem>>, vector<16xf32>,
    %neg3A_586 = arith.constant 0.000000e+00 : f32
    %neg3A_587 = vector.broadcast %neg3A_586 : f32 to vector<16xf32>
    %neg3A_588 = arith.subf %neg3A_587, %get3A_585 : vector<16xf32>
    %exp3A_589 = math.exp %neg3A_588 : vector<16xf32>
    %add3A_590 = arith.constant 1.000000e+00 : f32
    %add3A_591 = vector.broadcast %add3A_590 : f32 to vector<16xf32>
    %add3A_592 = arith.addf %add3A_591, %exp3A_589 : vector<16xf32>
    %div3A_593 = arith.constant 1.000000e+00 : f32
    %div3A_594 = vector.broadcast %div3A_593 : f32 to vector<16xf32>
    %div3A_595 = arith.divf %div3A_594, %add3A_592 : vector<16xf32>
    %swap3A_596 = arith.constant 672 : index
    %swap3A_597 = tpu.vector_load %arg6[%swap3A_596] {strides = array<i32>} : memref<1376xf32, #tpu.memory_space<vmem>>, vector<16xf32>,
    tpu.vector_store %arg6[%swap3A_596], %div3A_595 {strides = array<i32>} : memref<1376xf32, #tpu.memory_space<vmem>>, vector<16xf32>,
    %get3A_598 = arith.constant 688 : index
    %get3A_599 = tpu.vector_load %arg5[%get3A_598] {strides = array<i32>} : memref<1376xf32, #tpu.memory_space<vmem>>, vector<16xf32>,
    %neg3A_600 = arith.constant 0.000000e+00 : f32
    %neg3A_601 = vector.broadcast %neg3A_600 : f32 to vector<16xf32>
    %neg3A_602 = arith.subf %neg3A_601, %get3A_599 : vector<16xf32>
    %exp3A_603 = math.exp %neg3A_602 : vector<16xf32>
    %add3A_604 = arith.constant 1.000000e+00 : f32
    %add3A_605 = vector.broadcast %add3A_604 : f32 to vector<16xf32>
    %add3A_606 = arith.addf %add3A_605, %exp3A_603 : vector<16xf32>
    %div3A_607 = arith.constant 1.000000e+00 : f32
    %div3A_608 = vector.broadcast %div3A_607 : f32 to vector<16xf32>
    %div3A_609 = arith.divf %div3A_608, %add3A_606 : vector<16xf32>
    %swap3A_610 = arith.constant 688 : index
    %swap3A_611 = tpu.vector_load %arg6[%swap3A_610] {strides = array<i32>} : memref<1376xf32, #tpu.memory_space<vmem>>, vector<16xf32>,
    tpu.vector_store %arg6[%swap3A_610], %div3A_609 {strides = array<i32>} : memref<1376xf32, #tpu.memory_space<vmem>>, vector<16xf32>,
    %get3A_612 = arith.constant 704 : index
    %get3A_613 = tpu.vector_load %arg5[%get3A_612] {strides = array<i32>} : memref<1376xf32, #tpu.memory_space<vmem>>, vector<16xf32>,
    %neg3A_614 = arith.constant 0.000000e+00 : f32
    %neg3A_615 = vector.broadcast %neg3A_614 : f32 to vector<16xf32>
    %neg3A_616 = arith.subf %neg3A_615, %get3A_613 : vector<16xf32>
    %exp3A_617 = math.exp %neg3A_616 : vector<16xf32>
    %add3A_618 = arith.constant 1.000000e+00 : f32
    %add3A_619 = vector.broadcast %add3A_618 : f32 to vector<16xf32>
    %add3A_620 = arith.addf %add3A_619, %exp3A_617 : vector<16xf32>
    %div3A_621 = arith.constant 1.000000e+00 : f32
    %div3A_622 = vector.broadcast %div3A_621 : f32 to vector<16xf32>
    %div3A_623 = arith.divf %div3A_622, %add3A_620 : vector<16xf32>
    %swap3A_624 = arith.constant 704 : index
    %swap3A_625 = tpu.vector_load %arg6[%swap3A_624] {strides = array<i32>} : memref<1376xf32, #tpu.memory_space<vmem>>, vector<16xf32>,
    tpu.vector_store %arg6[%swap3A_624], %div3A_623 {strides = array<i32>} : memref<1376xf32, #tpu.memory_space<vmem>>, vector<16xf32>,
    %get3A_626 = arith.constant 720 : index
    %get3A_627 = tpu.vector_load %arg5[%get3A_626] {strides = array<i32>} : memref<1376xf32, #tpu.memory_space<vmem>>, vector<16xf32>,
    %neg3A_628 = arith.constant 0.000000e+00 : f32
    %neg3A_629 = vector.broadcast %neg3A_628 : f32 to vector<16xf32>
    %neg3A_630 = arith.subf %neg3A_629, %get3A_627 : vector<16xf32>
    %exp3A_631 = math.exp %neg3A_630 : vector<16xf32>
    %add3A_632 = arith.constant 1.000000e+00 : f32
    %add3A_633 = vector.broadcast %add3A_632 : f32 to vector<16xf32>
    %add3A_634 = arith.addf %add3A_633, %exp3A_631 : vector<16xf32>
    %div3A_635 = arith.constant 1.000000e+00 : f32
    %div3A_636 = vector.broadcast %div3A_635 : f32 to vector<16xf32>
    %div3A_637 = arith.divf %div3A_636, %add3A_634 : vector<16xf32>
    %swap3A_638 = arith.constant 720 : index
    %swap3A_639 = tpu.vector_load %arg6[%swap3A_638] {strides = array<i32>} : memref<1376xf32, #tpu.memory_space<vmem>>, vector<16xf32>,
    tpu.vector_store %arg6[%swap3A_638], %div3A_637 {strides = array<i32>} : memref<1376xf32, #tpu.memory_space<vmem>>, vector<16xf32>,
    %get3A_640 = arith.constant 736 : index
    %get3A_641 = tpu.vector_load %arg5[%get3A_640] {strides = array<i32>} : memref<1376xf32, #tpu.memory_space<vmem>>, vector<16xf32>,
    %neg3A_642 = arith.constant 0.000000e+00 : f32
    %neg3A_643 = vector.broadcast %neg3A_642 : f32 to vector<16xf32>
    %neg3A_644 = arith.subf %neg3A_643, %get3A_641 : vector<16xf32>
    %exp3A_645 = math.exp %neg3A_644 : vector<16xf32>
    %add3A_646 = arith.constant 1.000000e+00 : f32
    %add3A_647 = vector.broadcast %add3A_646 : f32 to vector<16xf32>
    %add3A_648 = arith.addf %add3A_647, %exp3A_645 : vector<16xf32>
    %div3A_649 = arith.constant 1.000000e+00 : f32
    %div3A_650 = vector.broadcast %div3A_649 : f32 to vector<16xf32>
    %div3A_651 = arith.divf %div3A_650, %add3A_648 : vector<16xf32>
    %swap3A_652 = arith.constant 736 : index
    %swap3A_653 = tpu.vector_load %arg6[%swap3A_652] {strides = array<i32>} : memref<1376xf32, #tpu.memory_space<vmem>>, vector<16xf32>,
    tpu.vector_store %arg6[%swap3A_652], %div3A_651 {strides = array<i32>} : memref<1376xf32, #tpu.memory_space<vmem>>, vector<16xf32>,
    %get3A_654 = arith.constant 752 : index
    %get3A_655 = tpu.vector_load %arg5[%get3A_654] {strides = array<i32>} : memref<1376xf32, #tpu.memory_space<vmem>>, vector<16xf32>,
    %neg3A_656 = arith.constant 0.000000e+00 : f32
    %neg3A_657 = vector.broadcast %neg3A_656 : f32 to vector<16xf32>
    %neg3A_658 = arith.subf %neg3A_657, %get3A_655 : vector<16xf32>
    %exp3A_659 = math.exp %neg3A_658 : vector<16xf32>
    %add3A_660 = arith.constant 1.000000e+00 : f32
    %add3A_661 = vector.broadcast %add3A_660 : f32 to vector<16xf32>
    %add3A_662 = arith.addf %add3A_661, %exp3A_659 : vector<16xf32>
    %div3A_663 = arith.constant 1.000000e+00 : f32
    %div3A_664 = vector.broadcast %div3A_663 : f32 to vector<16xf32>
    %div3A_665 = arith.divf %div3A_664, %add3A_662 : vector<16xf32>
    %swap3A_666 = arith.constant 752 : index
    %swap3A_667 = tpu.vector_load %arg6[%swap3A_666] {strides = array<i32>} : memref<1376xf32, #tpu.memory_space<vmem>>, vector<16xf32>,
    tpu.vector_store %arg6[%swap3A_666], %div3A_665 {strides = array<i32>} : memref<1376xf32, #tpu.memory_space<vmem>>, vector<16xf32>,
    %get3A_668 = arith.constant 768 : index
    %get3A_669 = tpu.vector_load %arg5[%get3A_668] {strides = array<i32>} : memref<1376xf32, #tpu.memory_space<vmem>>, vector<16xf32>,
    %neg3A_670 = arith.constant 0.000000e+00 : f32
    %neg3A_671 = vector.broadcast %neg3A_670 : f32 to vector<16xf32>
    %neg3A_672 = arith.subf %neg3A_671, %get3A_669 : vector<16xf32>
    %exp3A_673 = math.exp %neg3A_672 : vector<16xf32>
    %add3A_674 = arith.constant 1.000000e+00 : f32
    %add3A_675 = vector.broadcast %add3A_674 : f32 to vector<16xf32>
    %add3A_676 = arith.addf %add3A_675, %exp3A_673 : vector<16xf32>
    %div3A_677 = arith.constant 1.000000e+00 : f32
    %div3A_678 = vector.broadcast %div3A_677 : f32 to vector<16xf32>
    %div3A_679 = arith.divf %div3A_678, %add3A_676 : vector<16xf32>
    %swap3A_680 = arith.constant 768 : index
    %swap3A_681 = tpu.vector_load %arg6[%swap3A_680] {strides = array<i32>} : memref<1376xf32, #tpu.memory_space<vmem>>, vector<16xf32>,
    tpu.vector_store %arg6[%swap3A_680], %div3A_679 {strides = array<i32>} : memref<1376xf32, #tpu.memory_space<vmem>>, vector<16xf32>,
    %get3A_682 = arith.constant 784 : index
    %get3A_683 = tpu.vector_load %arg5[%get3A_682] {strides = array<i32>} : memref<1376xf32, #tpu.memory_space<vmem>>, vector<16xf32>,
    %neg3A_684 = arith.constant 0.000000e+00 : f32
    %neg3A_685 = vector.broadcast %neg3A_684 : f32 to vector<16xf32>
    %neg3A_686 = arith.subf %neg3A_685, %get3A_683 : vector<16xf32>
    %exp3A_687 = math.exp %neg3A_686 : vector<16xf32>
    %add3A_688 = arith.constant 1.000000e+00 : f32
    %add3A_689 = vector.broadcast %add3A_688 : f32 to vector<16xf32>
    %add3A_690 = arith.addf %add3A_689, %exp3A_687 : vector<16xf32>
    %div3A_691 = arith.constant 1.000000e+00 : f32
    %div3A_692 = vector.broadcast %div3A_691 : f32 to vector<16xf32>
    %div3A_693 = arith.divf %div3A_692, %add3A_690 : vector<16xf32>
    %swap3A_694 = arith.constant 784 : index
    %swap3A_695 = tpu.vector_load %arg6[%swap3A_694] {strides = array<i32>} : memref<1376xf32, #tpu.memory_space<vmem>>, vector<16xf32>,
    tpu.vector_store %arg6[%swap3A_694], %div3A_693 {strides = array<i32>} : memref<1376xf32, #tpu.memory_space<vmem>>, vector<16xf32>,
    %get3A_696 = arith.constant 800 : index
    %get3A_697 = tpu.vector_load %arg5[%get3A_696] {strides = array<i32>} : memref<1376xf32, #tpu.memory_space<vmem>>, vector<16xf32>,
    %neg3A_698 = arith.constant 0.000000e+00 : f32
    %neg3A_699 = vector.broadcast %neg3A_698 : f32 to vector<16xf32>
    %neg3A_700 = arith.subf %neg3A_699, %get3A_697 : vector<16xf32>
    %exp3A_701 = math.exp %neg3A_700 : vector<16xf32>
    %add3A_702 = arith.constant 1.000000e+00 : f32
    %add3A_703 = vector.broadcast %add3A_702 : f32 to vector<16xf32>
    %add3A_704 = arith.addf %add3A_703, %exp3A_701 : vector<16xf32>
    %div3A_705 = arith.constant 1.000000e+00 : f32
    %div3A_706 = vector.broadcast %div3A_705 : f32 to vector<16xf32>
    %div3A_707 = arith.divf %div3A_706, %add3A_704 : vector<16xf32>
    %swap3A_708 = arith.constant 800 : index
    %swap3A_709 = tpu.vector_load %arg6[%swap3A_708] {strides = array<i32>} : memref<1376xf32, #tpu.memory_space<vmem>>, vector<16xf32>,
    tpu.vector_store %arg6[%swap3A_708], %div3A_707 {strides = array<i32>} : memref<1376xf32, #tpu.memory_space<vmem>>, vector<16xf32>,
    %get3A_710 = arith.constant 816 : index
    %get3A_711 = tpu.vector_load %arg5[%get3A_710] {strides = array<i32>} : memref<1376xf32, #tpu.memory_space<vmem>>, vector<16xf32>,
    %neg3A_712 = arith.constant 0.000000e+00 : f32
    %neg3A_713 = vector.broadcast %neg3A_712 : f32 to vector<16xf32>
    %neg3A_714 = arith.subf %neg3A_713, %get3A_711 : vector<16xf32>
    %exp3A_715 = math.exp %neg3A_714 : vector<16xf32>
    %add3A_716 = arith.constant 1.000000e+00 : f32
    %add3A_717 = vector.broadcast %add3A_716 : f32 to vector<16xf32>
    %add3A_718 = arith.addf %add3A_717, %exp3A_715 : vector<16xf32>
    %div3A_719 = arith.constant 1.000000e+00 : f32
    %div3A_720 = vector.broadcast %div3A_719 : f32 to vector<16xf32>
    %div3A_721 = arith.divf %div3A_720, %add3A_718 : vector<16xf32>
    %swap3A_722 = arith.constant 816 : index
    %swap3A_723 = tpu.vector_load %arg6[%swap3A_722] {strides = array<i32>} : memref<1376xf32, #tpu.memory_space<vmem>>, vector<16xf32>,
    tpu.vector_store %arg6[%swap3A_722], %div3A_721 {strides = array<i32>} : memref<1376xf32, #tpu.memory_space<vmem>>, vector<16xf32>,
    %get3A_724 = arith.constant 832 : index
    %get3A_725 = tpu.vector_load %arg5[%get3A_724] {strides = array<i32>} : memref<1376xf32, #tpu.memory_space<vmem>>, vector<16xf32>,
    %neg3A_726 = arith.constant 0.000000e+00 : f32
    %neg3A_727 = vector.broadcast %neg3A_726 : f32 to vector<16xf32>
    %neg3A_728 = arith.subf %neg3A_727, %get3A_725 : vector<16xf32>
    %exp3A_729 = math.exp %neg3A_728 : vector<16xf32>
    %add3A_730 = arith.constant 1.000000e+00 : f32
    %add3A_731 = vector.broadcast %add3A_730 : f32 to vector<16xf32>
    %add3A_732 = arith.addf %add3A_731, %exp3A_729 : vector<16xf32>
    %div3A_733 = arith.constant 1.000000e+00 : f32
    %div3A_734 = vector.broadcast %div3A_733 : f32 to vector<16xf32>
    %div3A_735 = arith.divf %div3A_734, %add3A_732 : vector<16xf32>
    %swap3A_736 = arith.constant 832 : index
    %swap3A_737 = tpu.vector_load %arg6[%swap3A_736] {strides = array<i32>} : memref<1376xf32, #tpu.memory_space<vmem>>, vector<16xf32>,
    tpu.vector_store %arg6[%swap3A_736], %div3A_735 {strides = array<i32>} : memref<1376xf32, #tpu.memory_space<vmem>>, vector<16xf32>,
    %get3A_738 = arith.constant 848 : index
    %get3A_739 = tpu.vector_load %arg5[%get3A_738] {strides = array<i32>} : memref<1376xf32, #tpu.memory_space<vmem>>, vector<16xf32>,
    %neg3A_740 = arith.constant 0.000000e+00 : f32
    %neg3A_741 = vector.broadcast %neg3A_740 : f32 to vector<16xf32>
    %neg3A_742 = arith.subf %neg3A_741, %get3A_739 : vector<16xf32>
    %exp3A_743 = math.exp %neg3A_742 : vector<16xf32>
    %add3A_744 = arith.constant 1.000000e+00 : f32
    %add3A_745 = vector.broadcast %add3A_744 : f32 to vector<16xf32>
    %add3A_746 = arith.addf %add3A_745, %exp3A_743 : vector<16xf32>
    %div3A_747 = arith.constant 1.000000e+00 : f32
    %div3A_748 = vector.broadcast %div3A_747 : f32 to vector<16xf32>
    %div3A_749 = arith.divf %div3A_748, %add3A_746 : vector<16xf32>
    %swap3A_750 = arith.constant 848 : index
    %swap3A_751 = tpu.vector_load %arg6[%swap3A_750] {strides = array<i32>} : memref<1376xf32, #tpu.memory_space<vmem>>, vector<16xf32>,
    tpu.vector_store %arg6[%swap3A_750], %div3A_749 {strides = array<i32>} : memref<1376xf32, #tpu.memory_space<vmem>>, vector<16xf32>,
    %get3A_752 = arith.constant 864 : index
    %get3A_753 = tpu.vector_load %arg5[%get3A_752] {strides = array<i32>} : memref<1376xf32, #tpu.memory_space<vmem>>, vector<16xf32>,
    %neg3A_754 = arith.constant 0.000000e+00 : f32
    %neg3A_755 = vector.broadcast %neg3A_754 : f32 to vector<16xf32>
    %neg3A_756 = arith.subf %neg3A_755, %get3A_753 : vector<16xf32>
    %exp3A_757 = math.exp %neg3A_756 : vector<16xf32>
    %add3A_758 = arith.constant 1.000000e+00 : f32
    %add3A_759 = vector.broadcast %add3A_758 : f32 to vector<16xf32>
    %add3A_760 = arith.addf %add3A_759, %exp3A_757 : vector<16xf32>
    %div3A_761 = arith.constant 1.000000e+00 : f32
    %div3A_762 = vector.broadcast %div3A_761 : f32 to vector<16xf32>
    %div3A_763 = arith.divf %div3A_762, %add3A_760 : vector<16xf32>
    %swap3A_764 = arith.constant 864 : index
    %swap3A_765 = tpu.vector_load %arg6[%swap3A_764] {strides = array<i32>} : memref<1376xf32, #tpu.memory_space<vmem>>, vector<16xf32>,
    tpu.vector_store %arg6[%swap3A_764], %div3A_763 {strides = array<i32>} : memref<1376xf32, #tpu.memory_space<vmem>>, vector<16xf32>,
    %get3A_766 = arith.constant 880 : index
    %get3A_767 = tpu.vector_load %arg5[%get3A_766] {strides = array<i32>} : memref<1376xf32, #tpu.memory_space<vmem>>, vector<16xf32>,
    %neg3A_768 = arith.constant 0.000000e+00 : f32
    %neg3A_769 = vector.broadcast %neg3A_768 : f32 to vector<16xf32>
    %neg3A_770 = arith.subf %neg3A_769, %get3A_767 : vector<16xf32>
    %exp3A_771 = math.exp %neg3A_770 : vector<16xf32>
    %add3A_772 = arith.constant 1.000000e+00 : f32
    %add3A_773 = vector.broadcast %add3A_772 : f32 to vector<16xf32>
    %add3A_774 = arith.addf %add3A_773, %exp3A_771 : vector<16xf32>
    %div3A_775 = arith.constant 1.000000e+00 : f32
    %div3A_776 = vector.broadcast %div3A_775 : f32 to vector<16xf32>
    %div3A_777 = arith.divf %div3A_776, %add3A_774 : vector<16xf32>
    %swap3A_778 = arith.constant 880 : index
    %swap3A_779 = tpu.vector_load %arg6[%swap3A_778] {strides = array<i32>} : memref<1376xf32, #tpu.memory_space<vmem>>, vector<16xf32>,
    tpu.vector_store %arg6[%swap3A_778], %div3A_777 {strides = array<i32>} : memref<1376xf32, #tpu.memory_space<vmem>>, vector<16xf32>,
    %get3A_780 = arith.constant 896 : index
    %get3A_781 = tpu.vector_load %arg5[%get3A_780] {strides = array<i32>} : memref<1376xf32, #tpu.memory_space<vmem>>, vector<16xf32>,
    %neg3A_782 = arith.constant 0.000000e+00 : f32
    %neg3A_783 = vector.broadcast %neg3A_782 : f32 to vector<16xf32>
    %neg3A_784 = arith.subf %neg3A_783, %get3A_781 : vector<16xf32>
    %exp3A_785 = math.exp %neg3A_784 : vector<16xf32>
    %add3A_786 = arith.constant 1.000000e+00 : f32
    %add3A_787 = vector.broadcast %add3A_786 : f32 to vector<16xf32>
    %add3A_788 = arith.addf %add3A_787, %exp3A_785 : vector<16xf32>
    %div3A_789 = arith.constant 1.000000e+00 : f32
    %div3A_790 = vector.broadcast %div3A_789 : f32 to vector<16xf32>
    %div3A_791 = arith.divf %div3A_790, %add3A_788 : vector<16xf32>
    %swap3A_792 = arith.constant 896 : index
    %swap3A_793 = tpu.vector_load %arg6[%swap3A_792] {strides = array<i32>} : memref<1376xf32, #tpu.memory_space<vmem>>, vector<16xf32>,
    tpu.vector_store %arg6[%swap3A_792], %div3A_791 {strides = array<i32>} : memref<1376xf32, #tpu.memory_space<vmem>>, vector<16xf32>,
    %get3A_794 = arith.constant 912 : index
    %get3A_795 = tpu.vector_load %arg5[%get3A_794] {strides = array<i32>} : memref<1376xf32, #tpu.memory_space<vmem>>, vector<16xf32>,
    %neg3A_796 = arith.constant 0.000000e+00 : f32
    %neg3A_797 = vector.broadcast %neg3A_796 : f32 to vector<16xf32>
    %neg3A_798 = arith.subf %neg3A_797, %get3A_795 : vector<16xf32>
    %exp3A_799 = math.exp %neg3A_798 : vector<16xf32>
    %add3A_800 = arith.constant 1.000000e+00 : f32
    %add3A_801 = vector.broadcast %add3A_800 : f32 to vector<16xf32>
    %add3A_802 = arith.addf %add3A_801, %exp3A_799 : vector<16xf32>
    %div3A_803 = arith.constant 1.000000e+00 : f32
    %div3A_804 = vector.broadcast %div3A_803 : f32 to vector<16xf32>
    %div3A_805 = arith.divf %div3A_804, %add3A_802 : vector<16xf32>
    %swap3A_806 = arith.constant 912 : index
    %swap3A_807 = tpu.vector_load %arg6[%swap3A_806] {strides = array<i32>} : memref<1376xf32, #tpu.memory_space<vmem>>, vector<16xf32>,
    tpu.vector_store %arg6[%swap3A_806], %div3A_805 {strides = array<i32>} : memref<1376xf32, #tpu.memory_space<vmem>>, vector<16xf32>,
    %get3A_808 = arith.constant 928 : index
    %get3A_809 = tpu.vector_load %arg5[%get3A_808] {strides = array<i32>} : memref<1376xf32, #tpu.memory_space<vmem>>, vector<16xf32>,
    %neg3A_810 = arith.constant 0.000000e+00 : f32
    %neg3A_811 = vector.broadcast %neg3A_810 : f32 to vector<16xf32>
    %neg3A_812 = arith.subf %neg3A_811, %get3A_809 : vector<16xf32>
    %exp3A_813 = math.exp %neg3A_812 : vector<16xf32>
    %add3A_814 = arith.constant 1.000000e+00 : f32
    %add3A_815 = vector.broadcast %add3A_814 : f32 to vector<16xf32>
    %add3A_816 = arith.addf %add3A_815, %exp3A_813 : vector<16xf32>
    %div3A_817 = arith.constant 1.000000e+00 : f32
    %div3A_818 = vector.broadcast %div3A_817 : f32 to vector<16xf32>
    %div3A_819 = arith.divf %div3A_818, %add3A_816 : vector<16xf32>
    %swap3A_820 = arith.constant 928 : index
    %swap3A_821 = tpu.vector_load %arg6[%swap3A_820] {strides = array<i32>} : memref<1376xf32, #tpu.memory_space<vmem>>, vector<16xf32>,
    tpu.vector_store %arg6[%swap3A_820], %div3A_819 {strides = array<i32>} : memref<1376xf32, #tpu.memory_space<vmem>>, vector<16xf32>,
    %get3A_822 = arith.constant 944 : index
    %get3A_823 = tpu.vector_load %arg5[%get3A_822] {strides = array<i32>} : memref<1376xf32, #tpu.memory_space<vmem>>, vector<16xf32>,
    %neg3A_824 = arith.constant 0.000000e+00 : f32
    %neg3A_825 = vector.broadcast %neg3A_824 : f32 to vector<16xf32>
    %neg3A_826 = arith.subf %neg3A_825, %get3A_823 : vector<16xf32>
    %exp3A_827 = math.exp %neg3A_826 : vector<16xf32>
    %add3A_828 = arith.constant 1.000000e+00 : f32
    %add3A_829 = vector.broadcast %add3A_828 : f32 to vector<16xf32>
    %add3A_830 = arith.addf %add3A_829, %exp3A_827 : vector<16xf32>
    %div3A_831 = arith.constant 1.000000e+00 : f32
    %div3A_832 = vector.broadcast %div3A_831 : f32 to vector<16xf32>
    %div3A_833 = arith.divf %div3A_832, %add3A_830 : vector<16xf32>
    %swap3A_834 = arith.constant 944 : index
    %swap3A_835 = tpu.vector_load %arg6[%swap3A_834] {strides = array<i32>} : memref<1376xf32, #tpu.memory_space<vmem>>, vector<16xf32>,
    tpu.vector_store %arg6[%swap3A_834], %div3A_833 {strides = array<i32>} : memref<1376xf32, #tpu.memory_space<vmem>>, vector<16xf32>,
    %get3A_836 = arith.constant 960 : index
    %get3A_837 = tpu.vector_load %arg5[%get3A_836] {strides = array<i32>} : memref<1376xf32, #tpu.memory_space<vmem>>, vector<16xf32>,
    %neg3A_838 = arith.constant 0.000000e+00 : f32
    %neg3A_839 = vector.broadcast %neg3A_838 : f32 to vector<16xf32>
    %neg3A_840 = arith.subf %neg3A_839, %get3A_837 : vector<16xf32>
    %exp3A_841 = math.exp %neg3A_840 : vector<16xf32>
    %add3A_842 = arith.constant 1.000000e+00 : f32
    %add3A_843 = vector.broadcast %add3A_842 : f32 to vector<16xf32>
    %add3A_844 = arith.addf %add3A_843, %exp3A_841 : vector<16xf32>
    %div3A_845 = arith.constant 1.000000e+00 : f32
    %div3A_846 = vector.broadcast %div3A_845 : f32 to vector<16xf32>
    %div3A_847 = arith.divf %div3A_846, %add3A_844 : vector<16xf32>
    %swap3A_848 = arith.constant 960 : index
    %swap3A_849 = tpu.vector_load %arg6[%swap3A_848] {strides = array<i32>} : memref<1376xf32, #tpu.memory_space<vmem>>, vector<16xf32>,
    tpu.vector_store %arg6[%swap3A_848], %div3A_847 {strides = array<i32>} : memref<1376xf32, #tpu.memory_space<vmem>>, vector<16xf32>,
    %get3A_850 = arith.constant 976 : index
    %get3A_851 = tpu.vector_load %arg5[%get3A_850] {strides = array<i32>} : memref<1376xf32, #tpu.memory_space<vmem>>, vector<16xf32>,
    %neg3A_852 = arith.constant 0.000000e+00 : f32
    %neg3A_853 = vector.broadcast %neg3A_852 : f32 to vector<16xf32>
    %neg3A_854 = arith.subf %neg3A_853, %get3A_851 : vector<16xf32>
    %exp3A_855 = math.exp %neg3A_854 : vector<16xf32>
    %add3A_856 = arith.constant 1.000000e+00 : f32
    %add3A_857 = vector.broadcast %add3A_856 : f32 to vector<16xf32>
    %add3A_858 = arith.addf %add3A_857, %exp3A_855 : vector<16xf32>
    %div3A_859 = arith.constant 1.000000e+00 : f32
    %div3A_860 = vector.broadcast %div3A_859 : f32 to vector<16xf32>
    %div3A_861 = arith.divf %div3A_860, %add3A_858 : vector<16xf32>
    %swap3A_862 = arith.constant 976 : index
    %swap3A_863 = tpu.vector_load %arg6[%swap3A_862] {strides = array<i32>} : memref<1376xf32, #tpu.memory_space<vmem>>, vector<16xf32>,
    tpu.vector_store %arg6[%swap3A_862], %div3A_861 {strides = array<i32>} : memref<1376xf32, #tpu.memory_space<vmem>>, vector<16xf32>,
    %get3A_864 = arith.constant 992 : index
    %get3A_865 = tpu.vector_load %arg5[%get3A_864] {strides = array<i32>} : memref<1376xf32, #tpu.memory_space<vmem>>, vector<16xf32>,
    %neg3A_866 = arith.constant 0.000000e+00 : f32
    %neg3A_867 = vector.broadcast %neg3A_866 : f32 to vector<16xf32>
    %neg3A_868 = arith.subf %neg3A_867, %get3A_865 : vector<16xf32>
    %exp3A_869 = math.exp %neg3A_868 : vector<16xf32>
    %add3A_870 = arith.constant 1.000000e+00 : f32
    %add3A_871 = vector.broadcast %add3A_870 : f32 to vector<16xf32>
    %add3A_872 = arith.addf %add3A_871, %exp3A_869 : vector<16xf32>
    %div3A_873 = arith.constant 1.000000e+00 : f32
    %div3A_874 = vector.broadcast %div3A_873 : f32 to vector<16xf32>
    %div3A_875 = arith.divf %div3A_874, %add3A_872 : vector<16xf32>
    %swap3A_876 = arith.constant 992 : index
    %swap3A_877 = tpu.vector_load %arg6[%swap3A_876] {strides = array<i32>} : memref<1376xf32, #tpu.memory_space<vmem>>, vector<16xf32>,
    tpu.vector_store %arg6[%swap3A_876], %div3A_875 {strides = array<i32>} : memref<1376xf32, #tpu.memory_space<vmem>>, vector<16xf32>,
    %get3A_878 = arith.constant 1008 : index
    %get3A_879 = tpu.vector_load %arg5[%get3A_878] {strides = array<i32>} : memref<1376xf32, #tpu.memory_space<vmem>>, vector<16xf32>,
    %neg3A_880 = arith.constant 0.000000e+00 : f32
    %neg3A_881 = vector.broadcast %neg3A_880 : f32 to vector<16xf32>
    %neg3A_882 = arith.subf %neg3A_881, %get3A_879 : vector<16xf32>
    %exp3A_883 = math.exp %neg3A_882 : vector<16xf32>
    %add3A_884 = arith.constant 1.000000e+00 : f32
    %add3A_885 = vector.broadcast %add3A_884 : f32 to vector<16xf32>
    %add3A_886 = arith.addf %add3A_885, %exp3A_883 : vector<16xf32>
    %div3A_887 = arith.constant 1.000000e+00 : f32
    %div3A_888 = vector.broadcast %div3A_887 : f32 to vector<16xf32>
    %div3A_889 = arith.divf %div3A_888, %add3A_886 : vector<16xf32>
    %swap3A_890 = arith.constant 1008 : index
    %swap3A_891 = tpu.vector_load %arg6[%swap3A_890] {strides = array<i32>} : memref<1376xf32, #tpu.memory_space<vmem>>, vector<16xf32>,
    tpu.vector_store %arg6[%swap3A_890], %div3A_889 {strides = array<i32>} : memref<1376xf32, #tpu.memory_space<vmem>>, vector<16xf32>,
    %get3A_892 = arith.constant 1024 : index
    %get3A_893 = tpu.vector_load %arg5[%get3A_892] {strides = array<i32>} : memref<1376xf32, #tpu.memory_space<vmem>>, vector<16xf32>,
    %neg3A_894 = arith.constant 0.000000e+00 : f32
    %neg3A_895 = vector.broadcast %neg3A_894 : f32 to vector<16xf32>
    %neg3A_896 = arith.subf %neg3A_895, %get3A_893 : vector<16xf32>
    %exp3A_897 = math.exp %neg3A_896 : vector<16xf32>
    %add3A_898 = arith.constant 1.000000e+00 : f32
    %add3A_899 = vector.broadcast %add3A_898 : f32 to vector<16xf32>
    %add3A_900 = arith.addf %add3A_899, %exp3A_897 : vector<16xf32>
    %div3A_901 = arith.constant 1.000000e+00 : f32
    %div3A_902 = vector.broadcast %div3A_901 : f32 to vector<16xf32>
    %div3A_903 = arith.divf %div3A_902, %add3A_900 : vector<16xf32>
    %swap3A_904 = arith.constant 1024 : index
    %swap3A_905 = tpu.vector_load %arg6[%swap3A_904] {strides = array<i32>} : memref<1376xf32, #tpu.memory_space<vmem>>, vector<16xf32>,
    tpu.vector_store %arg6[%swap3A_904], %div3A_903 {strides = array<i32>} : memref<1376xf32, #tpu.memory_space<vmem>>, vector<16xf32>,
    %get3A_906 = arith.constant 1040 : index
    %get3A_907 = tpu.vector_load %arg5[%get3A_906] {strides = array<i32>} : memref<1376xf32, #tpu.memory_space<vmem>>, vector<16xf32>,
    %neg3A_908 = arith.constant 0.000000e+00 : f32
    %neg3A_909 = vector.broadcast %neg3A_908 : f32 to vector<16xf32>
    %neg3A_910 = arith.subf %neg3A_909, %get3A_907 : vector<16xf32>
    %exp3A_911 = math.exp %neg3A_910 : vector<16xf32>
    %add3A_912 = arith.constant 1.000000e+00 : f32
    %add3A_913 = vector.broadcast %add3A_912 : f32 to vector<16xf32>
    %add3A_914 = arith.addf %add3A_913, %exp3A_911 : vector<16xf32>
    %div3A_915 = arith.constant 1.000000e+00 : f32
    %div3A_916 = vector.broadcast %div3A_915 : f32 to vector<16xf32>
    %div3A_917 = arith.divf %div3A_916, %add3A_914 : vector<16xf32>
    %swap3A_918 = arith.constant 1040 : index
    %swap3A_919 = tpu.vector_load %arg6[%swap3A_918] {strides = array<i32>} : memref<1376xf32, #tpu.memory_space<vmem>>, vector<16xf32>,
    tpu.vector_store %arg6[%swap3A_918], %div3A_917 {strides = array<i32>} : memref<1376xf32, #tpu.memory_space<vmem>>, vector<16xf32>,
    %get3A_920 = arith.constant 1056 : index
    %get3A_921 = tpu.vector_load %arg5[%get3A_920] {strides = array<i32>} : memref<1376xf32, #tpu.memory_space<vmem>>, vector<16xf32>,
    %neg3A_922 = arith.constant 0.000000e+00 : f32
    %neg3A_923 = vector.broadcast %neg3A_922 : f32 to vector<16xf32>
    %neg3A_924 = arith.subf %neg3A_923, %get3A_921 : vector<16xf32>
    %exp3A_925 = math.exp %neg3A_924 : vector<16xf32>
    %add3A_926 = arith.constant 1.000000e+00 : f32
    %add3A_927 = vector.broadcast %add3A_926 : f32 to vector<16xf32>
    %add3A_928 = arith.addf %add3A_927, %exp3A_925 : vector<16xf32>
    %div3A_929 = arith.constant 1.000000e+00 : f32
    %div3A_930 = vector.broadcast %div3A_929 : f32 to vector<16xf32>
    %div3A_931 = arith.divf %div3A_930, %add3A_928 : vector<16xf32>
    %swap3A_932 = arith.constant 1056 : index
    %swap3A_933 = tpu.vector_load %arg6[%swap3A_932] {strides = array<i32>} : memref<1376xf32, #tpu.memory_space<vmem>>, vector<16xf32>,
    tpu.vector_store %arg6[%swap3A_932], %div3A_931 {strides = array<i32>} : memref<1376xf32, #tpu.memory_space<vmem>>, vector<16xf32>,
    %get3A_934 = arith.constant 1072 : index
    %get3A_935 = tpu.vector_load %arg5[%get3A_934] {strides = array<i32>} : memref<1376xf32, #tpu.memory_space<vmem>>, vector<16xf32>,
    %neg3A_936 = arith.constant 0.000000e+00 : f32
    %neg3A_937 = vector.broadcast %neg3A_936 : f32 to vector<16xf32>
    %neg3A_938 = arith.subf %neg3A_937, %get3A_935 : vector<16xf32>
    %exp3A_939 = math.exp %neg3A_938 : vector<16xf32>
    %add3A_940 = arith.constant 1.000000e+00 : f32
    %add3A_941 = vector.broadcast %add3A_940 : f32 to vector<16xf32>
    %add3A_942 = arith.addf %add3A_941, %exp3A_939 : vector<16xf32>
    %div3A_943 = arith.constant 1.000000e+00 : f32
    %div3A_944 = vector.broadcast %div3A_943 : f32 to vector<16xf32>
    %div3A_945 = arith.divf %div3A_944, %add3A_942 : vector<16xf32>
    %swap3A_946 = arith.constant 1072 : index
    %swap3A_947 = tpu.vector_load %arg6[%swap3A_946] {strides = array<i32>} : memref<1376xf32, #tpu.memory_space<vmem>>, vector<16xf32>,
    tpu.vector_store %arg6[%swap3A_946], %div3A_945 {strides = array<i32>} : memref<1376xf32, #tpu.memory_space<vmem>>, vector<16xf32>,
    %get3A_948 = arith.constant 1088 : index
    %get3A_949 = tpu.vector_load %arg5[%get3A_948] {strides = array<i32>} : memref<1376xf32, #tpu.memory_space<vmem>>, vector<16xf32>,
    %neg3A_950 = arith.constant 0.000000e+00 : f32
    %neg3A_951 = vector.broadcast %neg3A_950 : f32 to vector<16xf32>
    %neg3A_952 = arith.subf %neg3A_951, %get3A_949 : vector<16xf32>
    %exp3A_953 = math.exp %neg3A_952 : vector<16xf32>
    %add3A_954 = arith.constant 1.000000e+00 : f32
    %add3A_955 = vector.broadcast %add3A_954 : f32 to vector<16xf32>
    %add3A_956 = arith.addf %add3A_955, %exp3A_953 : vector<16xf32>
    %div3A_957 = arith.constant 1.000000e+00 : f32
    %div3A_958 = vector.broadcast %div3A_957 : f32 to vector<16xf32>
    %div3A_959 = arith.divf %div3A_958, %add3A_956 : vector<16xf32>
    %swap3A_960 = arith.constant 1088 : index
    %swap3A_961 = tpu.vector_load %arg6[%swap3A_960] {strides = array<i32>} : memref<1376xf32, #tpu.memory_space<vmem>>, vector<16xf32>,
    tpu.vector_store %arg6[%swap3A_960], %div3A_959 {strides = array<i32>} : memref<1376xf32, #tpu.memory_space<vmem>>, vector<16xf32>,
    %get3A_962 = arith.constant 1104 : index
    %get3A_963 = tpu.vector_load %arg5[%get3A_962] {strides = array<i32>} : memref<1376xf32, #tpu.memory_space<vmem>>, vector<16xf32>,
    %neg3A_964 = arith.constant 0.000000e+00 : f32
    %neg3A_965 = vector.broadcast %neg3A_964 : f32 to vector<16xf32>
    %neg3A_966 = arith.subf %neg3A_965, %get3A_963 : vector<16xf32>
    %exp3A_967 = math.exp %neg3A_966 : vector<16xf32>
    %add3A_968 = arith.constant 1.000000e+00 : f32
    %add3A_969 = vector.broadcast %add3A_968 : f32 to vector<16xf32>
    %add3A_970 = arith.addf %add3A_969, %exp3A_967 : vector<16xf32>
    %div3A_971 = arith.constant 1.000000e+00 : f32
    %div3A_972 = vector.broadcast %div3A_971 : f32 to vector<16xf32>
    %div3A_973 = arith.divf %div3A_972, %add3A_970 : vector<16xf32>
    %swap3A_974 = arith.constant 1104 : index
    %swap3A_975 = tpu.vector_load %arg6[%swap3A_974] {strides = array<i32>} : memref<1376xf32, #tpu.memory_space<vmem>>, vector<16xf32>,
    tpu.vector_store %arg6[%swap3A_974], %div3A_973 {strides = array<i32>} : memref<1376xf32, #tpu.memory_space<vmem>>, vector<16xf32>,
    %get3A_976 = arith.constant 1120 : index
    %get3A_977 = tpu.vector_load %arg5[%get3A_976] {strides = array<i32>} : memref<1376xf32, #tpu.memory_space<vmem>>, vector<16xf32>,
    %neg3A_978 = arith.constant 0.000000e+00 : f32
    %neg3A_979 = vector.broadcast %neg3A_978 : f32 to vector<16xf32>
    %neg3A_980 = arith.subf %neg3A_979, %get3A_977 : vector<16xf32>
    %exp3A_981 = math.exp %neg3A_980 : vector<16xf32>
    %add3A_982 = arith.constant 1.000000e+00 : f32
    %add3A_983 = vector.broadcast %add3A_982 : f32 to vector<16xf32>
    %add3A_984 = arith.addf %add3A_983, %exp3A_981 : vector<16xf32>
    %div3A_985 = arith.constant 1.000000e+00 : f32
    %div3A_986 = vector.broadcast %div3A_985 : f32 to vector<16xf32>
    %div3A_987 = arith.divf %div3A_986, %add3A_984 : vector<16xf32>
    %swap3A_988 = arith.constant 1120 : index
    %swap3A_989 = tpu.vector_load %arg6[%swap3A_988] {strides = array<i32>} : memref<1376xf32, #tpu.memory_space<vmem>>, vector<16xf32>,
    tpu.vector_store %arg6[%swap3A_988], %div3A_987 {strides = array<i32>} : memref<1376xf32, #tpu.memory_space<vmem>>, vector<16xf32>,
    %get3A_990 = arith.constant 1136 : index
    %get3A_991 = tpu.vector_load %arg5[%get3A_990] {strides = array<i32>} : memref<1376xf32, #tpu.memory_space<vmem>>, vector<16xf32>,
    %neg3A_992 = arith.constant 0.000000e+00 : f32
    %neg3A_993 = vector.broadcast %neg3A_992 : f32 to vector<16xf32>
    %neg3A_994 = arith.subf %neg3A_993, %get3A_991 : vector<16xf32>
    %exp3A_995 = math.exp %neg3A_994 : vector<16xf32>
    %add3A_996 = arith.constant 1.000000e+00 : f32
    %add3A_997 = vector.broadcast %add3A_996 : f32 to vector<16xf32>
    %add3A_998 = arith.addf %add3A_997, %exp3A_995 : vector<16xf32>
    %div3A_999 = arith.constant 1.000000e+00 : f32
    %div3A_1000 = vector.broadcast %div3A_999 : f32 to vector<16xf32>
    %div3A_1001 = arith.divf %div3A_1000, %add3A_998 : vector<16xf32>
    %swap3A_1002 = arith.constant 1136 : index
    %swap3A_1003 = tpu.vector_load %arg6[%swap3A_1002] {strides = array<i32>} : memref<1376xf32, #tpu.memory_space<vmem>>, vector<16xf32>,
    tpu.vector_store %arg6[%swap3A_1002], %div3A_1001 {strides = array<i32>} : memref<1376xf32, #tpu.memory_space<vmem>>, vector<16xf32>,
    %get3A_1004 = arith.constant 1152 : index
    %get3A_1005 = tpu.vector_load %arg5[%get3A_1004] {strides = array<i32>} : memref<1376xf32, #tpu.memory_space<vmem>>, vector<16xf32>,
    %neg3A_1006 = arith.constant 0.000000e+00 : f32
    %neg3A_1007 = vector.broadcast %neg3A_1006 : f32 to vector<16xf32>
    %neg3A_1008 = arith.subf %neg3A_1007, %get3A_1005 : vector<16xf32>
    %exp3A_1009 = math.exp %neg3A_1008 : vector<16xf32>
    %add3A_1010 = arith.constant 1.000000e+00 : f32
    %add3A_1011 = vector.broadcast %add3A_1010 : f32 to vector<16xf32>
    %add3A_1012 = arith.addf %add3A_1011, %exp3A_1009 : vector<16xf32>
    %div3A_1013 = arith.constant 1.000000e+00 : f32
    %div3A_1014 = vector.broadcast %div3A_1013 : f32 to vector<16xf32>
    %div3A_1015 = arith.divf %div3A_1014, %add3A_1012 : vector<16xf32>
    %swap3A_1016 = arith.constant 1152 : index
    %swap3A_1017 = tpu.vector_load %arg6[%swap3A_1016] {strides = array<i32>} : memref<1376xf32, #tpu.memory_space<vmem>>, vector<16xf32>,
    tpu.vector_store %arg6[%swap3A_1016], %div3A_1015 {strides = array<i32>} : memref<1376xf32, #tpu.memory_space<vmem>>, vector<16xf32>,
    %get3A_1018 = arith.constant 1168 : index
    %get3A_1019 = tpu.vector_load %arg5[%get3A_1018] {strides = array<i32>} : memref<1376xf32, #tpu.memory_space<vmem>>, vector<16xf32>,
    %neg3A_1020 = arith.constant 0.000000e+00 : f32
    %neg3A_1021 = vector.broadcast %neg3A_1020 : f32 to vector<16xf32>
    %neg3A_1022 = arith.subf %neg3A_1021, %get3A_1019 : vector<16xf32>
    %exp3A_1023 = math.exp %neg3A_1022 : vector<16xf32>
    %add3A_1024 = arith.constant 1.000000e+00 : f32
    %add3A_1025 = vector.broadcast %add3A_1024 : f32 to vector<16xf32>
    %add3A_1026 = arith.addf %add3A_1025, %exp3A_1023 : vector<16xf32>
    %div3A_1027 = arith.constant 1.000000e+00 : f32
    %div3A_1028 = vector.broadcast %div3A_1027 : f32 to vector<16xf32>
    %div3A_1029 = arith.divf %div3A_1028, %add3A_1026 : vector<16xf32>
    %swap3A_1030 = arith.constant 1168 : index
    %swap3A_1031 = tpu.vector_load %arg6[%swap3A_1030] {strides = array<i32>} : memref<1376xf32, #tpu.memory_space<vmem>>, vector<16xf32>,
    tpu.vector_store %arg6[%swap3A_1030], %div3A_1029 {strides = array<i32>} : memref<1376xf32, #tpu.memory_space<vmem>>, vector<16xf32>,
    %get3A_1032 = arith.constant 1184 : index
    %get3A_1033 = tpu.vector_load %arg5[%get3A_1032] {strides = array<i32>} : memref<1376xf32, #tpu.memory_space<vmem>>, vector<16xf32>,
    %neg3A_1034 = arith.constant 0.000000e+00 : f32
    %neg3A_1035 = vector.broadcast %neg3A_1034 : f32 to vector<16xf32>
    %neg3A_1036 = arith.subf %neg3A_1035, %get3A_1033 : vector<16xf32>
    %exp3A_1037 = math.exp %neg3A_1036 : vector<16xf32>
    %add3A_1038 = arith.constant 1.000000e+00 : f32
    %add3A_1039 = vector.broadcast %add3A_1038 : f32 to vector<16xf32>
    %add3A_1040 = arith.addf %add3A_1039, %exp3A_1037 : vector<16xf32>
    %div3A_1041 = arith.constant 1.000000e+00 : f32
    %div3A_1042 = vector.broadcast %div3A_1041 : f32 to vector<16xf32>
    %div3A_1043 = arith.divf %div3A_1042, %add3A_1040 : vector<16xf32>
    %swap3A_1044 = arith.constant 1184 : index
    %swap3A_1045 = tpu.vector_load %arg6[%swap3A_1044] {strides = array<i32>} : memref<1376xf32, #tpu.memory_space<vmem>>, vector<16xf32>,
    tpu.vector_store %arg6[%swap3A_1044], %div3A_1043 {strides = array<i32>} : memref<1376xf32, #tpu.memory_space<vmem>>, vector<16xf32>,
    %get3A_1046 = arith.constant 1200 : index
    %get3A_1047 = tpu.vector_load %arg5[%get3A_1046] {strides = array<i32>} : memref<1376xf32, #tpu.memory_space<vmem>>, vector<16xf32>,
    %neg3A_1048 = arith.constant 0.000000e+00 : f32
    %neg3A_1049 = vector.broadcast %neg3A_1048 : f32 to vector<16xf32>
    %neg3A_1050 = arith.subf %neg3A_1049, %get3A_1047 : vector<16xf32>
    %exp3A_1051 = math.exp %neg3A_1050 : vector<16xf32>
    %add3A_1052 = arith.constant 1.000000e+00 : f32
    %add3A_1053 = vector.broadcast %add3A_1052 : f32 to vector<16xf32>
    %add3A_1054 = arith.addf %add3A_1053, %exp3A_1051 : vector<16xf32>
    %div3A_1055 = arith.constant 1.000000e+00 : f32
    %div3A_1056 = vector.broadcast %div3A_1055 : f32 to vector<16xf32>
    %div3A_1057 = arith.divf %div3A_1056, %add3A_1054 : vector<16xf32>
    %swap3A_1058 = arith.constant 1200 : index
    %swap3A_1059 = tpu.vector_load %arg6[%swap3A_1058] {strides = array<i32>} : memref<1376xf32, #tpu.memory_space<vmem>>, vector<16xf32>,
    tpu.vector_store %arg6[%swap3A_1058], %div3A_1057 {strides = array<i32>} : memref<1376xf32, #tpu.memory_space<vmem>>, vector<16xf32>,
    %get3A_1060 = arith.constant 1216 : index
    %get3A_1061 = tpu.vector_load %arg5[%get3A_1060] {strides = array<i32>} : memref<1376xf32, #tpu.memory_space<vmem>>, vector<16xf32>,
    %neg3A_1062 = arith.constant 0.000000e+00 : f32
    %neg3A_1063 = vector.broadcast %neg3A_1062 : f32 to vector<16xf32>
    %neg3A_1064 = arith.subf %neg3A_1063, %get3A_1061 : vector<16xf32>
    %exp3A_1065 = math.exp %neg3A_1064 : vector<16xf32>
    %add3A_1066 = arith.constant 1.000000e+00 : f32
    %add3A_1067 = vector.broadcast %add3A_1066 : f32 to vector<16xf32>
    %add3A_1068 = arith.addf %add3A_1067, %exp3A_1065 : vector<16xf32>
    %div3A_1069 = arith.constant 1.000000e+00 : f32
    %div3A_1070 = vector.broadcast %div3A_1069 : f32 to vector<16xf32>
    %div3A_1071 = arith.divf %div3A_1070, %add3A_1068 : vector<16xf32>
    %swap3A_1072 = arith.constant 1216 : index
    %swap3A_1073 = tpu.vector_load %arg6[%swap3A_1072] {strides = array<i32>} : memref<1376xf32, #tpu.memory_space<vmem>>, vector<16xf32>,
    tpu.vector_store %arg6[%swap3A_1072], %div3A_1071 {strides = array<i32>} : memref<1376xf32, #tpu.memory_space<vmem>>, vector<16xf32>,
    %get3A_1074 = arith.constant 1232 : index
    %get3A_1075 = tpu.vector_load %arg5[%get3A_1074] {strides = array<i32>} : memref<1376xf32, #tpu.memory_space<vmem>>, vector<16xf32>,
    %neg3A_1076 = arith.constant 0.000000e+00 : f32
    %neg3A_1077 = vector.broadcast %neg3A_1076 : f32 to vector<16xf32>
    %neg3A_1078 = arith.subf %neg3A_1077, %get3A_1075 : vector<16xf32>
    %exp3A_1079 = math.exp %neg3A_1078 : vector<16xf32>
    %add3A_1080 = arith.constant 1.000000e+00 : f32
    %add3A_1081 = vector.broadcast %add3A_1080 : f32 to vector<16xf32>
    %add3A_1082 = arith.addf %add3A_1081, %exp3A_1079 : vector<16xf32>
    %div3A_1083 = arith.constant 1.000000e+00 : f32
    %div3A_1084 = vector.broadcast %div3A_1083 : f32 to vector<16xf32>
    %div3A_1085 = arith.divf %div3A_1084, %add3A_1082 : vector<16xf32>
    %swap3A_1086 = arith.constant 1232 : index
    %swap3A_1087 = tpu.vector_load %arg6[%swap3A_1086] {strides = array<i32>} : memref<1376xf32, #tpu.memory_space<vmem>>, vector<16xf32>,
    tpu.vector_store %arg6[%swap3A_1086], %div3A_1085 {strides = array<i32>} : memref<1376xf32, #tpu.memory_space<vmem>>, vector<16xf32>,
    %get3A_1088 = arith.constant 1248 : index
    %get3A_1089 = tpu.vector_load %arg5[%get3A_1088] {strides = array<i32>} : memref<1376xf32, #tpu.memory_space<vmem>>, vector<16xf32>,
    %neg3A_1090 = arith.constant 0.000000e+00 : f32
    %neg3A_1091 = vector.broadcast %neg3A_1090 : f32 to vector<16xf32>
    %neg3A_1092 = arith.subf %neg3A_1091, %get3A_1089 : vector<16xf32>
    %exp3A_1093 = math.exp %neg3A_1092 : vector<16xf32>
    %add3A_1094 = arith.constant 1.000000e+00 : f32
    %add3A_1095 = vector.broadcast %add3A_1094 : f32 to vector<16xf32>
    %add3A_1096 = arith.addf %add3A_1095, %exp3A_1093 : vector<16xf32>
    %div3A_1097 = arith.constant 1.000000e+00 : f32
    %div3A_1098 = vector.broadcast %div3A_1097 : f32 to vector<16xf32>
    %div3A_1099 = arith.divf %div3A_1098, %add3A_1096 : vector<16xf32>
    %swap3A_1100 = arith.constant 1248 : index
    %swap3A_1101 = tpu.vector_load %arg6[%swap3A_1100] {strides = array<i32>} : memref<1376xf32, #tpu.memory_space<vmem>>, vector<16xf32>,
    tpu.vector_store %arg6[%swap3A_1100], %div3A_1099 {strides = array<i32>} : memref<1376xf32, #tpu.memory_space<vmem>>, vector<16xf32>,
    %get3A_1102 = arith.constant 1264 : index
    %get3A_1103 = tpu.vector_load %arg5[%get3A_1102] {strides = array<i32>} : memref<1376xf32, #tpu.memory_space<vmem>>, vector<16xf32>,
    %neg3A_1104 = arith.constant 0.000000e+00 : f32
    %neg3A_1105 = vector.broadcast %neg3A_1104 : f32 to vector<16xf32>
    %neg3A_1106 = arith.subf %neg3A_1105, %get3A_1103 : vector<16xf32>
    %exp3A_1107 = math.exp %neg3A_1106 : vector<16xf32>
    %add3A_1108 = arith.constant 1.000000e+00 : f32
    %add3A_1109 = vector.broadcast %add3A_1108 : f32 to vector<16xf32>
    %add3A_1110 = arith.addf %add3A_1109, %exp3A_1107 : vector<16xf32>
    %div3A_1111 = arith.constant 1.000000e+00 : f32
    %div3A_1112 = vector.broadcast %div3A_1111 : f32 to vector<16xf32>
    %div3A_1113 = arith.divf %div3A_1112, %add3A_1110 : vector<16xf32>
    %swap3A_1114 = arith.constant 1264 : index
    %swap3A_1115 = tpu.vector_load %arg6[%swap3A_1114] {strides = array<i32>} : memref<1376xf32, #tpu.memory_space<vmem>>, vector<16xf32>,
    tpu.vector_store %arg6[%swap3A_1114], %div3A_1113 {strides = array<i32>} : memref<1376xf32, #tpu.memory_space<vmem>>, vector<16xf32>,
    %get3A_1116 = arith.constant 1280 : index
    %get3A_1117 = tpu.vector_load %arg5[%get3A_1116] {strides = array<i32>} : memref<1376xf32, #tpu.memory_space<vmem>>, vector<16xf32>,
    %neg3A_1118 = arith.constant 0.000000e+00 : f32
    %neg3A_1119 = vector.broadcast %neg3A_1118 : f32 to vector<16xf32>
    %neg3A_1120 = arith.subf %neg3A_1119, %get3A_1117 : vector<16xf32>
    %exp3A_1121 = math.exp %neg3A_1120 : vector<16xf32>
    %add3A_1122 = arith.constant 1.000000e+00 : f32
    %add3A_1123 = vector.broadcast %add3A_1122 : f32 to vector<16xf32>
    %add3A_1124 = arith.addf %add3A_1123, %exp3A_1121 : vector<16xf32>
    %div3A_1125 = arith.constant 1.000000e+00 : f32
    %div3A_1126 = vector.broadcast %div3A_1125 : f32 to vector<16xf32>
    %div3A_1127 = arith.divf %div3A_1126, %add3A_1124 : vector<16xf32>
    %swap3A_1128 = arith.constant 1280 : index
    %swap3A_1129 = tpu.vector_load %arg6[%swap3A_1128] {strides = array<i32>} : memref<1376xf32, #tpu.memory_space<vmem>>, vector<16xf32>,
    tpu.vector_store %arg6[%swap3A_1128], %div3A_1127 {strides = array<i32>} : memref<1376xf32, #tpu.memory_space<vmem>>, vector<16xf32>,
    %get3A_1130 = arith.constant 1296 : index
    %get3A_1131 = tpu.vector_load %arg5[%get3A_1130] {strides = array<i32>} : memref<1376xf32, #tpu.memory_space<vmem>>, vector<16xf32>,
    %neg3A_1132 = arith.constant 0.000000e+00 : f32
    %neg3A_1133 = vector.broadcast %neg3A_1132 : f32 to vector<16xf32>
    %neg3A_1134 = arith.subf %neg3A_1133, %get3A_1131 : vector<16xf32>
    %exp3A_1135 = math.exp %neg3A_1134 : vector<16xf32>
    %add3A_1136 = arith.constant 1.000000e+00 : f32
    %add3A_1137 = vector.broadcast %add3A_1136 : f32 to vector<16xf32>
    %add3A_1138 = arith.addf %add3A_1137, %exp3A_1135 : vector<16xf32>
    %div3A_1139 = arith.constant 1.000000e+00 : f32
    %div3A_1140 = vector.broadcast %div3A_1139 : f32 to vector<16xf32>
    %div3A_1141 = arith.divf %div3A_1140, %add3A_1138 : vector<16xf32>
    %swap3A_1142 = arith.constant 1296 : index
    %swap3A_1143 = tpu.vector_load %arg6[%swap3A_1142] {strides = array<i32>} : memref<1376xf32, #tpu.memory_space<vmem>>, vector<16xf32>,
    tpu.vector_store %arg6[%swap3A_1142], %div3A_1141 {strides = array<i32>} : memref<1376xf32, #tpu.memory_space<vmem>>, vector<16xf32>,
    %get3A_1144 = arith.constant 1312 : index
    %get3A_1145 = tpu.vector_load %arg5[%get3A_1144] {strides = array<i32>} : memref<1376xf32, #tpu.memory_space<vmem>>, vector<16xf32>,
    %neg3A_1146 = arith.constant 0.000000e+00 : f32
    %neg3A_1147 = vector.broadcast %neg3A_1146 : f32 to vector<16xf32>
    %neg3A_1148 = arith.subf %neg3A_1147, %get3A_1145 : vector<16xf32>
    %exp3A_1149 = math.exp %neg3A_1148 : vector<16xf32>
    %add3A_1150 = arith.constant 1.000000e+00 : f32
    %add3A_1151 = vector.broadcast %add3A_1150 : f32 to vector<16xf32>
    %add3A_1152 = arith.addf %add3A_1151, %exp3A_1149 : vector<16xf32>
    %div3A_1153 = arith.constant 1.000000e+00 : f32
    %div3A_1154 = vector.broadcast %div3A_1153 : f32 to vector<16xf32>
    %div3A_1155 = arith.divf %div3A_1154, %add3A_1152 : vector<16xf32>
    %swap3A_1156 = arith.constant 1312 : index
    %swap3A_1157 = tpu.vector_load %arg6[%swap3A_1156] {strides = array<i32>} : memref<1376xf32, #tpu.memory_space<vmem>>, vector<16xf32>,
    tpu.vector_store %arg6[%swap3A_1156], %div3A_1155 {strides = array<i32>} : memref<1376xf32, #tpu.memory_space<vmem>>, vector<16xf32>,
    %get3A_1158 = arith.constant 1328 : index
    %get3A_1159 = tpu.vector_load %arg5[%get3A_1158] {strides = array<i32>} : memref<1376xf32, #tpu.memory_space<vmem>>, vector<16xf32>,
    %neg3A_1160 = arith.constant 0.000000e+00 : f32
    %neg3A_1161 = vector.broadcast %neg3A_1160 : f32 to vector<16xf32>
    %neg3A_1162 = arith.subf %neg3A_1161, %get3A_1159 : vector<16xf32>
    %exp3A_1163 = math.exp %neg3A_1162 : vector<16xf32>
    %add3A_1164 = arith.constant 1.000000e+00 : f32
    %add3A_1165 = vector.broadcast %add3A_1164 : f32 to vector<16xf32>
    %add3A_1166 = arith.addf %add3A_1165, %exp3A_1163 : vector<16xf32>
    %div3A_1167 = arith.constant 1.000000e+00 : f32
    %div3A_1168 = vector.broadcast %div3A_1167 : f32 to vector<16xf32>
    %div3A_1169 = arith.divf %div3A_1168, %add3A_1166 : vector<16xf32>
    %swap3A_1170 = arith.constant 1328 : index
    %swap3A_1171 = tpu.vector_load %arg6[%swap3A_1170] {strides = array<i32>} : memref<1376xf32, #tpu.memory_space<vmem>>, vector<16xf32>,
    tpu.vector_store %arg6[%swap3A_1170], %div3A_1169 {strides = array<i32>} : memref<1376xf32, #tpu.memory_space<vmem>>, vector<16xf32>,
    %get3A_1172 = arith.constant 1344 : index
    %get3A_1173 = tpu.vector_load %arg5[%get3A_1172] {strides = array<i32>} : memref<1376xf32, #tpu.memory_space<vmem>>, vector<16xf32>,
    %neg3A_1174 = arith.constant 0.000000e+00 : f32
    %neg3A_1175 = vector.broadcast %neg3A_1174 : f32 to vector<16xf32>
    %neg3A_1176 = arith.subf %neg3A_1175, %get3A_1173 : vector<16xf32>
    %exp3A_1177 = math.exp %neg3A_1176 : vector<16xf32>
    %add3A_1178 = arith.constant 1.000000e+00 : f32
    %add3A_1179 = vector.broadcast %add3A_1178 : f32 to vector<16xf32>
    %add3A_1180 = arith.addf %add3A_1179, %exp3A_1177 : vector<16xf32>
    %div3A_1181 = arith.constant 1.000000e+00 : f32
    %div3A_1182 = vector.broadcast %div3A_1181 : f32 to vector<16xf32>
    %div3A_1183 = arith.divf %div3A_1182, %add3A_1180 : vector<16xf32>
    %swap3A_1184 = arith.constant 1344 : index
    %swap3A_1185 = tpu.vector_load %arg6[%swap3A_1184] {strides = array<i32>} : memref<1376xf32, #tpu.memory_space<vmem>>, vector<16xf32>,
    tpu.vector_store %arg6[%swap3A_1184], %div3A_1183 {strides = array<i32>} : memref<1376xf32, #tpu.memory_space<vmem>>, vector<16xf32>,
    %get3A_1186 = arith.constant 1360 : index
    %get3A_1187 = tpu.vector_load %arg5[%get3A_1186] {strides = array<i32>} : memref<1376xf32, #tpu.memory_space<vmem>>, vector<16xf32>,
    %neg3A_1188 = arith.constant 0.000000e+00 : f32
    %neg3A_1189 = vector.broadcast %neg3A_1188 : f32 to vector<16xf32>
    %neg3A_1190 = arith.subf %neg3A_1189, %get3A_1187 : vector<16xf32>
    %exp3A_1191 = math.exp %neg3A_1190 : vector<16xf32>
    %add3A_1192 = arith.constant 1.000000e+00 : f32
    %add3A_1193 = vector.broadcast %add3A_1192 : f32 to vector<16xf32>
    %add3A_1194 = arith.addf %add3A_1193, %exp3A_1191 : vector<16xf32>
    %div3A_1195 = arith.constant 1.000000e+00 : f32
    %div3A_1196 = vector.broadcast %div3A_1195 : f32 to vector<16xf32>
    %div3A_1197 = arith.divf %div3A_1196, %add3A_1194 : vector<16xf32>
    %swap3A_1198 = arith.constant 1360 : index
    %swap3A_1199 = tpu.vector_load %arg6[%swap3A_1198] {strides = array<i32>} : memref<1376xf32, #tpu.memory_space<vmem>>, vector<16xf32>,
    tpu.vector_store %arg6[%swap3A_1198], %div3A_1197 {strides = array<i32>} : memref<1376xf32, #tpu.memory_space<vmem>>, vector<16xf32>,
    %iota3A = tpu.iota {dimensions = array<i32: 0>} : vector<16xi32>
    %broadcast_in_dim3A = arith.constant 0 : i32
    %broadcast_in_dim3A_1200 = vector.broadcast %broadcast_in_dim3A : i32 to vector<16xi32>
    %mul3A_1201 = arith.constant 2 : i32
    %mul3A_1202 = arith.muli %add3A, %mul3A_1201 : i32
    %add3A_1203 = arith.constant 0 : i32
    %add3A_1204 = arith.addi %mul3A_1202, %add3A_1203 : i32
    %mul3A_1205 = arith.constant 64 : i32
    %mul3A_1206 = arith.muli %add3A_1204, %mul3A_1205 : i32
    "tpu.region"() ({
      %run_scoped3A = tpu.sem_alloc : memref<!tpu.dma_semaphore, #tpu.memory_space<semaphore_mem>>
      %dma_start3A = arith.constant 0 : i32
      %dma_start3A_1224 = tpu.memref_slice %arg2[%mul3A_1206, %dma_start3A] : memref<4096x1365xf32, #tpu.memory_space<hbm>> -> memref<64x1365xf32, #tpu.memory_space<hbm>>
      %dma_start3A_1225 = arith.constant 0 : i32
      %dma_start3A_1226 = tpu.memref_slice %arg2[%mul3A_1206, %dma_start3A_1225] : memref<4096x1365xf32, #tpu.memory_space<hbm>> -> memref<64x1365xf32, #tpu.memory_space<hbm>>
      tpu.enqueue_dma source(%dma_start3A_1226 : memref<64x1365xf32, #tpu.memory_space<hbm>>) target(%arg7 : memref<64x1365xf32, #tpu.memory_space<vmem>>) target_semaphore(%run_scoped3A : memref<!tpu.dma_semaphore, #tpu.memory_space<semaphore_mem>>)
      %dma_wait3A = arith.constant 0 : i32
      %dma_wait3A_1227 = tpu.memref_slice %arg2[%mul3A_1206, %dma_wait3A] : memref<4096x1365xf32, #tpu.memory_space<hbm>> -> memref<64x1365xf32, #tpu.memory_space<hbm>>
      %dma_wait3A_1228 = arith.constant 0 : i32
      %dma_wait3A_1229 = tpu.memref_slice %arg2[%mul3A_1206, %dma_wait3A_1228] : memref<4096x1365xf32, #tpu.memory_space<hbm>> -> memref<64x1365xf32, #tpu.memory_space<hbm>>
      tpu.wait_dma2 semaphore(%run_scoped3A : memref<!tpu.dma_semaphore, #tpu.memory_space<semaphore_mem>>) src(%dma_wait3A_1229 : memref<64x1365xf32, #tpu.memory_space<hbm>>) dst(%arg7 : memref<64x1365xf32, #tpu.memory_space<vmem>>)
      tpu.yield
    }) : () -> ()
    %scan3A = arith.constant 0 : i32
    %scan3A_1207 = arith.constant 0 : i32
    %scan3A_1208 = arith.constant 341 : i32
    %scan3A_1209 = arith.addi %scan3A_1207, %scan3A_1208 : i32
    %scan3A_1210 = arith.constant 1 : i32
    scf.for %scan3A_1224 = %scan3A_1207 to %scan3A_1209 step %scan3A_1210  : i32 {
      %sub3A = arith.constant 340 : i32
      %sub3A_1225 = arith.subi %sub3A, %scan3A_1224 : i32
      %mul3A_1226 = arith.constant 4 : i32
      %mul3A_1227 = arith.muli %mul3A_1226, %sub3A_1225 : i32
      %add3A_1228 = arith.constant 1 : i32
      %add3A_1229 = arith.addi %mul3A_1227, %add3A_1228 : i32
      %add3A_1230 = arith.constant 0 : i32
      %add3A_1231 = arith.addi %add3A_1229, %add3A_1230 : i32
      %add3A_1232 = vector.broadcast %add3A_1231 : i32 to vector<16xi32>
      %add3A_1233 = arith.addi %broadcast_in_dim3A_1200, %add3A_1232 : vector<16xi32>
      %gather3A = tpu.vector_load_idx %arg6[%add3A_1233] : memref<1376xf32, #tpu.memory_space<vmem>>[vector<16xi32>], vector<16xf32>,
      %add3A_1234 = arith.constant 1 : i32
      %add3A_1235 = arith.addi %add3A_1229, %add3A_1234 : i32
      %add3A_1236 = vector.broadcast %add3A_1235 : i32 to vector<16xi32>
      %add3A_1237 = arith.addi %broadcast_in_dim3A_1200, %add3A_1236 : vector<16xi32>
      %gather3A_1238 = tpu.vector_load_idx %arg6[%add3A_1237] : memref<1376xf32, #tpu.memory_space<vmem>>[vector<16xi32>], vector<16xf32>,
      %add3A_1239 = arith.constant 2 : i32
      %add3A_1240 = arith.addi %add3A_1229, %add3A_1239 : i32
      %add3A_1241 = vector.broadcast %add3A_1240 : i32 to vector<16xi32>
      %add3A_1242 = arith.addi %broadcast_in_dim3A_1200, %add3A_1241 : vector<16xi32>
      %gather3A_1243 = tpu.vector_load_idx %arg6[%add3A_1242] : memref<1376xf32, #tpu.memory_space<vmem>>[vector<16xi32>], vector<16xf32>,
      %add3A_1244 = arith.constant 3 : i32
      %add3A_1245 = arith.addi %add3A_1229, %add3A_1244 : i32
      %add3A_1246 = vector.broadcast %add3A_1245 : i32 to vector<16xi32>
      %add3A_1247 = arith.addi %broadcast_in_dim3A_1200, %add3A_1246 : vector<16xi32>
      %gather3A_1248 = tpu.vector_load_idx %arg6[%add3A_1247] : memref<1376xf32, #tpu.memory_space<vmem>>[vector<16xi32>], vector<16xf32>,
      %add3A_1249 = vector.broadcast %sub3A_1225 : i32 to vector<16xi32>
      %add3A_1250 = arith.addi %broadcast_in_dim3A_1200, %add3A_1249 : vector<16xi32>
      %add3A_1251 = arith.constant 0 : i32
      %add3A_1252 = vector.broadcast %add3A_1251 : i32 to vector<16xi32>
      %add3A_1253 = arith.addi %iota3A, %add3A_1252 : vector<16xi32>
      %broadcast_in_dim3A_1254 = arith.constant 0.000000e+00 : f32
      %broadcast_in_dim3A_1255 = vector.broadcast %broadcast_in_dim3A_1254 : f32 to vector<16xf32>
      %add3A_1256 = arith.constant 0 : i32
      %add3A_1257 = arith.addi %add3A_1229, %add3A_1256 : i32
      %add3A_1258 = vector.broadcast %add3A_1257 : i32 to vector<16xi32>
      %add3A_1259 = arith.addi %broadcast_in_dim3A_1200, %add3A_1258 : vector<16xi32>
      %gather3A_1260 = tpu.vector_load_idx %arg7[%add3A_1253, %add3A_1259] : memref<64x1365xf32, #tpu.memory_space<vmem>>[vector<16xi32>, vector<16xi32>], vector<16xf32>,
      %mul3A_1261 = arith.mulf %gather3A, %gather3A_1260 : vector<16xf32>
      %add3A_1262 = arith.addf %broadcast_in_dim3A_1255, %mul3A_1261 : vector<16xf32>
      %add3A_1263 = arith.constant 1 : i32
      %add3A_1264 = arith.addi %add3A_1229, %add3A_1263 : i32
      %add3A_1265 = vector.broadcast %add3A_1264 : i32 to vector<16xi32>
      %add3A_1266 = arith.addi %broadcast_in_dim3A_1200, %add3A_1265 : vector<16xi32>
      %gather3A_1267 = tpu.vector_load_idx %arg7[%add3A_1253, %add3A_1266] : memref<64x1365xf32, #tpu.memory_space<vmem>>[vector<16xi32>, vector<16xi32>], vector<16xf32>,
      %mul3A_1268 = arith.mulf %gather3A_1238, %gather3A_1267 : vector<16xf32>
      %add3A_1269 = arith.addf %add3A_1262, %mul3A_1268 : vector<16xf32>
      %add3A_1270 = arith.constant 2 : i32
      %add3A_1271 = arith.addi %add3A_1229, %add3A_1270 : i32
      %add3A_1272 = vector.broadcast %add3A_1271 : i32 to vector<16xi32>
      %add3A_1273 = arith.addi %broadcast_in_dim3A_1200, %add3A_1272 : vector<16xi32>
      %gather3A_1274 = tpu.vector_load_idx %arg7[%add3A_1253, %add3A_1273] : memref<64x1365xf32, #tpu.memory_space<vmem>>[vector<16xi32>, vector<16xi32>], vector<16xf32>,
      %mul3A_1275 = arith.mulf %gather3A_1243, %gather3A_1274 : vector<16xf32>
      %add3A_1276 = arith.addf %add3A_1269, %mul3A_1275 : vector<16xf32>
      %add3A_1277 = arith.constant 3 : i32
      %add3A_1278 = arith.addi %add3A_1229, %add3A_1277 : i32
      %add3A_1279 = vector.broadcast %add3A_1278 : i32 to vector<16xi32>
      %add3A_1280 = arith.addi %broadcast_in_dim3A_1200, %add3A_1279 : vector<16xi32>
      %gather3A_1281 = tpu.vector_load_idx %arg7[%add3A_1253, %add3A_1280] : memref<64x1365xf32, #tpu.memory_space<vmem>>[vector<16xi32>, vector<16xi32>], vector<16xf32>,
      %mul3A_1282 = arith.mulf %gather3A_1248, %gather3A_1281 : vector<16xf32>
      %add3A_1283 = arith.addf %add3A_1276, %mul3A_1282 : vector<16xf32>
      %jit3A = arith.constant 0.000000e+00 : f32
      %jit3A_1284 = arith.constant 1.000000e+00 : f32
      %max3A = vector.broadcast %jit3A : f32 to vector<16xf32>
      %max3A_1285 = arith.maximumf %max3A, %add3A_1283 : vector<16xf32>
      %min3A = vector.broadcast %jit3A_1284 : f32 to vector<16xf32>
      %min3A_1286 = arith.minimumf %min3A, %max3A_1285 : vector<16xf32>
      tpu.vector_store_idx %arg7[%add3A_1253, %add3A_1250], %min3A_1286 : memref<64x1365xf32, #tpu.memory_space<vmem>>[vector<16xi32>, vector<16xi32>], vector<16xf32>,
      %add3A_1287 = arith.constant 16 : i32
      %add3A_1288 = vector.broadcast %add3A_1287 : i32 to vector<16xi32>
      %add3A_1289 = arith.addi %iota3A, %add3A_1288 : vector<16xi32>
      %broadcast_in_dim3A_1290 = arith.constant 0.000000e+00 : f32
      %broadcast_in_dim3A_1291 = vector.broadcast %broadcast_in_dim3A_1290 : f32 to vector<16xf32>
      %add3A_1292 = arith.constant 0 : i32
      %add3A_1293 = arith.addi %add3A_1229, %add3A_1292 : i32
      %add3A_1294 = vector.broadcast %add3A_1293 : i32 to vector<16xi32>
      %add3A_1295 = arith.addi %broadcast_in_dim3A_1200, %add3A_1294 : vector<16xi32>
      %gather3A_1296 = tpu.vector_load_idx %arg7[%add3A_1289, %add3A_1295] : memref<64x1365xf32, #tpu.memory_space<vmem>>[vector<16xi32>, vector<16xi32>], vector<16xf32>,
      %mul3A_1297 = arith.mulf %gather3A, %gather3A_1296 : vector<16xf32>
      %add3A_1298 = arith.addf %broadcast_in_dim3A_1291, %mul3A_1297 : vector<16xf32>
      %add3A_1299 = arith.constant 1 : i32
      %add3A_1300 = arith.addi %add3A_1229, %add3A_1299 : i32
      %add3A_1301 = vector.broadcast %add3A_1300 : i32 to vector<16xi32>
      %add3A_1302 = arith.addi %broadcast_in_dim3A_1200, %add3A_1301 : vector<16xi32>
      %gather3A_1303 = tpu.vector_load_idx %arg7[%add3A_1289, %add3A_1302] : memref<64x1365xf32, #tpu.memory_space<vmem>>[vector<16xi32>, vector<16xi32>], vector<16xf32>,
      %mul3A_1304 = arith.mulf %gather3A_1238, %gather3A_1303 : vector<16xf32>
      %add3A_1305 = arith.addf %add3A_1298, %mul3A_1304 : vector<16xf32>
      %add3A_1306 = arith.constant 2 : i32
      %add3A_1307 = arith.addi %add3A_1229, %add3A_1306 : i32
      %add3A_1308 = vector.broadcast %add3A_1307 : i32 to vector<16xi32>
      %add3A_1309 = arith.addi %broadcast_in_dim3A_1200, %add3A_1308 : vector<16xi32>
      %gather3A_1310 = tpu.vector_load_idx %arg7[%add3A_1289, %add3A_1309] : memref<64x1365xf32, #tpu.memory_space<vmem>>[vector<16xi32>, vector<16xi32>], vector<16xf32>,
      %mul3A_1311 = arith.mulf %gather3A_1243, %gather3A_1310 : vector<16xf32>
      %add3A_1312 = arith.addf %add3A_1305, %mul3A_1311 : vector<16xf32>
      %add3A_1313 = arith.constant 3 : i32
      %add3A_1314 = arith.addi %add3A_1229, %add3A_1313 : i32
      %add3A_1315 = vector.broadcast %add3A_1314 : i32 to vector<16xi32>
      %add3A_1316 = arith.addi %broadcast_in_dim3A_1200, %add3A_1315 : vector<16xi32>
      %gather3A_1317 = tpu.vector_load_idx %arg7[%add3A_1289, %add3A_1316] : memref<64x1365xf32, #tpu.memory_space<vmem>>[vector<16xi32>, vector<16xi32>], vector<16xf32>,
      %mul3A_1318 = arith.mulf %gather3A_1248, %gather3A_1317 : vector<16xf32>
      %add3A_1319 = arith.addf %add3A_1312, %mul3A_1318 : vector<16xf32>
      %jit3A_1320 = arith.constant 0.000000e+00 : f32
      %jit3A_1321 = arith.constant 1.000000e+00 : f32
      %max3A_1322 = vector.broadcast %jit3A_1320 : f32 to vector<16xf32>
      %max3A_1323 = arith.maximumf %max3A_1322, %add3A_1319 : vector<16xf32>
      %min3A_1324 = vector.broadcast %jit3A_1321 : f32 to vector<16xf32>
      %min3A_1325 = arith.minimumf %min3A_1324, %max3A_1323 : vector<16xf32>
      tpu.vector_store_idx %arg7[%add3A_1289, %add3A_1250], %min3A_1325 : memref<64x1365xf32, #tpu.memory_space<vmem>>[vector<16xi32>, vector<16xi32>], vector<16xf32>,
      %add3A_1326 = arith.constant 32 : i32
      %add3A_1327 = vector.broadcast %add3A_1326 : i32 to vector<16xi32>
      %add3A_1328 = arith.addi %iota3A, %add3A_1327 : vector<16xi32>
      %broadcast_in_dim3A_1329 = arith.constant 0.000000e+00 : f32
      %broadcast_in_dim3A_1330 = vector.broadcast %broadcast_in_dim3A_1329 : f32 to vector<16xf32>
      %add3A_1331 = arith.constant 0 : i32
      %add3A_1332 = arith.addi %add3A_1229, %add3A_1331 : i32
      %add3A_1333 = vector.broadcast %add3A_1332 : i32 to vector<16xi32>
      %add3A_1334 = arith.addi %broadcast_in_dim3A_1200, %add3A_1333 : vector<16xi32>
      %gather3A_1335 = tpu.vector_load_idx %arg7[%add3A_1328, %add3A_1334] : memref<64x1365xf32, #tpu.memory_space<vmem>>[vector<16xi32>, vector<16xi32>], vector<16xf32>,
      %mul3A_1336 = arith.mulf %gather3A, %gather3A_1335 : vector<16xf32>
      %add3A_1337 = arith.addf %broadcast_in_dim3A_1330, %mul3A_1336 : vector<16xf32>
      %add3A_1338 = arith.constant 1 : i32
      %add3A_1339 = arith.addi %add3A_1229, %add3A_1338 : i32
      %add3A_1340 = vector.broadcast %add3A_1339 : i32 to vector<16xi32>
      %add3A_1341 = arith.addi %broadcast_in_dim3A_1200, %add3A_1340 : vector<16xi32>
      %gather3A_1342 = tpu.vector_load_idx %arg7[%add3A_1328, %add3A_1341] : memref<64x1365xf32, #tpu.memory_space<vmem>>[vector<16xi32>, vector<16xi32>], vector<16xf32>,
      %mul3A_1343 = arith.mulf %gather3A_1238, %gather3A_1342 : vector<16xf32>
      %add3A_1344 = arith.addf %add3A_1337, %mul3A_1343 : vector<16xf32>
      %add3A_1345 = arith.constant 2 : i32
      %add3A_1346 = arith.addi %add3A_1229, %add3A_1345 : i32
      %add3A_1347 = vector.broadcast %add3A_1346 : i32 to vector<16xi32>
      %add3A_1348 = arith.addi %broadcast_in_dim3A_1200, %add3A_1347 : vector<16xi32>
      %gather3A_1349 = tpu.vector_load_idx %arg7[%add3A_1328, %add3A_1348] : memref<64x1365xf32, #tpu.memory_space<vmem>>[vector<16xi32>, vector<16xi32>], vector<16xf32>,
      %mul3A_1350 = arith.mulf %gather3A_1243, %gather3A_1349 : vector<16xf32>
      %add3A_1351 = arith.addf %add3A_1344, %mul3A_1350 : vector<16xf32>
      %add3A_1352 = arith.constant 3 : i32
      %add3A_1353 = arith.addi %add3A_1229, %add3A_1352 : i32
      %add3A_1354 = vector.broadcast %add3A_1353 : i32 to vector<16xi32>
      %add3A_1355 = arith.addi %broadcast_in_dim3A_1200, %add3A_1354 : vector<16xi32>
      %gather3A_1356 = tpu.vector_load_idx %arg7[%add3A_1328, %add3A_1355] : memref<64x1365xf32, #tpu.memory_space<vmem>>[vector<16xi32>, vector<16xi32>], vector<16xf32>,
      %mul3A_1357 = arith.mulf %gather3A_1248, %gather3A_1356 : vector<16xf32>
      %add3A_1358 = arith.addf %add3A_1351, %mul3A_1357 : vector<16xf32>
      %jit3A_1359 = arith.constant 0.000000e+00 : f32
      %jit3A_1360 = arith.constant 1.000000e+00 : f32
      %max3A_1361 = vector.broadcast %jit3A_1359 : f32 to vector<16xf32>
      %max3A_1362 = arith.maximumf %max3A_1361, %add3A_1358 : vector<16xf32>
      %min3A_1363 = vector.broadcast %jit3A_1360 : f32 to vector<16xf32>
      %min3A_1364 = arith.minimumf %min3A_1363, %max3A_1362 : vector<16xf32>
      tpu.vector_store_idx %arg7[%add3A_1328, %add3A_1250], %min3A_1364 : memref<64x1365xf32, #tpu.memory_space<vmem>>[vector<16xi32>, vector<16xi32>], vector<16xf32>,
      %add3A_1365 = arith.constant 48 : i32
      %add3A_1366 = vector.broadcast %add3A_1365 : i32 to vector<16xi32>
      %add3A_1367 = arith.addi %iota3A, %add3A_1366 : vector<16xi32>
      %broadcast_in_dim3A_1368 = arith.constant 0.000000e+00 : f32
      %broadcast_in_dim3A_1369 = vector.broadcast %broadcast_in_dim3A_1368 : f32 to vector<16xf32>
      %add3A_1370 = arith.constant 0 : i32
      %add3A_1371 = arith.addi %add3A_1229, %add3A_1370 : i32
      %add3A_1372 = vector.broadcast %add3A_1371 : i32 to vector<16xi32>
      %add3A_1373 = arith.addi %broadcast_in_dim3A_1200, %add3A_1372 : vector<16xi32>
      %gather3A_1374 = tpu.vector_load_idx %arg7[%add3A_1367, %add3A_1373] : memref<64x1365xf32, #tpu.memory_space<vmem>>[vector<16xi32>, vector<16xi32>], vector<16xf32>,
      %mul3A_1375 = arith.mulf %gather3A, %gather3A_1374 : vector<16xf32>
      %add3A_1376 = arith.addf %broadcast_in_dim3A_1369, %mul3A_1375 : vector<16xf32>
      %add3A_1377 = arith.constant 1 : i32
      %add3A_1378 = arith.addi %add3A_1229, %add3A_1377 : i32
      %add3A_1379 = vector.broadcast %add3A_1378 : i32 to vector<16xi32>
      %add3A_1380 = arith.addi %broadcast_in_dim3A_1200, %add3A_1379 : vector<16xi32>
      %gather3A_1381 = tpu.vector_load_idx %arg7[%add3A_1367, %add3A_1380] : memref<64x1365xf32, #tpu.memory_space<vmem>>[vector<16xi32>, vector<16xi32>], vector<16xf32>,
      %mul3A_1382 = arith.mulf %gather3A_1238, %gather3A_1381 : vector<16xf32>
      %add3A_1383 = arith.addf %add3A_1376, %mul3A_1382 : vector<16xf32>
      %add3A_1384 = arith.constant 2 : i32
      %add3A_1385 = arith.addi %add3A_1229, %add3A_1384 : i32
      %add3A_1386 = vector.broadcast %add3A_1385 : i32 to vector<16xi32>
      %add3A_1387 = arith.addi %broadcast_in_dim3A_1200, %add3A_1386 : vector<16xi32>
      %gather3A_1388 = tpu.vector_load_idx %arg7[%add3A_1367, %add3A_1387] : memref<64x1365xf32, #tpu.memory_space<vmem>>[vector<16xi32>, vector<16xi32>], vector<16xf32>,
      %mul3A_1389 = arith.mulf %gather3A_1243, %gather3A_1388 : vector<16xf32>
      %add3A_1390 = arith.addf %add3A_1383, %mul3A_1389 : vector<16xf32>
      %add3A_1391 = arith.constant 3 : i32
      %add3A_1392 = arith.addi %add3A_1229, %add3A_1391 : i32
      %add3A_1393 = vector.broadcast %add3A_1392 : i32 to vector<16xi32>
      %add3A_1394 = arith.addi %broadcast_in_dim3A_1200, %add3A_1393 : vector<16xi32>
      %gather3A_1395 = tpu.vector_load_idx %arg7[%add3A_1367, %add3A_1394] : memref<64x1365xf32, #tpu.memory_space<vmem>>[vector<16xi32>, vector<16xi32>], vector<16xf32>,
      %mul3A_1396 = arith.mulf %gather3A_1248, %gather3A_1395 : vector<16xf32>
      %add3A_1397 = arith.addf %add3A_1390, %mul3A_1396 : vector<16xf32>
      %jit3A_1398 = arith.constant 0.000000e+00 : f32
      %jit3A_1399 = arith.constant 1.000000e+00 : f32
      %max3A_1400 = vector.broadcast %jit3A_1398 : f32 to vector<16xf32>
      %max3A_1401 = arith.maximumf %max3A_1400, %add3A_1397 : vector<16xf32>
      %min3A_1402 = vector.broadcast %jit3A_1399 : f32 to vector<16xf32>
      %min3A_1403 = arith.minimumf %min3A_1402, %max3A_1401 : vector<16xf32>
      tpu.vector_store_idx %arg7[%add3A_1367, %add3A_1250], %min3A_1403 : memref<64x1365xf32, #tpu.memory_space<vmem>>[vector<16xi32>, vector<16xi32>], vector<16xf32>,
    }
    %scan3A_1211 = arith.constant 341 : i32
    "tpu.region"() ({
      %run_scoped3A = tpu.sem_alloc : memref<!tpu.dma_semaphore, #tpu.memory_space<semaphore_mem>>
      %dma_start3A = arith.constant 0 : i32
      %dma_start3A_1224 = tpu.memref_slice %arg4[%mul3A_1206, %dma_start3A] : memref<4096x1365xf32, #tpu.memory_space<hbm>> -> memref<64x1365xf32, #tpu.memory_space<hbm>>
      %dma_start3A_1225 = arith.constant 0 : i32
      %dma_start3A_1226 = tpu.memref_slice %arg4[%mul3A_1206, %dma_start3A_1225] : memref<4096x1365xf32, #tpu.memory_space<hbm>> -> memref<64x1365xf32, #tpu.memory_space<hbm>>
      tpu.enqueue_dma source(%arg7 : memref<64x1365xf32, #tpu.memory_space<vmem>>) target(%dma_start3A_1226 : memref<64x1365xf32, #tpu.memory_space<hbm>>) target_semaphore(%run_scoped3A : memref<!tpu.dma_semaphore, #tpu.memory_space<semaphore_mem>>)
      %dma_wait3A = arith.constant 0 : i32
      %dma_wait3A_1227 = tpu.memref_slice %arg4[%mul3A_1206, %dma_wait3A] : memref<4096x1365xf32, #tpu.memory_space<hbm>> -> memref<64x1365xf32, #tpu.memory_space<hbm>>
      %dma_wait3A_1228 = arith.constant 0 : i32
      %dma_wait3A_1229 = tpu.memref_slice %arg4[%mul3A_1206, %dma_wait3A_1228] : memref<4096x1365xf32, #tpu.memory_space<hbm>> -> memref<64x1365xf32, #tpu.memory_space<hbm>>
      tpu.wait_dma2 semaphore(%run_scoped3A : memref<!tpu.dma_semaphore, #tpu.memory_space<semaphore_mem>>) src(%arg7 : memref<64x1365xf32, #tpu.memory_space<vmem>>) dst(%dma_wait3A_1229 : memref<64x1365xf32, #tpu.memory_space<hbm>>)
      tpu.yield
    }) : () -> ()
    %mul3A_1212 = arith.constant 2 : i32
    %mul3A_1213 = arith.muli %add3A, %mul3A_1212 : i32
    %add3A_1214 = arith.constant 1 : i32
    %add3A_1215 = arith.addi %mul3A_1213, %add3A_1214 : i32
    %mul3A_1216 = arith.constant 64 : i32
    %mul3A_1217 = arith.muli %add3A_1215, %mul3A_1216 : i32
    "tpu.region"() ({
      %run_scoped3A = tpu.sem_alloc : memref<!tpu.dma_semaphore, #tpu.memory_space<semaphore_mem>>
      %dma_start3A = arith.constant 0 : i32
      %dma_start3A_1224 = tpu.memref_slice %arg2[%mul3A_1217, %dma_start3A] : memref<4096x1365xf32, #tpu.memory_space<hbm>> -> memref<64x1365xf32, #tpu.memory_space<hbm>>
      %dma_start3A_1225 = arith.constant 0 : i32
      %dma_start3A_1226 = tpu.memref_slice %arg2[%mul3A_1217, %dma_start3A_1225] : memref<4096x1365xf32, #tpu.memory_space<hbm>> -> memref<64x1365xf32, #tpu.memory_space<hbm>>
      tpu.enqueue_dma source(%dma_start3A_1226 : memref<64x1365xf32, #tpu.memory_space<hbm>>) target(%arg7 : memref<64x1365xf32, #tpu.memory_space<vmem>>) target_semaphore(%run_scoped3A : memref<!tpu.dma_semaphore, #tpu.memory_space<semaphore_mem>>)
      %dma_wait3A = arith.constant 0 : i32
      %dma_wait3A_1227 = tpu.memref_slice %arg2[%mul3A_1217, %dma_wait3A] : memref<4096x1365xf32, #tpu.memory_space<hbm>> -> memref<64x1365xf32, #tpu.memory_space<hbm>>
      %dma_wait3A_1228 = arith.constant 0 : i32
      %dma_wait3A_1229 = tpu.memref_slice %arg2[%mul3A_1217, %dma_wait3A_1228] : memref<4096x1365xf32, #tpu.memory_space<hbm>> -> memref<64x1365xf32, #tpu.memory_space<hbm>>
      tpu.wait_dma2 semaphore(%run_scoped3A : memref<!tpu.dma_semaphore, #tpu.memory_space<semaphore_mem>>) src(%dma_wait3A_1229 : memref<64x1365xf32, #tpu.memory_space<hbm>>) dst(%arg7 : memref<64x1365xf32, #tpu.memory_space<vmem>>)
      tpu.yield
    }) : () -> ()
    %scan3A_1218 = arith.constant 0 : i32
    %scan3A_1219 = arith.constant 0 : i32
    %scan3A_1220 = arith.constant 341 : i32
    %scan3A_1221 = arith.addi %scan3A_1219, %scan3A_1220 : i32
    %scan3A_1222 = arith.constant 1 : i32
    scf.for %scan3A_1224 = %scan3A_1219 to %scan3A_1221 step %scan3A_1222  : i32 {
      %sub3A = arith.constant 340 : i32
      %sub3A_1225 = arith.subi %sub3A, %scan3A_1224 : i32
      %mul3A_1226 = arith.constant 4 : i32
      %mul3A_1227 = arith.muli %mul3A_1226, %sub3A_1225 : i32
      %add3A_1228 = arith.constant 1 : i32
      %add3A_1229 = arith.addi %mul3A_1227, %add3A_1228 : i32
      %add3A_1230 = arith.constant 0 : i32
      %add3A_1231 = arith.addi %add3A_1229, %add3A_1230 : i32
      %add3A_1232 = vector.broadcast %add3A_1231 : i32 to vector<16xi32>
      %add3A_1233 = arith.addi %broadcast_in_dim3A_1200, %add3A_1232 : vector<16xi32>
      %gather3A = tpu.vector_load_idx %arg6[%add3A_1233] : memref<1376xf32, #tpu.memory_space<vmem>>[vector<16xi32>], vector<16xf32>,
      %add3A_1234 = arith.constant 1 : i32
      %add3A_1235 = arith.addi %add3A_1229, %add3A_1234 : i32
      %add3A_1236 = vector.broadcast %add3A_1235 : i32 to vector<16xi32>
      %add3A_1237 = arith.addi %broadcast_in_dim3A_1200, %add3A_1236 : vector<16xi32>
      %gather3A_1238 = tpu.vector_load_idx %arg6[%add3A_1237] : memref<1376xf32, #tpu.memory_space<vmem>>[vector<16xi32>], vector<16xf32>,
      %add3A_1239 = arith.constant 2 : i32
      %add3A_1240 = arith.addi %add3A_1229, %add3A_1239 : i32
      %add3A_1241 = vector.broadcast %add3A_1240 : i32 to vector<16xi32>
      %add3A_1242 = arith.addi %broadcast_in_dim3A_1200, %add3A_1241 : vector<16xi32>
      %gather3A_1243 = tpu.vector_load_idx %arg6[%add3A_1242] : memref<1376xf32, #tpu.memory_space<vmem>>[vector<16xi32>], vector<16xf32>,
      %add3A_1244 = arith.constant 3 : i32
      %add3A_1245 = arith.addi %add3A_1229, %add3A_1244 : i32
      %add3A_1246 = vector.broadcast %add3A_1245 : i32 to vector<16xi32>
      %add3A_1247 = arith.addi %broadcast_in_dim3A_1200, %add3A_1246 : vector<16xi32>
      %gather3A_1248 = tpu.vector_load_idx %arg6[%add3A_1247] : memref<1376xf32, #tpu.memory_space<vmem>>[vector<16xi32>], vector<16xf32>,
      %add3A_1249 = vector.broadcast %sub3A_1225 : i32 to vector<16xi32>
      %add3A_1250 = arith.addi %broadcast_in_dim3A_1200, %add3A_1249 : vector<16xi32>
      %add3A_1251 = arith.constant 0 : i32
      %add3A_1252 = vector.broadcast %add3A_1251 : i32 to vector<16xi32>
      %add3A_1253 = arith.addi %iota3A, %add3A_1252 : vector<16xi32>
      %broadcast_in_dim3A_1254 = arith.constant 0.000000e+00 : f32
      %broadcast_in_dim3A_1255 = vector.broadcast %broadcast_in_dim3A_1254 : f32 to vector<16xf32>
      %add3A_1256 = arith.constant 0 : i32
      %add3A_1257 = arith.addi %add3A_1229, %add3A_1256 : i32
      %add3A_1258 = vector.broadcast %add3A_1257 : i32 to vector<16xi32>
      %add3A_1259 = arith.addi %broadcast_in_dim3A_1200, %add3A_1258 : vector<16xi32>
      %gather3A_1260 = tpu.vector_load_idx %arg7[%add3A_1253, %add3A_1259] : memref<64x1365xf32, #tpu.memory_space<vmem>>[vector<16xi32>, vector<16xi32>], vector<16xf32>,
      %mul3A_1261 = arith.mulf %gather3A, %gather3A_1260 : vector<16xf32>
      %add3A_1262 = arith.addf %broadcast_in_dim3A_1255, %mul3A_1261 : vector<16xf32>
      %add3A_1263 = arith.constant 1 : i32
      %add3A_1264 = arith.addi %add3A_1229, %add3A_1263 : i32
      %add3A_1265 = vector.broadcast %add3A_1264 : i32 to vector<16xi32>
      %add3A_1266 = arith.addi %broadcast_in_dim3A_1200, %add3A_1265 : vector<16xi32>
      %gather3A_1267 = tpu.vector_load_idx %arg7[%add3A_1253, %add3A_1266] : memref<64x1365xf32, #tpu.memory_space<vmem>>[vector<16xi32>, vector<16xi32>], vector<16xf32>,
      %mul3A_1268 = arith.mulf %gather3A_1238, %gather3A_1267 : vector<16xf32>
      %add3A_1269 = arith.addf %add3A_1262, %mul3A_1268 : vector<16xf32>
      %add3A_1270 = arith.constant 2 : i32
      %add3A_1271 = arith.addi %add3A_1229, %add3A_1270 : i32
      %add3A_1272 = vector.broadcast %add3A_1271 : i32 to vector<16xi32>
      %add3A_1273 = arith.addi %broadcast_in_dim3A_1200, %add3A_1272 : vector<16xi32>
      %gather3A_1274 = tpu.vector_load_idx %arg7[%add3A_1253, %add3A_1273] : memref<64x1365xf32, #tpu.memory_space<vmem>>[vector<16xi32>, vector<16xi32>], vector<16xf32>,
      %mul3A_1275 = arith.mulf %gather3A_1243, %gather3A_1274 : vector<16xf32>
      %add3A_1276 = arith.addf %add3A_1269, %mul3A_1275 : vector<16xf32>
      %add3A_1277 = arith.constant 3 : i32
      %add3A_1278 = arith.addi %add3A_1229, %add3A_1277 : i32
      %add3A_1279 = vector.broadcast %add3A_1278 : i32 to vector<16xi32>
      %add3A_1280 = arith.addi %broadcast_in_dim3A_1200, %add3A_1279 : vector<16xi32>
      %gather3A_1281 = tpu.vector_load_idx %arg7[%add3A_1253, %add3A_1280] : memref<64x1365xf32, #tpu.memory_space<vmem>>[vector<16xi32>, vector<16xi32>], vector<16xf32>,
      %mul3A_1282 = arith.mulf %gather3A_1248, %gather3A_1281 : vector<16xf32>
      %add3A_1283 = arith.addf %add3A_1276, %mul3A_1282 : vector<16xf32>
      %jit3A = arith.constant 0.000000e+00 : f32
      %jit3A_1284 = arith.constant 1.000000e+00 : f32
      %max3A = vector.broadcast %jit3A : f32 to vector<16xf32>
      %max3A_1285 = arith.maximumf %max3A, %add3A_1283 : vector<16xf32>
      %min3A = vector.broadcast %jit3A_1284 : f32 to vector<16xf32>
      %min3A_1286 = arith.minimumf %min3A, %max3A_1285 : vector<16xf32>
      tpu.vector_store_idx %arg7[%add3A_1253, %add3A_1250], %min3A_1286 : memref<64x1365xf32, #tpu.memory_space<vmem>>[vector<16xi32>, vector<16xi32>], vector<16xf32>,
      %add3A_1287 = arith.constant 16 : i32
      %add3A_1288 = vector.broadcast %add3A_1287 : i32 to vector<16xi32>
      %add3A_1289 = arith.addi %iota3A, %add3A_1288 : vector<16xi32>
      %broadcast_in_dim3A_1290 = arith.constant 0.000000e+00 : f32
      %broadcast_in_dim3A_1291 = vector.broadcast %broadcast_in_dim3A_1290 : f32 to vector<16xf32>
      %add3A_1292 = arith.constant 0 : i32
      %add3A_1293 = arith.addi %add3A_1229, %add3A_1292 : i32
      %add3A_1294 = vector.broadcast %add3A_1293 : i32 to vector<16xi32>
      %add3A_1295 = arith.addi %broadcast_in_dim3A_1200, %add3A_1294 : vector<16xi32>
      %gather3A_1296 = tpu.vector_load_idx %arg7[%add3A_1289, %add3A_1295] : memref<64x1365xf32, #tpu.memory_space<vmem>>[vector<16xi32>, vector<16xi32>], vector<16xf32>,
      %mul3A_1297 = arith.mulf %gather3A, %gather3A_1296 : vector<16xf32>
      %add3A_1298 = arith.addf %broadcast_in_dim3A_1291, %mul3A_1297 : vector<16xf32>
      %add3A_1299 = arith.constant 1 : i32
      %add3A_1300 = arith.addi %add3A_1229, %add3A_1299 : i32
      %add3A_1301 = vector.broadcast %add3A_1300 : i32 to vector<16xi32>
      %add3A_1302 = arith.addi %broadcast_in_dim3A_1200, %add3A_1301 : vector<16xi32>
      %gather3A_1303 = tpu.vector_load_idx %arg7[%add3A_1289, %add3A_1302] : memref<64x1365xf32, #tpu.memory_space<vmem>>[vector<16xi32>, vector<16xi32>], vector<16xf32>,
      %mul3A_1304 = arith.mulf %gather3A_1238, %gather3A_1303 : vector<16xf32>
      %add3A_1305 = arith.addf %add3A_1298, %mul3A_1304 : vector<16xf32>
      %add3A_1306 = arith.constant 2 : i32
      %add3A_1307 = arith.addi %add3A_1229, %add3A_1306 : i32
      %add3A_1308 = vector.broadcast %add3A_1307 : i32 to vector<16xi32>
      %add3A_1309 = arith.addi %broadcast_in_dim3A_1200, %add3A_1308 : vector<16xi32>
      %gather3A_1310 = tpu.vector_load_idx %arg7[%add3A_1289, %add3A_1309] : memref<64x1365xf32, #tpu.memory_space<vmem>>[vector<16xi32>, vector<16xi32>], vector<16xf32>,
      %mul3A_1311 = arith.mulf %gather3A_1243, %gather3A_1310 : vector<16xf32>
      %add3A_1312 = arith.addf %add3A_1305, %mul3A_1311 : vector<16xf32>
      %add3A_1313 = arith.constant 3 : i32
      %add3A_1314 = arith.addi %add3A_1229, %add3A_1313 : i32
      %add3A_1315 = vector.broadcast %add3A_1314 : i32 to vector<16xi32>
      %add3A_1316 = arith.addi %broadcast_in_dim3A_1200, %add3A_1315 : vector<16xi32>
      %gather3A_1317 = tpu.vector_load_idx %arg7[%add3A_1289, %add3A_1316] : memref<64x1365xf32, #tpu.memory_space<vmem>>[vector<16xi32>, vector<16xi32>], vector<16xf32>,
      %mul3A_1318 = arith.mulf %gather3A_1248, %gather3A_1317 : vector<16xf32>
      %add3A_1319 = arith.addf %add3A_1312, %mul3A_1318 : vector<16xf32>
      %jit3A_1320 = arith.constant 0.000000e+00 : f32
      %jit3A_1321 = arith.constant 1.000000e+00 : f32
      %max3A_1322 = vector.broadcast %jit3A_1320 : f32 to vector<16xf32>
      %max3A_1323 = arith.maximumf %max3A_1322, %add3A_1319 : vector<16xf32>
      %min3A_1324 = vector.broadcast %jit3A_1321 : f32 to vector<16xf32>
      %min3A_1325 = arith.minimumf %min3A_1324, %max3A_1323 : vector<16xf32>
      tpu.vector_store_idx %arg7[%add3A_1289, %add3A_1250], %min3A_1325 : memref<64x1365xf32, #tpu.memory_space<vmem>>[vector<16xi32>, vector<16xi32>], vector<16xf32>,
      %add3A_1326 = arith.constant 32 : i32
      %add3A_1327 = vector.broadcast %add3A_1326 : i32 to vector<16xi32>
      %add3A_1328 = arith.addi %iota3A, %add3A_1327 : vector<16xi32>
      %broadcast_in_dim3A_1329 = arith.constant 0.000000e+00 : f32
      %broadcast_in_dim3A_1330 = vector.broadcast %broadcast_in_dim3A_1329 : f32 to vector<16xf32>
      %add3A_1331 = arith.constant 0 : i32
      %add3A_1332 = arith.addi %add3A_1229, %add3A_1331 : i32
      %add3A_1333 = vector.broadcast %add3A_1332 : i32 to vector<16xi32>
      %add3A_1334 = arith.addi %broadcast_in_dim3A_1200, %add3A_1333 : vector<16xi32>
      %gather3A_1335 = tpu.vector_load_idx %arg7[%add3A_1328, %add3A_1334] : memref<64x1365xf32, #tpu.memory_space<vmem>>[vector<16xi32>, vector<16xi32>], vector<16xf32>,
      %mul3A_1336 = arith.mulf %gather3A, %gather3A_1335 : vector<16xf32>
      %add3A_1337 = arith.addf %broadcast_in_dim3A_1330, %mul3A_1336 : vector<16xf32>
      %add3A_1338 = arith.constant 1 : i32
      %add3A_1339 = arith.addi %add3A_1229, %add3A_1338 : i32
      %add3A_1340 = vector.broadcast %add3A_1339 : i32 to vector<16xi32>
      %add3A_1341 = arith.addi %broadcast_in_dim3A_1200, %add3A_1340 : vector<16xi32>
      %gather3A_1342 = tpu.vector_load_idx %arg7[%add3A_1328, %add3A_1341] : memref<64x1365xf32, #tpu.memory_space<vmem>>[vector<16xi32>, vector<16xi32>], vector<16xf32>,
      %mul3A_1343 = arith.mulf %gather3A_1238, %gather3A_1342 : vector<16xf32>
      %add3A_1344 = arith.addf %add3A_1337, %mul3A_1343 : vector<16xf32>
      %add3A_1345 = arith.constant 2 : i32
      %add3A_1346 = arith.addi %add3A_1229, %add3A_1345 : i32
      %add3A_1347 = vector.broadcast %add3A_1346 : i32 to vector<16xi32>
      %add3A_1348 = arith.addi %broadcast_in_dim3A_1200, %add3A_1347 : vector<16xi32>
      %gather3A_1349 = tpu.vector_load_idx %arg7[%add3A_1328, %add3A_1348] : memref<64x1365xf32, #tpu.memory_space<vmem>>[vector<16xi32>, vector<16xi32>], vector<16xf32>,
      %mul3A_1350 = arith.mulf %gather3A_1243, %gather3A_1349 : vector<16xf32>
      %add3A_1351 = arith.addf %add3A_1344, %mul3A_1350 : vector<16xf32>
      %add3A_1352 = arith.constant 3 : i32
      %add3A_1353 = arith.addi %add3A_1229, %add3A_1352 : i32
      %add3A_1354 = vector.broadcast %add3A_1353 : i32 to vector<16xi32>
      %add3A_1355 = arith.addi %broadcast_in_dim3A_1200, %add3A_1354 : vector<16xi32>
      %gather3A_1356 = tpu.vector_load_idx %arg7[%add3A_1328, %add3A_1355] : memref<64x1365xf32, #tpu.memory_space<vmem>>[vector<16xi32>, vector<16xi32>], vector<16xf32>,
      %mul3A_1357 = arith.mulf %gather3A_1248, %gather3A_1356 : vector<16xf32>
      %add3A_1358 = arith.addf %add3A_1351, %mul3A_1357 : vector<16xf32>
      %jit3A_1359 = arith.constant 0.000000e+00 : f32
      %jit3A_1360 = arith.constant 1.000000e+00 : f32
      %max3A_1361 = vector.broadcast %jit3A_1359 : f32 to vector<16xf32>
      %max3A_1362 = arith.maximumf %max3A_1361, %add3A_1358 : vector<16xf32>
      %min3A_1363 = vector.broadcast %jit3A_1360 : f32 to vector<16xf32>
      %min3A_1364 = arith.minimumf %min3A_1363, %max3A_1362 : vector<16xf32>
      tpu.vector_store_idx %arg7[%add3A_1328, %add3A_1250], %min3A_1364 : memref<64x1365xf32, #tpu.memory_space<vmem>>[vector<16xi32>, vector<16xi32>], vector<16xf32>,
      %add3A_1365 = arith.constant 48 : i32
      %add3A_1366 = vector.broadcast %add3A_1365 : i32 to vector<16xi32>
      %add3A_1367 = arith.addi %iota3A, %add3A_1366 : vector<16xi32>
      %broadcast_in_dim3A_1368 = arith.constant 0.000000e+00 : f32
      %broadcast_in_dim3A_1369 = vector.broadcast %broadcast_in_dim3A_1368 : f32 to vector<16xf32>
      %add3A_1370 = arith.constant 0 : i32
      %add3A_1371 = arith.addi %add3A_1229, %add3A_1370 : i32
      %add3A_1372 = vector.broadcast %add3A_1371 : i32 to vector<16xi32>
      %add3A_1373 = arith.addi %broadcast_in_dim3A_1200, %add3A_1372 : vector<16xi32>
      %gather3A_1374 = tpu.vector_load_idx %arg7[%add3A_1367, %add3A_1373] : memref<64x1365xf32, #tpu.memory_space<vmem>>[vector<16xi32>, vector<16xi32>], vector<16xf32>,
      %mul3A_1375 = arith.mulf %gather3A, %gather3A_1374 : vector<16xf32>
      %add3A_1376 = arith.addf %broadcast_in_dim3A_1369, %mul3A_1375 : vector<16xf32>
      %add3A_1377 = arith.constant 1 : i32
      %add3A_1378 = arith.addi %add3A_1229, %add3A_1377 : i32
      %add3A_1379 = vector.broadcast %add3A_1378 : i32 to vector<16xi32>
      %add3A_1380 = arith.addi %broadcast_in_dim3A_1200, %add3A_1379 : vector<16xi32>
      %gather3A_1381 = tpu.vector_load_idx %arg7[%add3A_1367, %add3A_1380] : memref<64x1365xf32, #tpu.memory_space<vmem>>[vector<16xi32>, vector<16xi32>], vector<16xf32>,
      %mul3A_1382 = arith.mulf %gather3A_1238, %gather3A_1381 : vector<16xf32>
      %add3A_1383 = arith.addf %add3A_1376, %mul3A_1382 : vector<16xf32>
      %add3A_1384 = arith.constant 2 : i32
      %add3A_1385 = arith.addi %add3A_1229, %add3A_1384 : i32
      %add3A_1386 = vector.broadcast %add3A_1385 : i32 to vector<16xi32>
      %add3A_1387 = arith.addi %broadcast_in_dim3A_1200, %add3A_1386 : vector<16xi32>
      %gather3A_1388 = tpu.vector_load_idx %arg7[%add3A_1367, %add3A_1387] : memref<64x1365xf32, #tpu.memory_space<vmem>>[vector<16xi32>, vector<16xi32>], vector<16xf32>,
      %mul3A_1389 = arith.mulf %gather3A_1243, %gather3A_1388 : vector<16xf32>
      %add3A_1390 = arith.addf %add3A_1383, %mul3A_1389 : vector<16xf32>
      %add3A_1391 = arith.constant 3 : i32
      %add3A_1392 = arith.addi %add3A_1229, %add3A_1391 : i32
      %add3A_1393 = vector.broadcast %add3A_1392 : i32 to vector<16xi32>
      %add3A_1394 = arith.addi %broadcast_in_dim3A_1200, %add3A_1393 : vector<16xi32>
      %gather3A_1395 = tpu.vector_load_idx %arg7[%add3A_1367, %add3A_1394] : memref<64x1365xf32, #tpu.memory_space<vmem>>[vector<16xi32>, vector<16xi32>], vector<16xf32>,
      %mul3A_1396 = arith.mulf %gather3A_1248, %gather3A_1395 : vector<16xf32>
      %add3A_1397 = arith.addf %add3A_1390, %mul3A_1396 : vector<16xf32>
      %jit3A_1398 = arith.constant 0.000000e+00 : f32
      %jit3A_1399 = arith.constant 1.000000e+00 : f32
      %max3A_1400 = vector.broadcast %jit3A_1398 : f32 to vector<16xf32>
      %max3A_1401 = arith.maximumf %max3A_1400, %add3A_1397 : vector<16xf32>
      %min3A_1402 = vector.broadcast %jit3A_1399 : f32 to vector<16xf32>
      %min3A_1403 = arith.minimumf %min3A_1402, %max3A_1401 : vector<16xf32>
      tpu.vector_store_idx %arg7[%add3A_1367, %add3A_1250], %min3A_1403 : memref<64x1365xf32, #tpu.memory_space<vmem>>[vector<16xi32>, vector<16xi32>], vector<16xf32>,
    }
    %scan3A_1223 = arith.constant 341 : i32
    "tpu.region"() ({
      %run_scoped3A = tpu.sem_alloc : memref<!tpu.dma_semaphore, #tpu.memory_space<semaphore_mem>>
      %dma_start3A = arith.constant 0 : i32
      %dma_start3A_1224 = tpu.memref_slice %arg4[%mul3A_1217, %dma_start3A] : memref<4096x1365xf32, #tpu.memory_space<hbm>> -> memref<64x1365xf32, #tpu.memory_space<hbm>>
      %dma_start3A_1225 = arith.constant 0 : i32
      %dma_start3A_1226 = tpu.memref_slice %arg4[%mul3A_1217, %dma_start3A_1225] : memref<4096x1365xf32, #tpu.memory_space<hbm>> -> memref<64x1365xf32, #tpu.memory_space<hbm>>
      tpu.enqueue_dma source(%arg7 : memref<64x1365xf32, #tpu.memory_space<vmem>>) target(%dma_start3A_1226 : memref<64x1365xf32, #tpu.memory_space<hbm>>) target_semaphore(%run_scoped3A : memref<!tpu.dma_semaphore, #tpu.memory_space<semaphore_mem>>)
      %dma_wait3A = arith.constant 0 : i32
      %dma_wait3A_1227 = tpu.memref_slice %arg4[%mul3A_1217, %dma_wait3A] : memref<4096x1365xf32, #tpu.memory_space<hbm>> -> memref<64x1365xf32, #tpu.memory_space<hbm>>
      %dma_wait3A_1228 = arith.constant 0 : i32
      %dma_wait3A_1229 = tpu.memref_slice %arg4[%mul3A_1217, %dma_wait3A_1228] : memref<4096x1365xf32, #tpu.memory_space<hbm>> -> memref<64x1365xf32, #tpu.memory_space<hbm>>
      tpu.wait_dma2 semaphore(%run_scoped3A : memref<!tpu.dma_semaphore, #tpu.memory_space<semaphore_mem>>) src(%arg7 : memref<64x1365xf32, #tpu.memory_space<vmem>>) dst(%dma_wait3A_1229 : memref<64x1365xf32, #tpu.memory_space<hbm>>)
      tpu.yield
    }) : () -> ()
    return
  }
}

</mosaic_0001>

<sc_bundles>
// kernel: kernel.3.cloned.1.call-start
scs
__scs_entry_jumppad:
0x0: {  	(pc) =	sbr.rel $0x88, $3  }
0x1: {  	(tag) =	ssettag $0x0;
	lr =	simm.s32 $0x1  }
0x2: {  	[smem:$0x3F9F] =	sst lr;
	_ =	strace $0xD0000000  }
0x3: {  	_ = 	snop  }
0x4: {  	_ = 	snop  }
0x5: {  	_ = 	snop  }
0x6: {  	_ = 	snop  }
0x7: {  	_ = 	snop  }
__scs_overlays_trampoline_lowered:
0x8: {  	[smem:$0x3FAE] =	sst s0  }
0x9: {  	[smem:$0x3FAF] =	sst s1  }
0xa: {  	[smem:$0x3FB0] =	sst s2  }
0xb: {  	[smem:$0x3FB1] =	sst s3  }
0xc: {  	[smem:$0x3FB2] =	sst s4  }
0xd: {  	[smem:$0x3FB3] =	sst s5  }
0xe: {  	[smem:$0x3FB4] =	sst s6  }
0xf: {  	[smem:$0x3FB5] =	sst s7  }
0x10: {  	[smem:$0x3FB6] =	sst s8  }
0x11: {  	[smem:$0x3FB7] =	sst s9;
	s0 =	simm.s32 @!p0 $0x0  }
0x12: {  	s1 =	sld [smem:$0x3F9D];
	s0 =	simm.s32 @p0 $0x1  }
0x13: {  	[smem:$0x3FB8] =	sst s0;
	s0 =	simm.s32 @!p1 $0x0  }
0x14: {  	s2 =	sld [smem:$0x3F9C];
	s0 =	simm.s32 @p1 $0x1  }
0x15: {  	[smem:$0x3FB9] =	sst s0;
	s0 =	simm.s32 @!p2 $0x0  }
0x16: {  	s3 =	sld [smem:$0x3FDB];
	s0 =	simm.s32 @p2 $0x1  }
0x17: {  	s4 =	simm.s32 $0x1BF5;
	[smem:$0x3FBB] =	sst s0  }
0x18: {  	s0 =	sld [smem:$0x3F9E];
	_ =	swait.ge [sflag:s4], $0x0  }
0x19: {  	s7 =	sld [smem:$0x3F9F]  }
0x1a: {  	s8 =	sadd.s32 $0xFFFFE003, lr  }
0x1b: {  	s9 =	sadd.s32 $0xFFFFFEF7, lr;
	s5 =	simm.s32 $0xFFFFFFFF;
	p2 =	slt.u32 s8, $0xFFFFF086  }
0x1c: {  	p1 =	slt.u32 s9, $0xF7A;
	s5 =	simm.s32 @!p2 $0x0  }
0x1d: {  	s5 =	simm.s32 @p1 $0x1;
	p0 =	seq.s32 s7, s2  }
0x1e: {  	s7 =	smul.u32 @!p0 $0xF7A, s2;
	p2 =	seq.s32 @!p0 s5, $0x0  }
0x1f: {  	s9 =	smul.u32 $0xF7A, s1;
	s8 =	simm.s32 @!p0 $0x1BF5;
	p2 =	por !p2, p0  }
0x20: {  	[sflag:s8] =	ssyncset.s32 @!p0 $0xFFFFF086;
	s6 =	sadd.s32 @!p0 s3, s7;
	s7 =	simm.s32 @!p0 $0x108  }
0x21: {  	s3 =	sadd.s32 s3, s9;
	s6 =	sadd.s32 @!p0 $0x88, s6;
	s7 =	simm.s32 @p2 $0x1082  }
0x22: {  	[simem:s7], [sflag:s8] =	dma.local @!p0 [hbm:s6], $0xF7A  }
0x23: {  	s9 =	sor.u32 $0xD0000000, s2;
	s6 =	simm.s32 $0x108;
	_ =	swait.ge @!p0 [sflag:s8], $0x0  }
0x24: {  	s3 =	sadd.s32 $0x88, s3;
	s6 =	simm.s32 @!p1 $0x1082;
	[sflag:s4] =	ssyncset.s32 $0xFFFFF086  }
0x25: {  	[simem:s6], [sflag:s4] =	dma.local [hbm:s3], $0xF7A  }
0x26: {  	[smem:$0x3F9F] =	sst s1;
	(tag) =	ssettag s2;
	_ =	strace s9  }
0x27: {  	s1 =	sld [smem:$0x3FAF]  }
0x28: {  	s2 =	sld [smem:$0x3FB0]  }
0x29: {  	s4 =	sld [smem:$0x3FB2]  }
0x2a: {  	p0 =	seq.s32 s5, $0x0;
	s5 =	sld [smem:$0x3FB3]  }
0x2b: {  	s6 =	sld [smem:$0x3FB4]  }
0x2c: {  	s7 =	sld [smem:$0x3FB5]  }
0x2d: {  	s3 =	simm.s32 $0x108;
	s8 =	sld [smem:$0x3FB6]  }
0x2e: {  	s3 =	simm.s32 @!p0 $0x1082;
	s9 =	sld [smem:$0x3FB7]  }
0x2f: {  	lr =	sadd.s32 s0, s3;
	s0 =	sld [smem:$0x3FAE]  }
0x30: {  	s3 =	sld [smem:$0x3FB1]  }
0x31: {  	[smem:$0x3FBA] =	sst s10  }
0x32: {  	s10 =	sld [smem:$0x3FB8];
	_ =	sdelay $0x3  }
0x33: {  	p0 =	seq.s32 s10, $0x1;
	s10 =	sld [smem:$0x3FBA];
	_ =	sdelay $0x3  }
0x34: {  	[smem:$0x3FBA] =	sst s10  }
0x35: {  	s10 =	sld [smem:$0x3FB9];
	_ =	sdelay $0x3  }
0x36: {  	p1 =	seq.s32 s10, $0x1;
	s10 =	sld [smem:$0x3FBA];
	_ =	sdelay $0x3  }
0x37: {  	[smem:$0x3FBA] =	sst s10  }
0x38: {  	s10 =	sld [smem:$0x3FBB]  }
0x39: {  	_ = 	snop;
	(pc) =	sbr.ind lr, $3  }
0x3a: {  	_ = 	snop  }
0x3b: {  	_ = 	snop  }
0x3c: {  	p2 =	seq.s32 s10, $0x1;
	s10 =	sld [smem:$0x3FBA]  }
0x3d: {  	_ =	shalt  }
0x3e: {  	_ =	shalt  }
0x3f: {  	_ =	shalt  }
0x40: {  	_ =	shalt  }
0x41: {  	_ =	shalt  }
0x42: {  	_ =	shalt  }
0x43: {  	_ =	shalt  }
0x44: {  	_ =	shalt  }
0x45: {  	_ =	shalt  }
0x46: {  	_ =	shalt  }
0x47: {  	_ =	shalt  }
0x48: {  	_ =	shalt  }
0x49: {  	_ =	shalt  }
0x4a: {  	_ =	shalt  }
0x4b: {  	_ =	shalt  }
0x4c: {  	_ =	shalt  }
0x4d: {  	_ =	shalt  }
0x4e: {  	_ =	shalt  }
0x4f: {  	_ =	shalt  }
0x50: {  	_ =	shalt  }
0x51: {  	_ =	shalt  }
0x52: {  	_ =	shalt  }
0x53: {  	_ =	shalt  }
0x54: {  	_ =	shalt  }
0x55: {  	_ =	shalt  }
0x56: {  	_ =	shalt  }
0x57: {  	_ =	shalt  }
0x58: {  	_ =	shalt  }
0x59: {  	_ =	shalt  }
0x5a: {  	_ =	shalt  }
0x5b: {  	_ =	shalt  }
0x5c: {  	_ =	shalt  }
0x5d: {  	_ =	shalt  }
0x5e: {  	_ =	shalt  }
0x5f: {  	_ =	shalt  }
0x60: {  	_ =	shalt  }
0x61: {  	_ =	shalt  }
0x62: {  	_ =	shalt  }
0x63: {  	_ =	shalt  }
0x64: {  	_ =	shalt  }
0x65: {  	_ =	shalt  }
0x66: {  	_ =	shalt  }
0x67: {  	_ =	shalt  }
0x68: {  	_ =	shalt  }
0x69: {  	_ =	shalt  }
0x6a: {  	_ =	shalt  }
0x6b: {  	_ =	shalt  }
0x6c: {  	_ =	shalt  }
0x6d: {  	_ =	shalt  }
0x6e: {  	_ =	shalt  }
0x6f: {  	_ =	shalt  }
0x70: {  	_ =	shalt  }
0x71: {  	_ =	shalt  }
0x72: {  	_ =	shalt  }
0x73: {  	_ =	shalt  }
0x74: {  	_ =	shalt  }
0x75: {  	_ =	shalt  }
0x76: {  	_ =	shalt  }
0x77: {  	_ =	shalt  }
0x78: {  	_ =	shalt  }
0x79: {  	_ =	shalt  }
0x7a: {  	_ =	shalt  }
0x7b: {  	_ =	shalt  }
0x7c: {  	_ =	shalt  }
0x7d: {  	_ =	shalt  }
0x7e: {  	_ =	shalt  }
0x7f: {  	_ =	shalt  }
0x80: {  	_ =	shalt  }
0x81: {  	_ =	shalt  }
0x82: {  	_ =	shalt  }
0x83: {  	_ =	shalt  }
0x84: {  	_ =	shalt  }
0x85: {  	_ =	shalt  }
0x86: {  	_ =	shalt  }
0x87: {  	_ =	shalt  }
.Lfunc_end0:
.L_simem_size_0:
called_computation_lowered:
.L_overlay_start_0:
0x88: {  	s2 =	sld [smem:$0x3FD9]  }
0x89: {  	s3 =	sld [smem:$0x3FFE];
	_ =	sdelay $0x1  }
0x8a: {  	s1 =	srdreg.scid  }
0x8b: {  	s0 =	sand.u32 $0x1, s1  }
0x8c: {  	s17 =	sshll.u32 s0, $0xA;
	s2 =	sadd.s32 s3, s2  }
0x8d: {  	s2 =	sadd.s32 s2, s17  }
0x8e: {  	[smem:$0x3FC6] =	sst s2  }
0x8f: {  	_ = 	snop  }
0x90: {  	s2 =	sld [smem:$0x3FD0];
	(tm) =	ssettm $0x1  }
0x91: {  	s18 =	sld [smem:$0x3FFB];
	_ =	sdelay $0x3  }
0x92: {  	_ =	strace s18  }
0x93: {  	s3 =	sld [smem:$0x3FFC];
	_ =	sdelay $0x3  }
0x94: {  	_ =	strace s3  }
0x95: {  	s3 =	sld [smem:$0x3FFD];
	_ =	sdelay $0x3  }
0x96: {  	_ =	strace s3  }
0x97: {  	_ =	strace $0x8FFFFFFF  }
0x98: {  	s19 =	sld [smem:$0x3FDB];
	_ =	sdelay $0x1  }
0x99: {  	s4 =	simm.s32 $_scs_section_size  }
0x9a: {  	s5 =	simm.s32 $_size__tile_overlayer_lowered;
	s6 =	simm.s32 $_tile_overlayer_lowered  }
0x9b: {  	s22 =	simm.s32 $0x1BFF;
	s21 =	sshll.u32 s6, $0x1;
	s3 =	sadd.s32 s4, s19  }
0x9c: {  	s7 =	simm.s32 $0x0;
	s20 =	sshll.u32 s5, $0x1;
	s5 =	sadd.s32 s21, s3  }
0x9d: {  	[timem:s7], [sflag:s22] =	dma.local [hbm:s5], s20  }
0x9e: {  	_ =	swait.ge [sflag:s22], s20  }
0x9f: {  	s4 =	ssub.s32 $0x0, s20;
	[sflag:s22] =	ssyncset.done $0x0  }
0xa0: {  	[sflag:s22] =	ssyncadd.s32 s4;
	_ =	sdelay $0x1  }
0xa1: {  	s23 =	simm.s32 $0x1B8B  }
0xa2: {  	_ =	swait.ge [sflag:s23], $0x1  }
0xa3: {  	[sflag:s23] =	ssyncset.done $0x0  }
0xa4: {  	s25 =	simm.s32 $0x1B8E;
	s24 =	sld [smem:$0x3FFE];
	[sflag:s23] =	ssyncadd.s32 $0xFFFFFFFF  }
0xa5: {  	s26 =	simm.s32 $execute0_lowered;
	[smem:$0x3FD2] =	sst s25  }
0xa6: {  	s5 =	sshll.u32 s26, $0x1;
	_ =	strace $0x80000046;
	[dreg:$0x1] =	wrdreg $0xFFFFFFFF  }
0xa7: {  	s28 =	simm.s32 $_size_execute0_lowered;
	s3 =	sadd.s32 s3, s5;
	[dreg:$0x0] =	wrdreg $0x0  }
0xa8: {  	s5 =	sshll.u32 s28, $0x1;
	[dreg:$0x2] =	wrdreg s3  }
0xa9: {  	[dreg:$0x3] =	wrdreg s5  }
0xaa: {  	[dreg:$0x4] =	wrdreg $0xC0  }
0xab: {  	_ =	task [dreg:s7], $0x5FFFF  }
0xac: {  	[dreg:$0x1] =	wrdreg $0xFFFFFFFF  }
0xad: {  	[dreg:$0x0] =	wrdreg $0x60  }
0xae: {  	[dreg:$0x2] =	wrdreg s24  }
0xaf: {  	[dreg:$0x3] =	wrdreg s2  }
0xb0: {  	[dreg:$0x4] =	wrdreg $0x9  }
0xb1: {  	_ =	task.clear_ibuf [dreg:s7], $0x5FFFF;
	_ =	strace $0x90000046  }
0xb2: {  	s29 =	simm.s32 $0x9;
	_ =	strace $0x80000048  }
0xb3: {  	_ =	swait.ge [sflag:s29], $0x1  }
0xb4: {  	[sflag:s29] =	ssyncadd.s32 $0xFFFFFFFF  }
0xb5: {  	_ =	strace $0x90000048  }
0xb6: {  	_ =	sfence  }
0xb7: {  	s30 =	sld [smem:$0x0];
	_ =	sdelay $0x2  }
0xb8: {  	s31 =	sshll.u32 s1, $0xD;
	s1 =	sshrl.u32 s1, $0x2  }
0xb9: {  	s3 =	sand.u32 $0x4000, s31;
	s1 =	sadd.s32 s1, s30  }
0xba: {  	s0 =	sor.u32 s3, s0;
	s1 =	sshll.u32 s1, $0x11  }
0xbb: {  	s0 =	sor.u32 s1, s0  }
0xbc: {  	s0 =	sadd.s32 $0x8F2B, s0  }
0xbd: {  	[sflag:s0] =	ssyncadd.remote.s32 $0x1  }
0xbe: {  	_ =	sfence.sel $0xFFFF  }
0xbf: {  	[dreg:$0x0] =	wrdreg $0xFFFFFFFF;
	(pc) =	sbr.abs _section_cstart, $3  }
0xc0: {  	[dreg:$0x1] =	wrdreg $0xFFFFFFFF  }
0xc1: {  	_ =	task.clear_ibuf [dreg:s7], $0x2FFFF;
	_ =	strace $0x9FFFFFFF  }
0xc2: {  	(tm) =	ssettm $0x7FFFFFFF  }
0xc3: {  	_ =	shalt  }
tec
execute0_lowered:
.L_overlay_start_1:
0x0: {  	(tag) =	ssettag $0x1  }
0x1: {  	v0 =	vimm.s32 $0x2F80  }
0x2: {  	vm14 =	vcmask $0x300;
	vm13 =	vcmask $0x704;
	vm12 =	vcmask $0xB08  }
0x3: {  	vm11 =	vcmask $0xF0C;
	vm10 =	vcmask $0x1310;
	vm9 =	vcmask $0x1714  }
0x4: {  	vm8 =	vcmask $0x1B18;
	vm7 =	vcmask $0x1F1C;
	vm6 =	vcmask $0x2320  }
0x5: {  	vm5 =	vcmask $0x2724;
	vm4 =	vcmask $0x2B28;
	vm3 =	vcmask $0x2F2C  }
0x6: {  	vm2 =	vcmask $0x3330;
	vm1 =	vcmask $0x3734;
	vm0 =	vcmask $0x3B38  }
0x7: {  	v1 =	vimm.s32 $0x8780;
	v2 =	vimm.s32 $0xDF80;
	v3 =	vimm.s32 $0x13780  }
0x8: {  	v0 =	vsel vm14, $0x0, v0;
	v1 =	vsel vm14, $0x5800, v1;
	v2 =	vsel vm14, $0xB000, v2  }
0x9: {  	v3 =	vsel vm14, $0x10800, v3;
	v0 =	vsel vm13, $0x80, v0;
	v1 =	vsel vm13, $0x5880, v1  }
0xa: {  	v2 =	vsel vm13, $0xB080, v2;
	v3 =	vsel vm13, $0x10880, v3;
	v0 =	vsel vm12, $0x100, v0  }
0xb: {  	v1 =	vsel vm12, $0x5900, v1;
	v2 =	vsel vm12, $0xB100, v2;
	v3 =	vsel vm12, $0x10900, v3  }
0xc: {  	v0 =	vsel vm11, $0x180, v0;
	v1 =	vsel vm11, $0x5980, v1;
	v2 =	vsel vm11, $0xB180, v2  }
0xd: {  	v3 =	vsel vm11, $0x10980, v3;
	v0 =	vsel vm10, $0x200, v0;
	v1 =	vsel vm10, $0x5A00, v1  }
0xe: {  	v2 =	vsel vm10, $0xB200, v2;
	v3 =	vsel vm10, $0x10A00, v3;
	v0 =	vsel vm9, $0x280, v0  }
0xf: {  	v1 =	vsel vm9, $0x5A80, v1;
	v2 =	vsel vm9, $0xB280, v2;
	v3 =	vsel vm9, $0x10A80, v3  }
0x10: {  	v0 =	vsel vm8, $0x300, v0;
	v1 =	vsel vm8, $0x5B00, v1;
	v2 =	vsel vm8, $0xB300, v2  }
0x11: {  	s1 =	srdreg.scid;
	v3 =	vsel vm8, $0x10B00, v3;
	v0 =	vsel vm7, $0x380, v0;
	v1 =	vsel vm7, $0x5B80, v1  }
0x12: {  	s4 =	rddreg [dreg:$0x0];
	s0 =	stileid.u32;
	v2 =	vsel vm7, $0xB380, v2;
	v3 =	vsel vm7, $0x10B80, v3;
	v0 =	vsel vm6, $0x2C00, v0  }
0x13: {  	s2 =	rddreg [dreg:$0x1];
	s3 =	simm.s32 $0x0;
	s5 =	sand.u32 $0x1, s1;
	v1 =	vsel vm6, $0x8400, v1;
	v2 =	vsel vm6, $0xDC00, v2;
	v3 =	vsel vm6, $0x13400, v3  }
0x14: {  	s11 =	simm.s32 $0x580;
	s6 =	sshll.u32 s0, $0x5;
	s7 =	sshll.u32 s5, $0x4;
	v0 =	vsel vm5, $0x2C80, v0;
	v1 =	vsel vm5, $0x8480, v1;
	v2 =	vsel vm5, $0xDC80, v2  }
0x15: {  	s12 =	simm.s32 $0x0;
	s1 =	rddreg [dreg:$0x2];
	s6 =	sor.u32 s7, s6;
	v3 =	vsel vm5, $0x13480, v3;
	v0 =	vsel vm4, $0x2D00, v0;
	v1 =	vsel vm4, $0x8500, v1  }
0x16: {  	[smem:$0x7FF] =	sst s3;
	s8 =	sadd.s32 $0x600, s4;
	s7 =	smul.u32 $0x2C00, s6;
	v2 =	vsel vm4, $0xDD00, v2;
	v3 =	vsel vm4, $0x13500, v3;
	v0 =	vsel vm3, $0x2D80, v0  }
0x17: {  	s10 =	sadd.s32 $0xB0600, s4;
	s5 =	ssub.s32 $0x2, s5;
	s6 =	smul.u32 $0x580, s6;
	v1 =	vsel vm3, $0x8580, v1;
	v2 =	vsel vm3, $0xDD80, v2;
	v3 =	vsel vm3, $0x13580, v3  }
0x18: {  	_ =	strace $0x80000047;
	s9 =	sshrl.u32 s5, $0x1;
	s7 =	sshrl.u32 s7, $0x3;
	v0 =	vsel vm2, $0x2E00, v0;
	v1 =	vsel vm2, $0x8600, v1;
	v2 =	vsel vm2, $0xDE00, v2  }
0x19: {  	s9 =	ssub.s32 s5, s9;
	s4 =	sadd.s32 s8, s6;
	s7 =	sadd.s32 $0x2C00, s7;
	v3 =	vsel vm2, $0x13600, v3;
	v0 =	vsel vm1, $0x2E80, v0;
	v1 =	vsel vm1, $0x8680, v1  }
0x1a: {  	s5 =	sadd.s32 s10, s6;
	s6 =	sadd.s32 s8, s7;
	s7 =	sadd.s32 s10, s7;
	v2 =	vsel vm1, $0xDE80, v2;
	v3 =	vsel vm1, $0x13680, v3;
	v0 =	vsel vm0, $0x2F00, v0  }
0x1b: {  	s8 =	smax.u32 s9, $0x1;
	s9 =	simm.s32 $0x1;
	s10 =	simm.s32 $0xB00;
	v1 =	vsel vm0, $0x8700, v1;
	v2 =	vsel vm0, $0xDF00, v2;
	v3 =	vsel vm0, $0x13700, v3  }
.LBB2_1:
0x1c: {  	[tilespmem:s3], [sflag:$0x1] =	stream.linear.gather [hbm4b:s2+s3], $0x580, $0x38;
	[tilespmem:$0x16B00] =	vst v63  }
0x1d: {  	_ =	swait.ge [sflag:s9], $0x580  }
0x1e: {  	[sflag:s9] =	ssyncset.done $0x0  }
0x1f: {  	[sflag:s9] =	ssyncadd.s32 $0xFFFFFA80  }
0x20: {  	v4 =	vld [tilespmem:$0x0];
	_ =	sdelay $0x4  }
0x21: {  	v4 =	vsub.f32 $0.0e+00, v4;
	_ =	sdelay $0x1  }
0x22: {  	v4 =	vmul.f32 $1.442695020e+00, v4;
	_ =	sdelay $0x1  }
0x23: {  	(erf) = vpow2.f32 v4;
	_ =	sdelay $0x3  }
0x24: {  	v4 =	vld [tilespmem:$0x10];
	_ =	sdelay $0x4  }
0x25: {  	v4 =	vsub.f32 $0.0e+00, v4;
	v5 =	vpop (erf)  }
0x26: {  	v5 =	vadd.f32 $1.000000000e+00, v5  }
0x27: {  	v4 =	vmul.f32 $1.442695020e+00, v4  }
0x28: {  	(erf) = vrcp.f32 v5  }
0x29: {  	(erf) = vpow2.f32 v4;
	_ =	sdelay $0x3  }
0x2a: {  	v4 =	vld [tilespmem:$0x20];
	_ =	sdelay $0x3  }
0x2b: {  	v5 =	vpop (erf)  }
0x2c: {  	v4 =	vsub.f32 $0.0e+00, v4;
	v6 =	vpop (erf)  }
0x2d: {  	v6 =	vadd.f32 $1.000000000e+00, v6  }
0x2e: {  	v4 =	vmul.f32 $1.442695020e+00, v4  }
0x2f: {  	(erf) = vrcp.f32 v6  }
0x30: {  	(erf) = vpow2.f32 v4;
	_ =	sdelay $0x3  }
0x31: {  	v4 =	vld [tilespmem:$0x30];
	_ =	sdelay $0x3  }
0x32: {  	v6 =	vpop (erf)  }
0x33: {  	v4 =	vsub.f32 $0.0e+00, v4;
	v7 =	vpop (erf)  }
0x34: {  	v7 =	vadd.f32 $1.000000000e+00, v7  }
0x35: {  	v4 =	vmul.f32 $1.442695020e+00, v4  }
0x36: {  	(erf) = vrcp.f32 v7  }
0x37: {  	(erf) = vpow2.f32 v4;
	_ =	sdelay $0x3  }
0x38: {  	v4 =	vld [tilespmem:$0x40];
	_ =	sdelay $0x3  }
0x39: {  	v7 =	vpop (erf)  }
0x3a: {  	v4 =	vsub.f32 $0.0e+00, v4;
	v8 =	vpop (erf)  }
0x3b: {  	v8 =	vadd.f32 $1.000000000e+00, v8  }
0x3c: {  	v4 =	vmul.f32 $1.442695020e+00, v4  }
0x3d: {  	(erf) = vrcp.f32 v8  }
0x3e: {  	(erf) = vpow2.f32 v4;
	_ =	sdelay $0x3  }
0x3f: {  	v4 =	vld [tilespmem:$0x50];
	_ =	sdelay $0x3  }
0x40: {  	v8 =	vpop (erf)  }
0x41: {  	v4 =	vsub.f32 $0.0e+00, v4;
	v9 =	vpop (erf)  }
0x42: {  	v9 =	vadd.f32 $1.000000000e+00, v9  }
0x43: {  	v4 =	vmul.f32 $1.442695020e+00, v4  }
0x44: {  	(erf) = vrcp.f32 v9  }
0x45: {  	(erf) = vpow2.f32 v4;
	_ =	sdelay $0x3  }
0x46: {  	v4 =	vld [tilespmem:$0x60];
	_ =	sdelay $0x3  }
0x47: {  	v9 =	vpop (erf)  }
0x48: {  	v4 =	vsub.f32 $0.0e+00, v4;
	v10 =	vpop (erf)  }
0x49: {  	v10 =	vadd.f32 $1.000000000e+00, v10  }
0x4a: {  	v4 =	vmul.f32 $1.442695020e+00, v4  }
0x4b: {  	(erf) = vrcp.f32 v10  }
0x4c: {  	(erf) = vpow2.f32 v4;
	_ =	sdelay $0x7  }
0x4d: {  	v4 =	vpop (erf)  }
0x4e: {  	v10 =	vpop (erf)  }
0x4f: {  	v10 =	vadd.f32 $1.000000000e+00, v10;
	_ =	sdelay $0x1  }
0x50: {  	(erf) = vrcp.f32 v10;
	_ =	sdelay $0x8  }
0x51: {  	[tilespmem:$0x5D0] =	vst v4;
	v4 =	vpop (erf)  }
0x52: {  	[tilespmem:$0x5E0] =	vst v4;
	v4 =	vld [tilespmem:$0x70];
	_ =	sdelay $0x4  }
0x53: {  	v4 =	vsub.f32 $0.0e+00, v4;
	_ =	sdelay $0x1  }
0x54: {  	v4 =	vmul.f32 $1.442695020e+00, v4;
	_ =	sdelay $0x1  }
0x55: {  	(erf) = vpow2.f32 v4;
	_ =	sdelay $0x3  }
0x56: {  	v4 =	vld [tilespmem:$0x80];
	_ =	sdelay $0x4  }
0x57: {  	[tilespmem:$0x580] =	vst v5;
	v4 =	vsub.f32 $0.0e+00, v4;
	v5 =	vpop (erf)  }
0x58: {  	v5 =	vadd.f32 $1.000000000e+00, v5  }
0x59: {  	v4 =	vmul.f32 $1.442695020e+00, v4  }
0x5a: {  	(erf) = vrcp.f32 v5  }
0x5b: {  	(erf) = vpow2.f32 v4;
	_ =	sdelay $0x3  }
0x5c: {  	v4 =	vld [tilespmem:$0x90];
	_ =	sdelay $0x3  }
0x5d: {  	v5 =	vpop (erf)  }
0x5e: {  	v4 =	vsub.f32 $0.0e+00, v4;
	[tilespmem:$0x1FEF0] =	vst v5;
	v5 =	vpop (erf)  }
0x5f: {  	v5 =	vadd.f32 $1.000000000e+00, v5  }
0x60: {  	v4 =	vmul.f32 $1.442695020e+00, v4  }
0x61: {  	(erf) = vrcp.f32 v5  }
0x62: {  	(erf) = vpow2.f32 v4;
	_ =	sdelay $0x3  }
0x63: {  	v4 =	vld [tilespmem:$0xA0];
	_ =	sdelay $0x3  }
0x64: {  	v5 =	vpop (erf)  }
0x65: {  	v4 =	vsub.f32 $0.0e+00, v4;
	[tilespmem:$0x1FF00] =	vst v5;
	v5 =	vpop (erf)  }
0x66: {  	v5 =	vadd.f32 $1.000000000e+00, v5  }
0x67: {  	v4 =	vmul.f32 $1.442695020e+00, v4  }
0x68: {  	(erf) = vrcp.f32 v5  }
0x69: {  	(erf) = vpow2.f32 v4;
	_ =	sdelay $0x3  }
0x6a: {  	v4 =	vld [tilespmem:$0xB0];
	_ =	sdelay $0x3  }
0x6b: {  	v5 =	vpop (erf)  }
0x6c: {  	v4 =	vsub.f32 $0.0e+00, v4;
	[tilespmem:$0x1FF10] =	vst v5;
	v5 =	vpop (erf)  }
0x6d: {  	v5 =	vadd.f32 $1.000000000e+00, v5  }
0x6e: {  	v4 =	vmul.f32 $1.442695020e+00, v4  }
0x6f: {  	(erf) = vrcp.f32 v5  }
0x70: {  	(erf) = vpow2.f32 v4;
	_ =	sdelay $0x3  }
0x71: {  	v4 =	vld [tilespmem:$0xC0];
	_ =	sdelay $0x3  }
0x72: {  	v5 =	vpop (erf)  }
0x73: {  	v4 =	vsub.f32 $0.0e+00, v4;
	[tilespmem:$0x1FF20] =	vst v5;
	v5 =	vpop (erf)  }
0x74: {  	v5 =	vadd.f32 $1.000000000e+00, v5  }
0x75: {  	v4 =	vmul.f32 $1.442695020e+00, v4  }
0x76: {  	(erf) = vrcp.f32 v5  }
0x77: {  	(erf) = vpow2.f32 v4;
	_ =	sdelay $0x3  }
0x78: {  	v4 =	vld [tilespmem:$0xD0];
	_ =	sdelay $0x2  }
0x79: {  	[tilespmem:$0x590] =	vst v6  }
0x7a: {  	[tilespmem:$0x5A0] =	vst v7;
	v5 =	vpop (erf)  }
0x7b: {  	v4 =	vsub.f32 $0.0e+00, v4;
	[tilespmem:$0x1FF30] =	vst v5;
	v5 =	vpop (erf)  }
0x7c: {  	[tilespmem:$0x5B0] =	vst v8;
	v5 =	vadd.f32 $1.000000000e+00, v5  }
0x7d: {  	[tilespmem:$0x5C0] =	vst v9;
	v4 =	vmul.f32 $1.442695020e+00, v4  }
0x7e: {  	(erf) = vrcp.f32 v5  }
0x7f: {  	(erf) = vpow2.f32 v4;
	_ =	sdelay $0x3  }
0x80: {  	v4 =	vld [tilespmem:$0xE0];
	_ =	sdelay $0x3  }
0x81: {  	v5 =	vpop (erf)  }
0x82: {  	v4 =	vsub.f32 $0.0e+00, v4;
	[tilespmem:$0x1FF40] =	vst v5;
	v5 =	vpop (erf)  }
0x83: {  	v5 =	vadd.f32 $1.000000000e+00, v5  }
0x84: {  	v4 =	vmul.f32 $1.442695020e+00, v4  }
0x85: {  	(erf) = vrcp.f32 v5  }
0x86: {  	(erf) = vpow2.f32 v4;
	_ =	sdelay $0x3  }
0x87: {  	v4 =	vld [tilespmem:$0xF0];
	_ =	sdelay $0x3  }
0x88: {  	v5 =	vpop (erf)  }
0x89: {  	v4 =	vsub.f32 $0.0e+00, v4;
	[tilespmem:$0x1FF50] =	vst v5;
	v5 =	vpop (erf)  }
0x8a: {  	v5 =	vadd.f32 $1.000000000e+00, v5  }
0x8b: {  	v4 =	vmul.f32 $1.442695020e+00, v4  }
0x8c: {  	(erf) = vrcp.f32 v5  }
0x8d: {  	(erf) = vpow2.f32 v4;
	_ =	sdelay $0x3  }
0x8e: {  	v4 =	vld [tilespmem:$0x100];
	_ =	sdelay $0x3  }
0x8f: {  	v5 =	vpop (erf)  }
0x90: {  	v4 =	vsub.f32 $0.0e+00, v4;
	[tilespmem:$0x1FF60] =	vst v5;
	v5 =	vpop (erf)  }
0x91: {  	v5 =	vadd.f32 $1.000000000e+00, v5  }
0x92: {  	v4 =	vmul.f32 $1.442695020e+00, v4  }
0x93: {  	(erf) = vrcp.f32 v5  }
0x94: {  	(erf) = vpow2.f32 v4;
	_ =	sdelay $0x3  }
0x95: {  	v4 =	vld [tilespmem:$0x110];
	_ =	sdelay $0x3  }
0x96: {  	v5 =	vpop (erf)  }
0x97: {  	v4 =	vsub.f32 $0.0e+00, v4;
	[tilespmem:$0x1FF70] =	vst v5;
	v5 =	vpop (erf)  }
0x98: {  	v5 =	vadd.f32 $1.000000000e+00, v5  }
0x99: {  	v4 =	vmul.f32 $1.442695020e+00, v4  }
0x9a: {  	(erf) = vrcp.f32 v5  }
0x9b: {  	(erf) = vpow2.f32 v4;
	_ =	sdelay $0x3  }
0x9c: {  	v4 =	vld [tilespmem:$0x120];
	_ =	sdelay $0x3  }
0x9d: {  	v5 =	vpop (erf)  }
0x9e: {  	v4 =	vsub.f32 $0.0e+00, v4;
	[tilespmem:$0x1FF80] =	vst v5;
	v5 =	vpop (erf)  }
0x9f: {  	v5 =	vadd.f32 $1.000000000e+00, v5  }
0xa0: {  	v4 =	vmul.f32 $1.442695020e+00, v4  }
0xa1: {  	(erf) = vrcp.f32 v5  }
0xa2: {  	(erf) = vpow2.f32 v4;
	_ =	sdelay $0x3  }
0xa3: {  	v4 =	vld [tilespmem:$0x130];
	_ =	sdelay $0x3  }
0xa4: {  	v5 =	vpop (erf)  }
0xa5: {  	v4 =	vsub.f32 $0.0e+00, v4;
	[tilespmem:$0x1FF90] =	vst v5;
	v5 =	vpop (erf)  }
0xa6: {  	v5 =	vadd.f32 $1.000000000e+00, v5  }
0xa7: {  	v4 =	vmul.f32 $1.442695020e+00, v4  }
0xa8: {  	(erf) = vrcp.f32 v5  }
0xa9: {  	(erf) = vpow2.f32 v4;
	_ =	sdelay $0x3  }
0xaa: {  	v4 =	vld [tilespmem:$0x140];
	_ =	sdelay $0x3  }
0xab: {  	v5 =	vpop (erf)  }
0xac: {  	v4 =	vsub.f32 $0.0e+00, v4;
	[tilespmem:$0x1FFA0] =	vst v5;
	v5 =	vpop (erf)  }
0xad: {  	v5 =	vadd.f32 $1.000000000e+00, v5  }
0xae: {  	v4 =	vmul.f32 $1.442695020e+00, v4  }
0xaf: {  	(erf) = vrcp.f32 v5  }
0xb0: {  	(erf) = vpow2.f32 v4;
	_ =	sdelay $0x3  }
0xb1: {  	v4 =	vld [tilespmem:$0x150];
	_ =	sdelay $0x3  }
0xb2: {  	v5 =	vpop (erf)  }
0xb3: {  	v4 =	vsub.f32 $0.0e+00, v4;
	[tilespmem:$0x1FFB0] =	vst v5;
	v5 =	vpop (erf)  }
0xb4: {  	v5 =	vadd.f32 $1.000000000e+00, v5  }
0xb5: {  	v4 =	vmul.f32 $1.442695020e+00, v4  }
0xb6: {  	(erf) = vrcp.f32 v5  }
0xb7: {  	(erf) = vpow2.f32 v4;
	_ =	sdelay $0x3  }
0xb8: {  	v4 =	vld [tilespmem:$0x160];
	_ =	sdelay $0x3  }
0xb9: {  	v5 =	vpop (erf)  }
0xba: {  	v4 =	vsub.f32 $0.0e+00, v4;
	[tilespmem:$0x1FFC0] =	vst v5;
	v5 =	vpop (erf)  }
0xbb: {  	v5 =	vadd.f32 $1.000000000e+00, v5  }
0xbc: {  	v4 =	vmul.f32 $1.442695020e+00, v4  }
0xbd: {  	(erf) = vrcp.f32 v5  }
0xbe: {  	(erf) = vpow2.f32 v4;
	_ =	sdelay $0x3  }
0xbf: {  	v4 =	vld [tilespmem:$0x170];
	_ =	sdelay $0x3  }
0xc0: {  	v5 =	vpop (erf)  }
0xc1: {  	v4 =	vsub.f32 $0.0e+00, v4;
	[tilespmem:$0x1FFD0] =	vst v5;
	v5 =	vpop (erf)  }
0xc2: {  	v5 =	vadd.f32 $1.000000000e+00, v5  }
0xc3: {  	v4 =	vmul.f32 $1.442695020e+00, v4  }
0xc4: {  	(erf) = vrcp.f32 v5  }
0xc5: {  	(erf) = vpow2.f32 v4;
	_ =	sdelay $0x3  }
0xc6: {  	v4 =	vld [tilespmem:$0x180];
	_ =	sdelay $0x3  }
0xc7: {  	v5 =	vpop (erf)  }
0xc8: {  	v4 =	vsub.f32 $0.0e+00, v4;
	[tilespmem:$0x1FFE0] =	vst v5;
	v5 =	vpop (erf)  }
0xc9: {  	v5 =	vadd.f32 $1.000000000e+00, v5  }
0xca: {  	v4 =	vmul.f32 $1.442695020e+00, v4  }
0xcb: {  	(erf) = vrcp.f32 v5  }
0xcc: {  	(erf) = vpow2.f32 v4;
	_ =	sdelay $0x3  }
0xcd: {  	v4 =	vld [tilespmem:$0x190];
	_ =	sdelay $0x3  }
0xce: {  	v5 =	vpop (erf)  }
0xcf: {  	v4 =	vsub.f32 $0.0e+00, v4;
	[tilespmem:$0x1FFF0] =	vst v5;
	v5 =	vpop (erf)  }
0xd0: {  	v5 =	vadd.f32 $1.000000000e+00, v5  }
0xd1: {  	v4 =	vmul.f32 $1.442695020e+00, v4  }
0xd2: {  	(erf) = vrcp.f32 v5  }
0xd3: {  	(erf) = vpow2.f32 v4;
	_ =	sdelay $0x3  }
0xd4: {  	v4 =	vld [tilespmem:$0x1A0];
	_ =	sdelay $0x3  }
0xd5: {  	v21 =	vpop (erf)  }
0xd6: {  	v4 =	vsub.f32 $0.0e+00, v4;
	v5 =	vpop (erf)  }
0xd7: {  	v5 =	vadd.f32 $1.000000000e+00, v5  }
0xd8: {  	v4 =	vmul.f32 $1.442695020e+00, v4  }
0xd9: {  	(erf) = vrcp.f32 v5  }
0xda: {  	(erf) = vpow2.f32 v4;
	_ =	sdelay $0x3  }
0xdb: {  	v4 =	vld [tilespmem:$0x1B0];
	_ =	sdelay $0x3  }
0xdc: {  	v22 =	vpop (erf)  }
0xdd: {  	v4 =	vsub.f32 $0.0e+00, v4;
	v5 =	vpop (erf)  }
0xde: {  	v5 =	vadd.f32 $1.000000000e+00, v5  }
0xdf: {  	v4 =	vmul.f32 $1.442695020e+00, v4  }
0xe0: {  	(erf) = vrcp.f32 v5  }
0xe1: {  	(erf) = vpow2.f32 v4;
	_ =	sdelay $0x3  }
0xe2: {  	v4 =	vld [tilespmem:$0x1C0];
	_ =	sdelay $0x3  }
0xe3: {  	v23 =	vpop (erf)  }
0xe4: {  	v4 =	vsub.f32 $0.0e+00, v4;
	v5 =	vpop (erf)  }
0xe5: {  	v5 =	vadd.f32 $1.000000000e+00, v5  }
0xe6: {  	v4 =	vmul.f32 $1.442695020e+00, v4  }
0xe7: {  	(erf) = vrcp.f32 v5  }
0xe8: {  	(erf) = vpow2.f32 v4;
	_ =	sdelay $0x3  }
0xe9: {  	v4 =	vld [tilespmem:$0x1D0];
	_ =	sdelay $0x3  }
0xea: {  	v24 =	vpop (erf)  }
0xeb: {  	v4 =	vsub.f32 $0.0e+00, v4;
	v5 =	vpop (erf)  }
0xec: {  	v5 =	vadd.f32 $1.000000000e+00, v5  }
0xed: {  	v4 =	vmul.f32 $1.442695020e+00, v4  }
0xee: {  	(erf) = vrcp.f32 v5  }
0xef: {  	(erf) = vpow2.f32 v4;
	_ =	sdelay $0x3  }
0xf0: {  	v4 =	vld [tilespmem:$0x1E0];
	_ =	sdelay $0x3  }
0xf1: {  	v25 =	vpop (erf)  }
0xf2: {  	v4 =	vsub.f32 $0.0e+00, v4;
	v5 =	vpop (erf)  }
0xf3: {  	v5 =	vadd.f32 $1.000000000e+00, v5  }
0xf4: {  	v4 =	vmul.f32 $1.442695020e+00, v4  }
0xf5: {  	(erf) = vrcp.f32 v5  }
0xf6: {  	(erf) = vpow2.f32 v4;
	_ =	sdelay $0x3  }
0xf7: {  	v4 =	vld [tilespmem:$0x1F0];
	_ =	sdelay $0x3  }
0xf8: {  	v26 =	vpop (erf)  }
0xf9: {  	v4 =	vsub.f32 $0.0e+00, v4;
	v5 =	vpop (erf)  }
0xfa: {  	v5 =	vadd.f32 $1.000000000e+00, v5  }
0xfb: {  	v4 =	vmul.f32 $1.442695020e+00, v4  }
0xfc: {  	(erf) = vrcp.f32 v5  }
0xfd: {  	(erf) = vpow2.f32 v4;
	_ =	sdelay $0x3  }
0xfe: {  	v4 =	vld [tilespmem:$0x200];
	_ =	sdelay $0x3  }
0xff: {  	v27 =	vpop (erf)  }
0x100: {  	v4 =	vsub.f32 $0.0e+00, v4;
	v5 =	vpop (erf)  }
0x101: {  	v5 =	vadd.f32 $1.000000000e+00, v5  }
0x102: {  	v4 =	vmul.f32 $1.442695020e+00, v4  }
0x103: {  	(erf) = vrcp.f32 v5  }
0x104: {  	(erf) = vpow2.f32 v4;
	_ =	sdelay $0x3  }
0x105: {  	v4 =	vld [tilespmem:$0x210];
	_ =	sdelay $0x3  }
0x106: {  	v28 =	vpop (erf)  }
0x107: {  	v4 =	vsub.f32 $0.0e+00, v4;
	v5 =	vpop (erf)  }
0x108: {  	v5 =	vadd.f32 $1.000000000e+00, v5  }
0x109: {  	v4 =	vmul.f32 $1.442695020e+00, v4  }
0x10a: {  	(erf) = vrcp.f32 v5  }
0x10b: {  	(erf) = vpow2.f32 v4;
	_ =	sdelay $0x3  }
0x10c: {  	v4 =	vld [tilespmem:$0x220];
	_ =	sdelay $0x3  }
0x10d: {  	v29 =	vpop (erf)  }
0x10e: {  	v4 =	vsub.f32 $0.0e+00, v4;
	v5 =	vpop (erf)  }
0x10f: {  	v5 =	vadd.f32 $1.000000000e+00, v5  }
0x110: {  	v4 =	vmul.f32 $1.442695020e+00, v4  }
0x111: {  	(erf) = vrcp.f32 v5  }
0x112: {  	(erf) = vpow2.f32 v4;
	_ =	sdelay $0x3  }
0x113: {  	v4 =	vld [tilespmem:$0x230];
	_ =	sdelay $0x3  }
0x114: {  	v30 =	vpop (erf)  }
0x115: {  	v4 =	vsub.f32 $0.0e+00, v4;
	v5 =	vpop (erf)  }
0x116: {  	v5 =	vadd.f32 $1.000000000e+00, v5  }
0x117: {  	v4 =	vmul.f32 $1.442695020e+00, v4  }
0x118: {  	(erf) = vrcp.f32 v5  }
0x119: {  	(erf) = vpow2.f32 v4;
	_ =	sdelay $0x3  }
0x11a: {  	v4 =	vld [tilespmem:$0x240];
	_ =	sdelay $0x3  }
0x11b: {  	v31 =	vpop (erf)  }
0x11c: {  	v4 =	vsub.f32 $0.0e+00, v4;
	v5 =	vpop (erf)  }
0x11d: {  	v5 =	vadd.f32 $1.000000000e+00, v5  }
0x11e: {  	v4 =	vmul.f32 $1.442695020e+00, v4  }
0x11f: {  	(erf) = vrcp.f32 v5  }
0x120: {  	(erf) = vpow2.f32 v4;
	_ =	sdelay $0x3  }
0x121: {  	v4 =	vld [tilespmem:$0x250];
	_ =	sdelay $0x3  }
0x122: {  	v32 =	vpop (erf)  }
0x123: {  	v4 =	vsub.f32 $0.0e+00, v4;
	v5 =	vpop (erf)  }
0x124: {  	v5 =	vadd.f32 $1.000000000e+00, v5  }
0x125: {  	v4 =	vmul.f32 $1.442695020e+00, v4  }
0x126: {  	(erf) = vrcp.f32 v5  }
0x127: {  	(erf) = vpow2.f32 v4;
	_ =	sdelay $0x3  }
0x128: {  	v4 =	vld [tilespmem:$0x260];
	_ =	sdelay $0x3  }
0x129: {  	v33 =	vpop (erf)  }
0x12a: {  	v4 =	vsub.f32 $0.0e+00, v4;
	v5 =	vpop (erf)  }
0x12b: {  	v5 =	vadd.f32 $1.000000000e+00, v5  }
0x12c: {  	v4 =	vmul.f32 $1.442695020e+00, v4  }
0x12d: {  	(erf) = vrcp.f32 v5  }
0x12e: {  	(erf) = vpow2.f32 v4;
	_ =	sdelay $0x3  }
0x12f: {  	v4 =	vld [tilespmem:$0x270];
	_ =	sdelay $0x3  }
0x130: {  	v34 =	vpop (erf)  }
0x131: {  	v4 =	vsub.f32 $0.0e+00, v4;
	v5 =	vpop (erf)  }
0x132: {  	v5 =	vadd.f32 $1.000000000e+00, v5  }
0x133: {  	v4 =	vmul.f32 $1.442695020e+00, v4  }
0x134: {  	(erf) = vrcp.f32 v5  }
0x135: {  	(erf) = vpow2.f32 v4;
	_ =	sdelay $0x3  }
0x136: {  	v4 =	vld [tilespmem:$0x280];
	_ =	sdelay $0x3  }
0x137: {  	v35 =	vpop (erf)  }
0x138: {  	v4 =	vsub.f32 $0.0e+00, v4;
	v5 =	vpop (erf)  }
0x139: {  	v5 =	vadd.f32 $1.000000000e+00, v5  }
0x13a: {  	v4 =	vmul.f32 $1.442695020e+00, v4  }
0x13b: {  	(erf) = vrcp.f32 v5  }
0x13c: {  	(erf) = vpow2.f32 v4;
	_ =	sdelay $0x3  }
0x13d: {  	v4 =	vld [tilespmem:$0x290];
	_ =	sdelay $0x3  }
0x13e: {  	v36 =	vpop (erf)  }
0x13f: {  	v4 =	vsub.f32 $0.0e+00, v4;
	v5 =	vpop (erf)  }
0x140: {  	v5 =	vadd.f32 $1.000000000e+00, v5  }
0x141: {  	v4 =	vmul.f32 $1.442695020e+00, v4  }
0x142: {  	(erf) = vrcp.f32 v5  }
0x143: {  	(erf) = vpow2.f32 v4;
	_ =	sdelay $0x3  }
0x144: {  	v4 =	vld [tilespmem:$0x2A0];
	_ =	sdelay $0x3  }
0x145: {  	v37 =	vpop (erf)  }
0x146: {  	v4 =	vsub.f32 $0.0e+00, v4;
	v5 =	vpop (erf)  }
0x147: {  	v5 =	vadd.f32 $1.000000000e+00, v5  }
0x148: {  	v4 =	vmul.f32 $1.442695020e+00, v4  }
0x149: {  	(erf) = vrcp.f32 v5  }
0x14a: {  	(erf) = vpow2.f32 v4;
	_ =	sdelay $0x3  }
0x14b: {  	v4 =	vld [tilespmem:$0x2B0];
	_ =	sdelay $0x3  }
0x14c: {  	v38 =	vpop (erf)  }
0x14d: {  	v4 =	vsub.f32 $0.0e+00, v4;
	v5 =	vpop (erf)  }
0x14e: {  	v5 =	vadd.f32 $1.000000000e+00, v5  }
0x14f: {  	v4 =	vmul.f32 $1.442695020e+00, v4  }
0x150: {  	(erf) = vrcp.f32 v5  }
0x151: {  	(erf) = vpow2.f32 v4;
	_ =	sdelay $0x3  }
0x152: {  	v4 =	vld [tilespmem:$0x2C0];
	_ =	sdelay $0x3  }
0x153: {  	v39 =	vpop (erf)  }
0x154: {  	v4 =	vsub.f32 $0.0e+00, v4;
	v5 =	vpop (erf)  }
0x155: {  	v5 =	vadd.f32 $1.000000000e+00, v5  }
0x156: {  	v4 =	vmul.f32 $1.442695020e+00, v4  }
0x157: {  	(erf) = vrcp.f32 v5  }
0x158: {  	(erf) = vpow2.f32 v4;
	_ =	sdelay $0x3  }
0x159: {  	v4 =	vld [tilespmem:$0x2D0];
	_ =	sdelay $0x3  }
0x15a: {  	v40 =	vpop (erf)  }
0x15b: {  	v4 =	vsub.f32 $0.0e+00, v4;
	v5 =	vpop (erf)  }
0x15c: {  	v5 =	vadd.f32 $1.000000000e+00, v5  }
0x15d: {  	v4 =	vmul.f32 $1.442695020e+00, v4  }
0x15e: {  	(erf) = vrcp.f32 v5  }
0x15f: {  	(erf) = vpow2.f32 v4;
	_ =	sdelay $0x3  }
0x160: {  	v4 =	vld [tilespmem:$0x2E0];
	_ =	sdelay $0x3  }
0x161: {  	v41 =	vpop (erf)  }
0x162: {  	v4 =	vsub.f32 $0.0e+00, v4;
	v5 =	vpop (erf)  }
0x163: {  	v5 =	vadd.f32 $1.000000000e+00, v5  }
0x164: {  	v4 =	vmul.f32 $1.442695020e+00, v4  }
0x165: {  	(erf) = vrcp.f32 v5  }
0x166: {  	(erf) = vpow2.f32 v4;
	_ =	sdelay $0x3  }
0x167: {  	v4 =	vld [tilespmem:$0x2F0];
	_ =	sdelay $0x3  }
0x168: {  	v42 =	vpop (erf)  }
0x169: {  	v4 =	vsub.f32 $0.0e+00, v4;
	v5 =	vpop (erf)  }
0x16a: {  	v5 =	vadd.f32 $1.000000000e+00, v5  }
0x16b: {  	v4 =	vmul.f32 $1.442695020e+00, v4  }
0x16c: {  	(erf) = vrcp.f32 v5  }
0x16d: {  	(erf) = vpow2.f32 v4;
	_ =	sdelay $0x3  }
0x16e: {  	v4 =	vld [tilespmem:$0x300];
	_ =	sdelay $0x3  }
0x16f: {  	v43 =	vpop (erf)  }
0x170: {  	v4 =	vsub.f32 $0.0e+00, v4;
	v5 =	vpop (erf)  }
0x171: {  	v5 =	vadd.f32 $1.000000000e+00, v5  }
0x172: {  	v4 =	vmul.f32 $1.442695020e+00, v4  }
0x173: {  	(erf) = vrcp.f32 v5  }
0x174: {  	(erf) = vpow2.f32 v4;
	_ =	sdelay $0x3  }
0x175: {  	v4 =	vld [tilespmem:$0x310];
	_ =	sdelay $0x3  }
0x176: {  	v44 =	vpop (erf)  }
0x177: {  	v4 =	vsub.f32 $0.0e+00, v4;
	v5 =	vpop (erf)  }
0x178: {  	v5 =	vadd.f32 $1.000000000e+00, v5  }
0x179: {  	v4 =	vmul.f32 $1.442695020e+00, v4  }
0x17a: {  	(erf) = vrcp.f32 v5  }
0x17b: {  	(erf) = vpow2.f32 v4;
	_ =	sdelay $0x3  }
0x17c: {  	v4 =	vld [tilespmem:$0x320];
	_ =	sdelay $0x3  }
0x17d: {  	v45 =	vpop (erf)  }
0x17e: {  	v4 =	vsub.f32 $0.0e+00, v4;
	v5 =	vpop (erf)  }
0x17f: {  	v5 =	vadd.f32 $1.000000000e+00, v5  }
0x180: {  	v4 =	vmul.f32 $1.442695020e+00, v4  }
0x181: {  	(erf) = vrcp.f32 v5  }
0x182: {  	(erf) = vpow2.f32 v4;
	_ =	sdelay $0x3  }
0x183: {  	v4 =	vld [tilespmem:$0x330];
	_ =	sdelay $0x3  }
0x184: {  	v46 =	vpop (erf)  }
0x185: {  	v4 =	vsub.f32 $0.0e+00, v4;
	v5 =	vpop (erf)  }
0x186: {  	v5 =	vadd.f32 $1.000000000e+00, v5  }
0x187: {  	v4 =	vmul.f32 $1.442695020e+00, v4  }
0x188: {  	(erf) = vrcp.f32 v5  }
0x189: {  	(erf) = vpow2.f32 v4;
	_ =	sdelay $0x3  }
0x18a: {  	v4 =	vld [tilespmem:$0x340];
	_ =	sdelay $0x3  }
0x18b: {  	v47 =	vpop (erf)  }
0x18c: {  	v4 =	vsub.f32 $0.0e+00, v4;
	v5 =	vpop (erf)  }
0x18d: {  	v5 =	vadd.f32 $1.000000000e+00, v5  }
0x18e: {  	v4 =	vmul.f32 $1.442695020e+00, v4  }
0x18f: {  	(erf) = vrcp.f32 v5  }
0x190: {  	(erf) = vpow2.f32 v4;
	_ =	sdelay $0x3  }
0x191: {  	v4 =	vld [tilespmem:$0x350];
	_ =	sdelay $0x3  }
0x192: {  	v48 =	vpop (erf)  }
0x193: {  	v4 =	vsub.f32 $0.0e+00, v4;
	v5 =	vpop (erf)  }
0x194: {  	v5 =	vadd.f32 $1.000000000e+00, v5  }
0x195: {  	v4 =	vmul.f32 $1.442695020e+00, v4  }
0x196: {  	(erf) = vrcp.f32 v5  }
0x197: {  	(erf) = vpow2.f32 v4;
	_ =	sdelay $0x3  }
0x198: {  	v4 =	vld [tilespmem:$0x360];
	_ =	sdelay $0x3  }
0x199: {  	v49 =	vpop (erf)  }
0x19a: {  	v4 =	vsub.f32 $0.0e+00, v4;
	v5 =	vpop (erf)  }
0x19b: {  	v5 =	vadd.f32 $1.000000000e+00, v5  }
0x19c: {  	v4 =	vmul.f32 $1.442695020e+00, v4  }
0x19d: {  	(erf) = vrcp.f32 v5  }
0x19e: {  	(erf) = vpow2.f32 v4;
	_ =	sdelay $0x3  }
0x19f: {  	v4 =	vld [tilespmem:$0x370];
	_ =	sdelay $0x3  }
0x1a0: {  	v50 =	vpop (erf)  }
0x1a1: {  	v4 =	vsub.f32 $0.0e+00, v4;
	v5 =	vpop (erf)  }
0x1a2: {  	v5 =	vadd.f32 $1.000000000e+00, v5  }
0x1a3: {  	v4 =	vmul.f32 $1.442695020e+00, v4  }
0x1a4: {  	(erf) = vrcp.f32 v5  }
0x1a5: {  	(erf) = vpow2.f32 v4;
	_ =	sdelay $0x3  }
0x1a6: {  	v4 =	vld [tilespmem:$0x380];
	_ =	sdelay $0x3  }
0x1a7: {  	v51 =	vpop (erf)  }
0x1a8: {  	v4 =	vsub.f32 $0.0e+00, v4;
	v5 =	vpop (erf)  }
0x1a9: {  	v5 =	vadd.f32 $1.000000000e+00, v5  }
0x1aa: {  	v4 =	vmul.f32 $1.442695020e+00, v4  }
0x1ab: {  	(erf) = vrcp.f32 v5  }
0x1ac: {  	(erf) = vpow2.f32 v4;
	_ =	sdelay $0x3  }
0x1ad: {  	v4 =	vld [tilespmem:$0x390];
	_ =	sdelay $0x3  }
0x1ae: {  	v52 =	vpop (erf)  }
0x1af: {  	v4 =	vsub.f32 $0.0e+00, v4;
	v5 =	vpop (erf)  }
0x1b0: {  	v5 =	vadd.f32 $1.000000000e+00, v5  }
0x1b1: {  	v4 =	vmul.f32 $1.442695020e+00, v4  }
0x1b2: {  	(erf) = vrcp.f32 v5  }
0x1b3: {  	(erf) = vpow2.f32 v4;
	_ =	sdelay $0x3  }
0x1b4: {  	v4 =	vld [tilespmem:$0x3A0];
	_ =	sdelay $0x3  }
0x1b5: {  	v53 =	vpop (erf)  }
0x1b6: {  	v4 =	vsub.f32 $0.0e+00, v4;
	v5 =	vpop (erf)  }
0x1b7: {  	v5 =	vadd.f32 $1.000000000e+00, v5  }
0x1b8: {  	v4 =	vmul.f32 $1.442695020e+00, v4  }
0x1b9: {  	(erf) = vrcp.f32 v5  }
0x1ba: {  	(erf) = vpow2.f32 v4;
	_ =	sdelay $0x3  }
0x1bb: {  	v4 =	vld [tilespmem:$0x3B0];
	_ =	sdelay $0x3  }
0x1bc: {  	v54 =	vpop (erf)  }
0x1bd: {  	v4 =	vsub.f32 $0.0e+00, v4;
	v5 =	vpop (erf)  }
0x1be: {  	v5 =	vadd.f32 $1.000000000e+00, v5  }
0x1bf: {  	v4 =	vmul.f32 $1.442695020e+00, v4  }
0x1c0: {  	(erf) = vrcp.f32 v5  }
0x1c1: {  	(erf) = vpow2.f32 v4;
	_ =	sdelay $0x3  }
0x1c2: {  	v4 =	vld [tilespmem:$0x3C0];
	_ =	sdelay $0x3  }
0x1c3: {  	v55 =	vpop (erf)  }
0x1c4: {  	v4 =	vsub.f32 $0.0e+00, v4;
	v5 =	vpop (erf)  }
0x1c5: {  	v5 =	vadd.f32 $1.000000000e+00, v5  }
0x1c6: {  	v4 =	vmul.f32 $1.442695020e+00, v4  }
0x1c7: {  	(erf) = vrcp.f32 v5  }
0x1c8: {  	(erf) = vpow2.f32 v4;
	_ =	sdelay $0x3  }
0x1c9: {  	v4 =	vld [tilespmem:$0x3D0];
	_ =	sdelay $0x3  }
0x1ca: {  	v56 =	vpop (erf)  }
0x1cb: {  	v4 =	vsub.f32 $0.0e+00, v4;
	v5 =	vpop (erf)  }
0x1cc: {  	v5 =	vadd.f32 $1.000000000e+00, v5  }
0x1cd: {  	v4 =	vmul.f32 $1.442695020e+00, v4  }
0x1ce: {  	(erf) = vrcp.f32 v5  }
0x1cf: {  	(erf) = vpow2.f32 v4;
	_ =	sdelay $0x3  }
0x1d0: {  	v4 =	vld [tilespmem:$0x3E0];
	_ =	sdelay $0x3  }
0x1d1: {  	v57 =	vpop (erf)  }
0x1d2: {  	v4 =	vsub.f32 $0.0e+00, v4;
	v5 =	vpop (erf)  }
0x1d3: {  	v5 =	vadd.f32 $1.000000000e+00, v5  }
0x1d4: {  	v4 =	vmul.f32 $1.442695020e+00, v4  }
0x1d5: {  	(erf) = vrcp.f32 v5  }
0x1d6: {  	(erf) = vpow2.f32 v4;
	_ =	sdelay $0x3  }
0x1d7: {  	v4 =	vld [tilespmem:$0x3F0];
	_ =	sdelay $0x3  }
0x1d8: {  	v58 =	vpop (erf)  }
0x1d9: {  	v4 =	vsub.f32 $0.0e+00, v4;
	v5 =	vpop (erf)  }
0x1da: {  	v5 =	vadd.f32 $1.000000000e+00, v5  }
0x1db: {  	v4 =	vmul.f32 $1.442695020e+00, v4  }
0x1dc: {  	(erf) = vrcp.f32 v5  }
0x1dd: {  	(erf) = vpow2.f32 v4;
	_ =	sdelay $0x3  }
0x1de: {  	v4 =	vld [tilespmem:$0x400];
	_ =	sdelay $0x3  }
0x1df: {  	v59 =	vpop (erf)  }
0x1e0: {  	v4 =	vsub.f32 $0.0e+00, v4;
	v5 =	vpop (erf)  }
0x1e1: {  	v5 =	vadd.f32 $1.000000000e+00, v5  }
0x1e2: {  	v4 =	vmul.f32 $1.442695020e+00, v4  }
0x1e3: {  	(erf) = vrcp.f32 v5  }
0x1e4: {  	(erf) = vpow2.f32 v4;
	_ =	sdelay $0x3  }
0x1e5: {  	v4 =	vld [tilespmem:$0x410];
	_ =	sdelay $0x3  }
0x1e6: {  	v60 =	vpop (erf)  }
0x1e7: {  	v4 =	vsub.f32 $0.0e+00, v4;
	v5 =	vpop (erf)  }
0x1e8: {  	v5 =	vadd.f32 $1.000000000e+00, v5  }
0x1e9: {  	v4 =	vmul.f32 $1.442695020e+00, v4  }
0x1ea: {  	(erf) = vrcp.f32 v5  }
0x1eb: {  	(erf) = vpow2.f32 v4;
	_ =	sdelay $0x3  }
0x1ec: {  	v4 =	vld [tilespmem:$0x420];
	_ =	sdelay $0x3  }
0x1ed: {  	v61 =	vpop (erf)  }
0x1ee: {  	v4 =	vsub.f32 $0.0e+00, v4;
	v5 =	vpop (erf)  }
0x1ef: {  	v5 =	vadd.f32 $1.000000000e+00, v5  }
0x1f0: {  	v4 =	vmul.f32 $1.442695020e+00, v4  }
0x1f1: {  	(erf) = vrcp.f32 v5  }
0x1f2: {  	(erf) = vpow2.f32 v4;
	_ =	sdelay $0x3  }
0x1f3: {  	v4 =	vld [tilespmem:$0x430];
	_ =	sdelay $0x3  }
0x1f4: {  	v62 =	vpop (erf)  }
0x1f5: {  	v4 =	vsub.f32 $0.0e+00, v4;
	v5 =	vpop (erf)  }
0x1f6: {  	v5 =	vadd.f32 $1.000000000e+00, v5  }
0x1f7: {  	v4 =	vmul.f32 $1.442695020e+00, v4  }
0x1f8: {  	(erf) = vrcp.f32 v5  }
0x1f9: {  	(erf) = vpow2.f32 v4;
	_ =	sdelay $0x3  }
0x1fa: {  	v4 =	vld [tilespmem:$0x440];
	_ =	sdelay $0x3  }
0x1fb: {  	v63 =	vpop (erf)  }
0x1fc: {  	v4 =	vsub.f32 $0.0e+00, v4;
	v5 =	vpop (erf)  }
0x1fd: {  	v5 =	vadd.f32 $1.000000000e+00, v5  }
0x1fe: {  	v4 =	vmul.f32 $1.442695020e+00, v4  }
0x1ff: {  	(erf) = vrcp.f32 v5  }
0x200: {  	(erf) = vpow2.f32 v4;
	_ =	sdelay $0x3  }
0x201: {  	v4 =	vld [tilespmem:$0x450];
	_ =	sdelay $0x3  }
0x202: {  	v19 =	vpop (erf)  }
0x203: {  	v4 =	vsub.f32 $0.0e+00, v4;
	v5 =	vpop (erf)  }
0x204: {  	v5 =	vadd.f32 $1.000000000e+00, v5  }
0x205: {  	v4 =	vmul.f32 $1.442695020e+00, v4  }
0x206: {  	(erf) = vrcp.f32 v5  }
0x207: {  	(erf) = vpow2.f32 v4;
	_ =	sdelay $0x3  }
0x208: {  	v4 =	vld [tilespmem:$0x460];
	_ =	sdelay $0x3  }
0x209: {  	v18 =	vpop (erf)  }
0x20a: {  	v4 =	vsub.f32 $0.0e+00, v4;
	v5 =	vpop (erf)  }
0x20b: {  	v5 =	vadd.f32 $1.000000000e+00, v5  }
0x20c: {  	v4 =	vmul.f32 $1.442695020e+00, v4  }
0x20d: {  	(erf) = vrcp.f32 v5  }
0x20e: {  	(erf) = vpow2.f32 v4;
	_ =	sdelay $0x3  }
0x20f: {  	v4 =	vld [tilespmem:$0x470];
	_ =	sdelay $0x3  }
0x210: {  	v14 =	vpop (erf)  }
0x211: {  	v4 =	vsub.f32 $0.0e+00, v4;
	v5 =	vpop (erf)  }
0x212: {  	v5 =	vadd.f32 $1.000000000e+00, v5  }
0x213: {  	v4 =	vmul.f32 $1.442695020e+00, v4  }
0x214: {  	(erf) = vrcp.f32 v5  }
0x215: {  	(erf) = vpow2.f32 v4;
	_ =	sdelay $0x3  }
0x216: {  	v4 =	vld [tilespmem:$0x480];
	_ =	sdelay $0x3  }
0x217: {  	v13 =	vpop (erf)  }
0x218: {  	v4 =	vsub.f32 $0.0e+00, v4;
	v5 =	vpop (erf)  }
0x219: {  	v5 =	vadd.f32 $1.000000000e+00, v5  }
0x21a: {  	v4 =	vmul.f32 $1.442695020e+00, v4  }
0x21b: {  	(erf) = vrcp.f32 v5  }
0x21c: {  	(erf) = vpow2.f32 v4;
	_ =	sdelay $0x3  }
0x21d: {  	v4 =	vld [tilespmem:$0x490];
	_ =	sdelay $0x3  }
0x21e: {  	v12 =	vpop (erf)  }
0x21f: {  	v4 =	vsub.f32 $0.0e+00, v4;
	v5 =	vpop (erf)  }
0x220: {  	v5 =	vadd.f32 $1.000000000e+00, v5  }
0x221: {  	v4 =	vmul.f32 $1.442695020e+00, v4  }
0x222: {  	(erf) = vrcp.f32 v5  }
0x223: {  	(erf) = vpow2.f32 v4;
	_ =	sdelay $0x3  }
0x224: {  	v4 =	vld [tilespmem:$0x4A0];
	_ =	sdelay $0x3  }
0x225: {  	v11 =	vpop (erf)  }
0x226: {  	v4 =	vsub.f32 $0.0e+00, v4;
	v5 =	vpop (erf)  }
0x227: {  	v5 =	vadd.f32 $1.000000000e+00, v5  }
0x228: {  	v4 =	vmul.f32 $1.442695020e+00, v4  }
0x229: {  	(erf) = vrcp.f32 v5  }
0x22a: {  	(erf) = vpow2.f32 v4;
	_ =	sdelay $0x3  }
0x22b: {  	v4 =	vld [tilespmem:$0x4B0];
	_ =	sdelay $0x3  }
0x22c: {  	v10 =	vpop (erf)  }
0x22d: {  	v4 =	vsub.f32 $0.0e+00, v4;
	v5 =	vpop (erf)  }
0x22e: {  	v5 =	vadd.f32 $1.000000000e+00, v5  }
0x22f: {  	v4 =	vmul.f32 $1.442695020e+00, v4  }
0x230: {  	(erf) = vrcp.f32 v5  }
0x231: {  	(erf) = vpow2.f32 v4;
	_ =	sdelay $0x3  }
0x232: {  	v4 =	vld [tilespmem:$0x4C0];
	_ =	sdelay $0x3  }
0x233: {  	v9 =	vpop (erf)  }
0x234: {  	v4 =	vsub.f32 $0.0e+00, v4;
	v5 =	vpop (erf)  }
0x235: {  	v5 =	vadd.f32 $1.000000000e+00, v5  }
0x236: {  	v4 =	vmul.f32 $1.442695020e+00, v4  }
0x237: {  	(erf) = vrcp.f32 v5  }
0x238: {  	(erf) = vpow2.f32 v4;
	_ =	sdelay $0x3  }
0x239: {  	v4 =	vld [tilespmem:$0x4D0];
	_ =	sdelay $0x3  }
0x23a: {  	v8 =	vpop (erf)  }
0x23b: {  	v4 =	vsub.f32 $0.0e+00, v4;
	v5 =	vpop (erf)  }
0x23c: {  	v5 =	vadd.f32 $1.000000000e+00, v5  }
0x23d: {  	v4 =	vmul.f32 $1.442695020e+00, v4  }
0x23e: {  	(erf) = vrcp.f32 v5  }
0x23f: {  	(erf) = vpow2.f32 v4;
	_ =	sdelay $0x3  }
0x240: {  	v4 =	vld [tilespmem:$0x4E0];
	_ =	sdelay $0x3  }
0x241: {  	v7 =	vpop (erf)  }
0x242: {  	v4 =	vsub.f32 $0.0e+00, v4;
	v15 =	vpop (erf)  }
0x243: {  	v15 =	vadd.f32 $1.000000000e+00, v15  }
0x244: {  	v4 =	vmul.f32 $1.442695020e+00, v4  }
0x245: {  	(erf) = vrcp.f32 v15  }
0x246: {  	(erf) = vpow2.f32 v4;
	_ =	sdelay $0x3  }
0x247: {  	v15 =	vld [tilespmem:$0x4F0];
	_ =	sdelay $0x3  }
0x248: {  	v6 =	vpop (erf)  }
0x249: {  	v15 =	vsub.f32 $0.0e+00, v15;
	v16 =	vpop (erf)  }
0x24a: {  	v16 =	vadd.f32 $1.000000000e+00, v16  }
0x24b: {  	v15 =	vmul.f32 $1.442695020e+00, v15  }
0x24c: {  	(erf) = vrcp.f32 v16  }
0x24d: {  	(erf) = vpow2.f32 v15;
	_ =	sdelay $0x3  }
0x24e: {  	v15 =	vld [tilespmem:$0x500];
	_ =	sdelay $0x3  }
0x24f: {  	v16 =	vpop (erf)  }
0x250: {  	v15 =	vsub.f32 $0.0e+00, v15;
	v17 =	vpop (erf)  }
0x251: {  	v17 =	vadd.f32 $1.000000000e+00, v17  }
0x252: {  	v15 =	vmul.f32 $1.442695020e+00, v15  }
0x253: {  	(erf) = vrcp.f32 v17  }
0x254: {  	(erf) = vpow2.f32 v15;
	_ =	sdelay $0x3  }
0x255: {  	v4 =	vld [tilespmem:$0x1FEF0];
	_ =	sdelay $0x3  }
0x256: {  	v17 =	vpop (erf)  }
0x257: {  	[tilespmem:$0x5F0] =	vst v4;
	v4 =	vpop (erf)  }
0x258: {  	v4 =	vadd.f32 $1.000000000e+00, v4;
	_ =	sdelay $0x1  }
0x259: {  	(erf) = vrcp.f32 v4;
	v4 =	vld [tilespmem:$0x1FF30];
	_ =	sdelay $0x4  }
0x25a: {  	[tilespmem:$0x630] =	vst v4;
	v4 =	vld [tilespmem:$0x1FF40];
	_ =	sdelay $0x4  }
0x25b: {  	[tilespmem:$0x640] =	vst v4;
	v4 =	vld [tilespmem:$0x1FF50];
	_ =	sdelay $0x4  }
0x25c: {  	[tilespmem:$0x650] =	vst v4;
	v4 =	vld [tilespmem:$0x1FF60];
	_ =	sdelay $0x4  }
0x25d: {  	[tilespmem:$0x660] =	vst v4;
	v4 =	vld [tilespmem:$0x1FF70];
	_ =	sdelay $0x4  }
0x25e: {  	[tilespmem:$0x670] =	vst v4;
	v4 =	vld [tilespmem:$0x1FF80];
	_ =	sdelay $0x3  }
0x25f: {  	v5 =	vld [tilespmem:$0x1FF00]  }
0x260: {  	[tilespmem:$0x680] =	vst v4;
	v4 =	vld [tilespmem:$0x1FF90];
	_ =	sdelay $0x1  }
0x261: {  	v15 =	vld [tilespmem:$0x510];
	_ =	sdelay $0x1  }
0x262: {  	[tilespmem:$0x600] =	vst v5;
	v5 =	vld [tilespmem:$0x1FF10]  }
0x263: {  	[tilespmem:$0x690] =	vst v4;
	v4 =	vld [tilespmem:$0x1FFA0];
	_ =	sdelay $0x1  }
0x264: {  	v15 =	vsub.f32 $0.0e+00, v15  }
0x265: {  	v20 =	vld [tilespmem:$0x1FFD0]  }
0x266: {  	[tilespmem:$0x610] =	vst v5;
	v5 =	vld [tilespmem:$0x1FF20];
	v15 =	vmul.f32 $1.442695020e+00, v15  }
0x267: {  	[tilespmem:$0x6A0] =	vst v4;
	v4 =	vld [tilespmem:$0x1FFB0]  }
0x268: {  	(erf) = vpow2.f32 v15;
	_ =	sdelay $0x1  }
0x269: {  	[tilespmem:$0x6D0] =	vst v20;
	v20 =	vld [tilespmem:$0x1FFE0]  }
0x26a: {  	[tilespmem:$0x620] =	vst v5;
	v5 =	vld [tilespmem:$0x520]  }
0x26b: {  	[tilespmem:$0x6B0] =	vst v4;
	v4 =	vld [tilespmem:$0x1FFC0];
	_ =	sdelay $0x2  }
0x26c: {  	[tilespmem:$0x6E0] =	vst v20;
	v20 =	vld [tilespmem:$0x1FFF0]  }
0x26d: {  	v15 =	vpop (erf)  }
0x26e: {  	v5 =	vsub.f32 $0.0e+00, v5;
	[tilespmem:$0x6C0] =	vst v4;
	v4 =	vpop (erf)  }
0x26f: {  	v4 =	vadd.f32 $1.000000000e+00, v4  }
0x270: {  	v5 =	vmul.f32 $1.442695020e+00, v5  }
0x271: {  	[tilespmem:$0x6F0] =	vst v20;
	(erf) = vrcp.f32 v4  }
0x272: {  	[tilespmem:$0x700] =	vst v21;
	(erf) = vpow2.f32 v5  }
0x273: {  	[tilespmem:$0x710] =	vst v22  }
0x274: {  	[tilespmem:$0x720] =	vst v23  }
0x275: {  	[tilespmem:$0x730] =	vst v24  }
0x276: {  	[tilespmem:$0x740] =	vst v25;
	v4 =	vld [tilespmem:$0x530]  }
0x277: {  	[tilespmem:$0x750] =	vst v26  }
0x278: {  	[tilespmem:$0x760] =	vst v27  }
0x279: {  	[tilespmem:$0x770] =	vst v28  }
0x27a: {  	[tilespmem:$0x780] =	vst v29;
	v5 =	vpop (erf)  }
0x27b: {  	[tilespmem:$0x790] =	vst v30;
	v4 =	vsub.f32 $0.0e+00, v4;
	v30 =	vpop (erf)  }
0x27c: {  	[tilespmem:$0x7A0] =	vst v31;
	v20 =	vadd.f32 $1.000000000e+00, v30  }
0x27d: {  	[tilespmem:$0x7B0] =	vst v32;
	v4 =	vmul.f32 $1.442695020e+00, v4  }
0x27e: {  	[tilespmem:$0x7C0] =	vst v33;
	(erf) = vrcp.f32 v20  }
0x27f: {  	[tilespmem:$0x7D0] =	vst v34;
	(erf) = vpow2.f32 v4  }
0x280: {  	[tilespmem:$0x7E0] =	vst v35  }
0x281: {  	[tilespmem:$0x7F0] =	vst v36  }
0x282: {  	[tilespmem:$0x800] =	vst v37  }
0x283: {  	[tilespmem:$0x810] =	vst v38;
	v4 =	vld [tilespmem:$0x540]  }
0x284: {  	[tilespmem:$0x820] =	vst v39  }
0x285: {  	[tilespmem:$0x830] =	vst v40  }
0x286: {  	[tilespmem:$0x840] =	vst v41  }
0x287: {  	[tilespmem:$0x850] =	vst v42;
	v20 =	vpop (erf)  }
0x288: {  	[tilespmem:$0x860] =	vst v43;
	v4 =	vsub.f32 $0.0e+00, v4;
	v43 =	vpop (erf)  }
0x289: {  	[tilespmem:$0x870] =	vst v44;
	v21 =	vadd.f32 $1.000000000e+00, v43  }
0x28a: {  	[tilespmem:$0x880] =	vst v45;
	v4 =	vmul.f32 $1.442695020e+00, v4  }
0x28b: {  	[tilespmem:$0x890] =	vst v46;
	(erf) = vrcp.f32 v21  }
0x28c: {  	[tilespmem:$0x8A0] =	vst v47;
	(erf) = vpow2.f32 v4  }
0x28d: {  	[tilespmem:$0x8B0] =	vst v48  }
0x28e: {  	[tilespmem:$0x8C0] =	vst v49  }
0x28f: {  	[tilespmem:$0x8D0] =	vst v50  }
0x290: {  	[tilespmem:$0x8E0] =	vst v51;
	v4 =	vld [tilespmem:$0x550]  }
0x291: {  	[tilespmem:$0x8F0] =	vst v52  }
0x292: {  	[tilespmem:$0x900] =	vst v53  }
0x293: {  	[tilespmem:$0x910] =	vst v54  }
0x294: {  	[tilespmem:$0x920] =	vst v55;
	v21 =	vpop (erf)  }
0x295: {  	[tilespmem:$0x930] =	vst v56;
	v4 =	vsub.f32 $0.0e+00, v4;
	v56 =	vpop (erf)  }
0x296: {  	[tilespmem:$0x940] =	vst v57;
	v22 =	vadd.f32 $1.000000000e+00, v56  }
0x297: {  	[tilespmem:$0x950] =	vst v58;
	v4 =	vmul.f32 $1.442695020e+00, v4  }
0x298: {  	[tilespmem:$0x960] =	vst v59;
	(erf) = vrcp.f32 v22  }
0x299: {  	[tilespmem:$0x970] =	vst v60;
	(erf) = vpow2.f32 v4  }
0x29a: {  	[tilespmem:$0x980] =	vst v61  }
0x29b: {  	[tilespmem:$0x990] =	vst v62  }
0x29c: {  	[tilespmem:$0x9A0] =	vst v63  }
0x29d: {  	[tilespmem:$0x9B0] =	vst v19  }
0x29e: {  	[tilespmem:$0x9C0] =	vst v18  }
0x29f: {  	[tilespmem:$0x9D0] =	vst v14  }
0x2a0: {  	[tilespmem:$0x9E0] =	vst v13  }
0x2a1: {  	[tilespmem:$0x9F0] =	vst v12;
	v4 =	vpop (erf)  }
0x2a2: {  	[tilespmem:$0xA00] =	vst v11;
	v11 =	vpop (erf)  }
0x2a3: {  	[tilespmem:$0xA10] =	vst v10;
	v10 =	vadd.f32 $1.000000000e+00, v11  }
0x2a4: {  	[tilespmem:$0xA20] =	vst v9  }
0x2a5: {  	[tilespmem:$0xA30] =	vst v8;
	(erf) = vrcp.f32 v10  }
0x2a6: {  	[tilespmem:$0xA40] =	vst v7  }
0x2a7: {  	[tilespmem:$0xA50] =	vst v6  }
0x2a8: {  	[tilespmem:$0xA60] =	vst v16  }
0x2a9: {  	[tilespmem:$0xA70] =	vst v17  }
0x2aa: {  	s13 =	simm.s32 $0x551;
	[tilespmem:$0xA80] =	vst v15  }
0x2ab: {  	[tilespmem:$0xA90] =	vst v5;
	v5 =	vmov s13  }
0x2ac: {  	s25 =	simm.s32 $0x552;
	v7 =	vshll.u32 v5, $0x3;
	[tilespmem:$0xAA0] =	vst v20  }
0x2ad: {  	v8 =	vmov s25;
	v9 =	vand.u32 $0x7D, v5;
	v7 =	vand.u32 $0x3C00, v7;
	[tilespmem:$0xAB0] =	vst v21  }
0x2ae: {  	s14 =	simm.s32 $0x554;
	v7 =	vor.u32 v9, v7;
	v9 =	vshll.u32 v8, $0x3;
	[tilespmem:$0xAC0] =	vst v4;
	v4 =	vpop (erf)  }
0x2af: {  	s26 =	simm.s32 $0x553;
	v6 =	vmov s14;
	v9 =	vand.u32 $0x3C00, v9;
	[tilespmem:$0xAD0] =	vst v4  }
0x2b0: {  	v11 =	vadd.s32 v0, v7;
	v10 =	vmov s26;
	v4 =	vand.u32 $0x7E, v8;
	[tilespmem:s10], [sflag:$0x1] =	stream.linear.gather [hbm4b:s4+s3], $0x16000, $0x38;
	[tilespmem:$0x16B00] =	vst v63  }
0x2b1: {  	v12 =	vshll.u32 v6, $0x3;
	v4 =	vor.u32 v4, v9;
	v9 =	vshll.u32 v10, $0x3;
	_ =	swait.ge [sflag:s9], $0x16000  }
0x2b2: {  	v14 =	vand.u32 $0x7F, v10;
	v13 =	vadd.s32 v0, v4;
	v9 =	vand.u32 $0x3C00, v9;
	[sflag:s9] =	ssyncset.done $0x0  }
0x2b3: {  	v12 =	vand.u32 $0x7C00, v12;
	v15 =	vand.u32 $0x7C, v6;
	v9 =	vor.u32 v14, v9;
	[sflag:s9] =	ssyncadd.s32 $0xFFFEA000  }
0x2b4: {  	v12 =	vor.u32 v15, v12;
	v14 =	vadd.s32 v0, v9;
	v5 =	vld.idx.msk [tilespmem:v5+s11+$0x0], $0xffff  }
0x2b5: {  	v15 =	vadd.s32 v0, v12;
	v11 =	vld.idx.msk [tilespmem:v11+s10+$0x0], $0xffff  }
0x2b6: {  	v8 =	vld.idx.msk [tilespmem:v8+s11+$0x0], $0xffff  }
0x2b7: {  	v13 =	vld.idx.msk [tilespmem:v13+s10+$0x0], $0xffff  }
0x2b8: {  	v10 =	vld.idx.msk [tilespmem:v10+s11+$0x0], $0xffff  }
0x2b9: {  	v14 =	vld.idx.msk [tilespmem:v14+s10+$0x0], $0xffff  }
0x2ba: {  	v15 =	vld.idx.msk [tilespmem:v15+s10+$0x0], $0xffff;
	v11 =	vmul.f32 v11, v5  }
0x2bb: {  	v6 =	vld.idx.msk [tilespmem:v6+s11+$0x0], $0xffff  }
0x2bc: {  	s13 =	simm.s32 $0x154;
	v11 =	vadd.f32 $0.0e+00, v11;
	v13 =	vmul.f32 v13, v8  }
0x2bd: {  	v59 =	vmov s13  }
0x2be: {  	v11 =	vadd.f32 v13, v11;
	v13 =	vmul.f32 v14, v10;
	v14 =	vshll.u32 v59, $0x3  }
0x2bf: {  	v16 =	vand.u32 $0x7F, v59;
	v14 =	vand.u32 $0xC00, v14  }
0x2c0: {  	v11 =	vadd.f32 v13, v11;
	v13 =	vmul.f32 v15, v6;
	v14 =	vor.u32 v16, v14  }
0x2c1: {  	v15 =	vadd.s32 v0, v14  }
0x2c2: {  	v60 =	vadd.s32 v1, v7;
	v11 =	vadd.f32 v13, v11;
	_ =	sdelay $0x1  }
0x2c3: {  	v13 =	vadd.s32 v1, v4;
	v11 =	vmax.f32 v11, $0.0e+00  }
0x2c4: {  	v11 =	vmin.f32 v11, $1.000000000e+00  }
0x2c5: {  	[tilespmem:v15+s10+$0x0] =	vst.idx.msk $0xffff, v11;
	v11 =	vadd.s32 v1, v9  }
0x2c6: {  	v15 =	vld.idx.msk [tilespmem:v60+s10+$0x0], $0xffff  }
0x2c7: {  	v61 =	vadd.s32 v1, v12  }
0x2c8: {  	v13 =	vld.idx.msk [tilespmem:v13+s10+$0x0], $0xffff;
	_ =	sdelay $0x1  }
0x2c9: {  	v11 =	vld.idx.msk [tilespmem:v11+s10+$0x0], $0xffff  }
0x2ca: {  	v15 =	vmul.f32 v15, v5  }
0x2cb: {  	v16 =	vld.idx.msk [tilespmem:v61+s10+$0x0], $0xffff  }
0x2cc: {  	v13 =	vmul.f32 v13, v8;
	v15 =	vadd.f32 $0.0e+00, v15;
	_ =	sdelay $0x1  }
0x2cd: {  	v13 =	vadd.f32 v13, v15;
	v11 =	vmul.f32 v11, v10;
	_ =	sdelay $0x1  }
0x2ce: {  	v11 =	vadd.f32 v11, v13;
	v13 =	vmul.f32 v16, v6  }
0x2cf: {  	v15 =	vadd.s32 v1, v14  }
0x2d0: {  	v62 =	vadd.s32 v2, v7;
	v11 =	vadd.f32 v13, v11;
	_ =	sdelay $0x1  }
0x2d1: {  	v13 =	vadd.s32 v2, v4;
	v11 =	vmax.f32 v11, $0.0e+00  }
0x2d2: {  	v11 =	vmin.f32 v11, $1.000000000e+00  }
0x2d3: {  	[tilespmem:v15+s10+$0x0] =	vst.idx.msk $0xffff, v11;
	v11 =	vadd.s32 v2, v9  }
0x2d4: {  	v15 =	vld.idx.msk [tilespmem:v62+s10+$0x0], $0xffff  }
0x2d5: {  	v63 =	vadd.s32 v2, v12  }
0x2d6: {  	v13 =	vld.idx.msk [tilespmem:v13+s10+$0x0], $0xffff;
	_ =	sdelay $0x1  }
0x2d7: {  	v11 =	vld.idx.msk [tilespmem:v11+s10+$0x0], $0xffff  }
0x2d8: {  	v15 =	vmul.f32 v15, v5  }
0x2d9: {  	v16 =	vld.idx.msk [tilespmem:v63+s10+$0x0], $0xffff  }
0x2da: {  	v13 =	vmul.f32 v13, v8;
	v15 =	vadd.f32 $0.0e+00, v15;
	_ =	sdelay $0x1  }
0x2db: {  	v13 =	vadd.f32 v13, v15;
	v11 =	vmul.f32 v11, v10;
	_ =	sdelay $0x1  }
0x2dc: {  	v11 =	vadd.f32 v11, v13;
	v13 =	vmul.f32 v16, v6  }
0x2dd: {  	v15 =	vadd.s32 v2, v14  }
0x2de: {  	v7 =	vadd.s32 v3, v7;
	v11 =	vadd.f32 v13, v11;
	_ =	sdelay $0x1  }
0x2df: {  	v4 =	vadd.s32 v3, v4;
	v11 =	vmax.f32 v11, $0.0e+00  }
0x2e0: {  	v11 =	vmin.f32 v11, $1.000000000e+00  }
0x2e1: {  	v9 =	vadd.s32 v3, v9;
	[tilespmem:v15+s10+$0x0] =	vst.idx.msk $0xffff, v11  }
0x2e2: {  	v7 =	vld.idx.msk [tilespmem:v7+s10+$0x0], $0xffff  }
0x2e3: {  	v11 =	vadd.s32 v3, v12  }
0x2e4: {  	v4 =	vld.idx.msk [tilespmem:v4+s10+$0x0], $0xffff;
	_ =	sdelay $0x1  }
0x2e5: {  	v9 =	vld.idx.msk [tilespmem:v9+s10+$0x0], $0xffff  }
0x2e6: {  	s28 =	simm.s32 $0x550;
	v7 =	vmul.f32 v7, v5  }
0x2e7: {  	v11 =	vld.idx.msk [tilespmem:v11+s10+$0x0], $0xffff;
	v5 =	vmov s28  }
0x2e8: {  	v8 =	vmul.f32 v4, v8;
	v12 =	vshll.u32 v5, $0x3;
	v7 =	vadd.f32 $0.0e+00, v7  }
0x2e9: {  	v4 =	vand.u32 $0x7C, v5;
	v12 =	vand.u32 $0x7C00, v12  }
0x2ea: {  	s29 =	simm.s32 $0x54D;
	s30 =	simm.s32 $0x54E;
	v4 =	vor.u32 v4, v12;
	v12 =	vmul.f32 v9, v10;
	v7 =	vadd.f32 v8, v7  }
0x2eb: {  	v10 =	vadd.s32 v3, v14;
	v9 =	vmov s30;
	v8 =	vmov s29  }
0x2ec: {  	v11 =	vmul.f32 v11, v6;
	v6 =	vshll.u32 v8, $0x3;
	v7 =	vadd.f32 v12, v7  }
0x2ed: {  	v13 =	vand.u32 $0x7E, v9;
	v12 =	vand.u32 $0x7D, v8;
	v6 =	vand.u32 $0x3C00, v6  }
0x2ee: {  	s31 =	simm.s32 $0x54F;
	v14 =	vshll.u32 v9, $0x3;
	v6 =	vor.u32 v12, v6;
	v15 =	vadd.f32 v11, v7  }
0x2ef: {  	v11 =	vmov s31;
	v12 =	vadd.s32 v0, v6;
	v7 =	vand.u32 $0x3C00, v14  }
0x2f0: {  	s14 =	simm.s32 $0x54C;
	v7 =	vor.u32 v13, v7;
	v13 =	vshll.u32 v11, $0x3;
	v14 =	vmax.f32 v15, $0.0e+00  }
.LBB2_2:
0x2f1: {  	p0 =	sne.s32 s14, $0x4  }
0x2f2: {  	v15 =	vadd.s32 v0, v7;
	v13 =	vand.u32 $0x3C00, v13;
	v14 =	vmin.f32 v14, $1.000000000e+00;
	s13 =	sadd.s32 $0xFFFFFFFF, s13;
	s15 =	smov.u32 s14;
	s14 =	sadd.s32 $0xFFFFFFFC, s14  }
0x2f3: {  	v17 =	vand.u32 $0x7F, v11;
	v16 =	vmov s15;
	[tilespmem:v10+s10+$0x0] =	vst.idx.msk $0xffff, v14  }
0x2f4: {  	v13 =	vor.u32 v17, v13;
	v10 =	vshll.u32 v16, $0x3  }
0x2f5: {  	v14 =	vand.u32 $0x7C, v16;
	v17 =	vadd.s32 v0, v13;
	v10 =	vand.u32 $0x7C00, v10;
	v8 =	vld.idx.msk [tilespmem:v8+s11+$0x0], $0xffff  }
0x2f6: {  	v18 =	vadd.s32 v0, v4;
	v14 =	vor.u32 v14, v10;
	v12 =	vld.idx.msk [tilespmem:v12+s10+$0x0], $0xffff  }
0x2f7: {  	v10 =	vld.idx.msk [tilespmem:v9+s11+$0x0], $0xffff  }
0x2f8: {  	v15 =	vld.idx.msk [tilespmem:v15+s10+$0x0], $0xffff  }
0x2f9: {  	v9 =	vld.idx.msk [tilespmem:v11+s11+$0x0], $0xffff  }
0x2fa: {  	v17 =	vld.idx.msk [tilespmem:v17+s10+$0x0], $0xffff  }
0x2fb: {  	v18 =	vld.idx.msk [tilespmem:v18+s10+$0x0], $0xffff  }
0x2fc: {  	v12 =	vmul.f32 v12, v8;
	v11 =	vld.idx.msk [tilespmem:v5+s11+$0x0], $0xffff;
	v5 =	vmov v16;
	_ =	sdelay $0x1  }
0x2fd: {  	v12 =	vadd.f32 $0.0e+00, v12;
	v15 =	vmul.f32 v15, v10  }
0x2fe: {  	v16 =	vmov s13  }
0x2ff: {  	v12 =	vadd.f32 v15, v12;
	v15 =	vmul.f32 v17, v9;
	v17 =	vshll.u32 v16, $0x3  }
0x300: {  	v16 =	vand.u32 $0x7F, v16;
	v17 =	vand.u32 $0xC00, v17  }
0x301: {  	v12 =	vadd.f32 v15, v12;
	v15 =	vmul.f32 v18, v11;
	v16 =	vor.u32 v16, v17  }
0x302: {  	v18 =	vadd.s32 v1, v6;
	v17 =	vadd.s32 v0, v16  }
0x303: {  	v12 =	vadd.f32 v15, v12  }
0x304: {  	v15 =	vadd.s32 v1, v7  }
0x305: {  	v12 =	vmax.f32 v12, $0.0e+00  }
0x306: {  	v12 =	vmin.f32 v12, $1.000000000e+00  }
0x307: {  	[tilespmem:v17+s10+$0x0] =	vst.idx.msk $0xffff, v12;
	v12 =	vadd.s32 v1, v13  }
0x308: {  	v17 =	vld.idx.msk [tilespmem:v18+s10+$0x0], $0xffff  }
0x309: {  	v18 =	vadd.s32 v1, v4  }
0x30a: {  	v15 =	vld.idx.msk [tilespmem:v15+s10+$0x0], $0xffff;
	_ =	sdelay $0x1  }
0x30b: {  	v12 =	vld.idx.msk [tilespmem:v12+s10+$0x0], $0xffff;
	_ =	sdelay $0x1  }
0x30c: {  	v17 =	vmul.f32 v17, v8;
	v18 =	vld.idx.msk [tilespmem:v18+s10+$0x0], $0xffff;
	_ =	sdelay $0x1  }
0x30d: {  	v17 =	vadd.f32 $0.0e+00, v17;
	v15 =	vmul.f32 v15, v10;
	_ =	sdelay $0x1  }
0x30e: {  	v15 =	vadd.f32 v15, v17;
	v12 =	vmul.f32 v12, v9;
	_ =	sdelay $0x1  }
0x30f: {  	v12 =	vadd.f32 v12, v15;
	v15 =	vmul.f32 v18, v11  }
0x310: {  	v17 =	vadd.s32 v1, v16;
	v18 =	vadd.s32 v2, v6  }
0x311: {  	v12 =	vadd.f32 v15, v12  }
0x312: {  	v15 =	vadd.s32 v2, v7  }
0x313: {  	v12 =	vmax.f32 v12, $0.0e+00  }
0x314: {  	v12 =	vmin.f32 v12, $1.000000000e+00  }
0x315: {  	[tilespmem:v17+s10+$0x0] =	vst.idx.msk $0xffff, v12;
	v12 =	vadd.s32 v2, v13  }
0x316: {  	v17 =	vld.idx.msk [tilespmem:v18+s10+$0x0], $0xffff  }
0x317: {  	v18 =	vadd.s32 v2, v4;
	v15 =	vld.idx.msk [tilespmem:v15+s10+$0x0], $0xffff;
	_ =	sdelay $0x2  }
0x318: {  	v12 =	vld.idx.msk [tilespmem:v12+s10+$0x0], $0xffff;
	_ =	sdelay $0x1  }
0x319: {  	v17 =	vmul.f32 v17, v8;
	v18 =	vld.idx.msk [tilespmem:v18+s10+$0x0], $0xffff;
	_ =	sdelay $0x1  }
0x31a: {  	v15 =	vmul.f32 v15, v10;
	v17 =	vadd.f32 $0.0e+00, v17;
	_ =	sdelay $0x1  }
0x31b: {  	v15 =	vadd.f32 v15, v17;
	v12 =	vmul.f32 v12, v9;
	_ =	sdelay $0x1  }
0x31c: {  	v12 =	vadd.f32 v12, v15;
	v15 =	vmul.f32 v18, v11  }
0x31d: {  	v6 =	vadd.s32 v3, v6;
	v17 =	vadd.s32 v2, v16  }
0x31e: {  	v7 =	vadd.s32 v3, v7;
	v12 =	vadd.f32 v15, v12;
	_ =	sdelay $0x1  }
0x31f: {  	v13 =	vadd.s32 v3, v13;
	v12 =	vmax.f32 v12, $0.0e+00  }
0x320: {  	v15 =	vadd.s32 v3, v4;
	v4 =	vmov v14;
	v12 =	vmin.f32 v12, $1.000000000e+00  }
0x321: {  	[tilespmem:v17+s10+$0x0] =	vst.idx.msk $0xffff, v12  }
0x322: {  	v6 =	vld.idx.msk [tilespmem:v6+s10+$0x0], $0xffff  }
0x323: {  	v7 =	vld.idx.msk [tilespmem:v7+s10+$0x0], $0xffff  }
0x324: {  	v12 =	vld.idx.msk [tilespmem:v13+s10+$0x0], $0xffff  }
0x325: {  	v13 =	vld.idx.msk [tilespmem:v15+s10+$0x0], $0xffff;
	_ =	sdelay $0x2  }
0x326: {  	v6 =	vmul.f32 v6, v8;
	_ =	sdelay $0x1  }
0x327: {  	v7 =	vmul.f32 v7, v10;
	v6 =	vadd.f32 $0.0e+00, v6;
	_ =	sdelay $0x1  }
0x328: {  	s16 =	sadd.s32 $0xFFFFFFFD, s15;
	v6 =	vadd.f32 v7, v6;
	v7 =	vmul.f32 v12, v9  }
0x329: {  	v8 =	vmov s16;
	s16 =	sadd.s32 $0xFFFFFFFE, s15;
	v10 =	vadd.s32 v3, v16;
	v11 =	vmul.f32 v13, v11  }
.Ltmp0:
0x32a: {  	v9 =	vmov s16;
	v12 =	vshll.u32 v8, $0x3;
	v7 =	vadd.f32 v7, v6;
	(pc) =	sbr.rel @p0 .LBB2_2-.Ltmp0, $4  }
0x32b: {  	s15 =	sadd.s32 $0xFFFFFFFF, s15;
	v13 =	vand.u32 $0x7E, v9;
	v12 =	vand.u32 $0x3C00, v12;
	v6 =	vand.u32 $0x7D, v8  }
0x32c: {  	v14 =	vshll.u32 v9, $0x3;
	v6 =	vor.u32 v6, v12;
	v15 =	vadd.f32 v11, v7  }
0x32d: {  	v11 =	vmov s15;
	v12 =	vadd.s32 v0, v6;
	v7 =	vand.u32 $0x3C00, v14  }
0x32e: {  	v7 =	vor.u32 v13, v7;
	v13 =	vshll.u32 v11, $0x3;
	v14 =	vmax.f32 v15, $0.0e+00  }
0x32f: {  	_ =	sdelay $0x1  }
0x330: {  	v15 =	vadd.s32 v0, v7  }
0x331: {  	v13 =	vand.u32 $0x3C00, v13;
	v14 =	vmin.f32 v14, $1.000000000e+00;
	v16 =	vand.u32 $0x7F, v11  }
0x332: {  	[tilespmem:v10+s10+$0x0] =	vst.idx.msk $0xffff, v14;
	v10 =	vor.u32 v16, v13  }
0x333: {  	v8 =	vld.idx.msk [tilespmem:v8+s11+$0x0], $0xffff;
	v13 =	vadd.s32 v0, v10  }
0x334: {  	v12 =	vld.idx.msk [tilespmem:v12+s10+$0x0], $0xffff  }
0x335: {  	v14 =	vadd.s32 v0, v4;
	v9 =	vld.idx.msk [tilespmem:v9+s11+$0x0], $0xffff  }
0x336: {  	v15 =	vld.idx.msk [tilespmem:v15+s10+$0x0], $0xffff  }
0x337: {  	v11 =	vld.idx.msk [tilespmem:v11+s11+$0x0], $0xffff  }
0x338: {  	v13 =	vld.idx.msk [tilespmem:v13+s10+$0x0], $0xffff  }
0x339: {  	v5 =	vld.idx.msk [tilespmem:v5+s11+$0x0], $0xffff;
	v12 =	vmul.f32 v12, v8  }
0x33a: {  	v14 =	vld.idx.msk [tilespmem:v14+s10+$0x0], $0xffff  }
0x33b: {  	s13 =	sadd.s32 $0xFFFFFFFF, s13;
	v12 =	vadd.f32 $0.0e+00, v12;
	v15 =	vmul.f32 v15, v9  }
0x33c: {  	v58 =	vmov s13  }
0x33d: {  	v12 =	vadd.f32 v15, v12;
	v13 =	vmul.f32 v13, v11;
	v15 =	vshll.u32 v58, $0x3  }
0x33e: {  	v16 =	vand.u32 $0x7F, v58;
	v15 =	vand.u32 $0xC00, v15  }
0x33f: {  	v12 =	vadd.f32 v13, v12;
	v13 =	vmul.f32 v14, v5;
	v14 =	vor.u32 v16, v15  }
0x340: {  	v15 =	vadd.s32 v0, v14  }
0x341: {  	v59 =	vadd.s32 v1, v6;
	v12 =	vadd.f32 v13, v12;
	_ =	sdelay $0x1  }
0x342: {  	v13 =	vadd.s32 v1, v7;
	v12 =	vmax.f32 v12, $0.0e+00  }
0x343: {  	v12 =	vmin.f32 v12, $1.000000000e+00  }
0x344: {  	[tilespmem:v15+s10+$0x0] =	vst.idx.msk $0xffff, v12;
	v12 =	vadd.s32 v1, v10  }
0x345: {  	v15 =	vld.idx.msk [tilespmem:v59+s10+$0x0], $0xffff  }
0x346: {  	v60 =	vadd.s32 v1, v4  }
0x347: {  	v13 =	vld.idx.msk [tilespmem:v13+s10+$0x0], $0xffff;
	_ =	sdelay $0x1  }
0x348: {  	v12 =	vld.idx.msk [tilespmem:v12+s10+$0x0], $0xffff  }
0x349: {  	v15 =	vmul.f32 v15, v8  }
0x34a: {  	v16 =	vld.idx.msk [tilespmem:v60+s10+$0x0], $0xffff  }
0x34b: {  	v13 =	vmul.f32 v13, v9;
	v15 =	vadd.f32 $0.0e+00, v15;
	_ =	sdelay $0x1  }
0x34c: {  	v13 =	vadd.f32 v13, v15;
	v12 =	vmul.f32 v12, v11;
	_ =	sdelay $0x1  }
0x34d: {  	v12 =	vadd.f32 v12, v13;
	v13 =	vmul.f32 v16, v5  }
0x34e: {  	v15 =	vadd.s32 v1, v14  }
0x34f: {  	v61 =	vadd.s32 v2, v6;
	v12 =	vadd.f32 v13, v12;
	_ =	sdelay $0x1  }
0x350: {  	v13 =	vadd.s32 v2, v7;
	v12 =	vmax.f32 v12, $0.0e+00  }
0x351: {  	v12 =	vmin.f32 v12, $1.000000000e+00  }
0x352: {  	[tilespmem:v15+s10+$0x0] =	vst.idx.msk $0xffff, v12;
	v12 =	vadd.s32 v2, v10  }
0x353: {  	v15 =	vld.idx.msk [tilespmem:v61+s10+$0x0], $0xffff  }
0x354: {  	v62 =	vadd.s32 v2, v4  }
0x355: {  	v13 =	vld.idx.msk [tilespmem:v13+s10+$0x0], $0xffff;
	_ =	sdelay $0x1  }
0x356: {  	v12 =	vld.idx.msk [tilespmem:v12+s10+$0x0], $0xffff  }
0x357: {  	v15 =	vmul.f32 v15, v8  }
0x358: {  	v16 =	vld.idx.msk [tilespmem:v62+s10+$0x0], $0xffff  }
0x359: {  	v13 =	vmul.f32 v13, v9;
	v15 =	vadd.f32 $0.0e+00, v15;
	_ =	sdelay $0x1  }
0x35a: {  	v13 =	vadd.f32 v13, v15;
	v12 =	vmul.f32 v12, v11;
	_ =	sdelay $0x1  }
0x35b: {  	v12 =	vadd.f32 v12, v13;
	v13 =	vmul.f32 v16, v5  }
0x35c: {  	v15 =	vadd.s32 v2, v14  }
0x35d: {  	v6 =	vadd.s32 v3, v6;
	v12 =	vadd.f32 v13, v12;
	_ =	sdelay $0x1  }
0x35e: {  	v7 =	vadd.s32 v3, v7;
	v12 =	vmax.f32 v12, $0.0e+00  }
0x35f: {  	v12 =	vmin.f32 v12, $1.000000000e+00  }
0x360: {  	v10 =	vadd.s32 v3, v10;
	[tilespmem:v15+s10+$0x0] =	vst.idx.msk $0xffff, v12  }
0x361: {  	v6 =	vld.idx.msk [tilespmem:v6+s10+$0x0], $0xffff  }
0x362: {  	v4 =	vadd.s32 v3, v4  }
0x363: {  	v7 =	vld.idx.msk [tilespmem:v7+s10+$0x0], $0xffff;
	_ =	sdelay $0x1  }
0x364: {  	v10 =	vld.idx.msk [tilespmem:v10+s10+$0x0], $0xffff  }
0x365: {  	v6 =	vmul.f32 v6, v8  }
0x366: {  	v4 =	vld.idx.msk [tilespmem:v4+s10+$0x0], $0xffff  }
0x367: {  	v7 =	vmul.f32 v7, v9;
	v6 =	vadd.f32 $0.0e+00, v6;
	_ =	sdelay $0x1  }
0x368: {  	v6 =	vadd.f32 v7, v6;
	v7 =	vmul.f32 v10, v11;
	_ =	sdelay $0x1  }
0x369: {  	v4 =	vmul.f32 v4, v5;
	v5 =	vadd.f32 v7, v6  }
0x36a: {  	v6 =	vadd.s32 v3, v14  }
0x36b: {  	v4 =	vadd.f32 v4, v5;
	_ =	sdelay $0x1  }
0x36c: {  	v4 =	vmax.f32 v4, $0.0e+00  }
0x36d: {  	v4 =	vmin.f32 v4, $1.000000000e+00  }
0x36e: {  	s24 =	simm.s32 $0x551;
	s26 =	simm.s32 $0x553;
	[tilespmem:v6+s10+$0x0] =	vst.idx.msk $0xffff, v4  }
0x36f: {  	v4 =	vmov s24;
	[hbm4b:s5+s3] =	stream.linear.scatter [tilespmem:s10], [sflag:$0x1], $0x16000, $0x38;
	[tilespmem:$0x16B00] =	vst v63  }
0x370: {  	s25 =	simm.s32 $0x552;
	v10 =	vmov s26;
	v6 =	vshll.u32 v4, $0x3;
	_ =	swait.ge [sflag:s9], $0x16000  }
0x371: {  	v7 =	vmov s25;
	v8 =	vand.u32 $0x7D, v4;
	v6 =	vand.u32 $0x3C00, v6;
	[sflag:s9] =	ssyncset.done $0x0  }
0x372: {  	s14 =	simm.s32 $0x554;
	v14 =	vand.u32 $0x7F, v10;
	v6 =	vor.u32 v8, v6;
	v8 =	vshll.u32 v7, $0x3;
	[sflag:s9] =	ssyncadd.s32 $0xFFFEA000  }
0x373: {  	v9 =	vand.u32 $0x7E, v7;
	v11 =	vadd.s32 v0, v6;
	v8 =	vand.u32 $0x3C00, v8;
	[tilespmem:s10], [sflag:$0x1] =	stream.linear.gather [hbm4b:s6+s3], $0x16000, $0x38;
	[tilespmem:$0x16B00] =	vst v63  }
0x374: {  	v5 =	vmov s14;
	v8 =	vor.u32 v9, v8;
	v9 =	vshll.u32 v10, $0x3;
	_ =	swait.ge [sflag:s9], $0x16000  }
0x375: {  	v12 =	vshll.u32 v5, $0x3;
	v13 =	vadd.s32 v0, v8;
	v9 =	vand.u32 $0x3C00, v9;
	[sflag:s9] =	ssyncset.done $0x0  }
0x376: {  	v15 =	vand.u32 $0x7C, v5;
	v12 =	vand.u32 $0x7C00, v12;
	v9 =	vor.u32 v14, v9;
	[sflag:s9] =	ssyncadd.s32 $0xFFFEA000  }
0x377: {  	v12 =	vor.u32 v15, v12;
	v14 =	vadd.s32 v0, v9;
	v4 =	vld.idx.msk [tilespmem:v4+s11+$0x0], $0xffff  }
0x378: {  	v15 =	vadd.s32 v0, v12;
	v11 =	vld.idx.msk [tilespmem:v11+s10+$0x0], $0xffff  }
0x379: {  	v7 =	vld.idx.msk [tilespmem:v7+s11+$0x0], $0xffff  }
0x37a: {  	v13 =	vld.idx.msk [tilespmem:v13+s10+$0x0], $0xffff  }
0x37b: {  	v10 =	vld.idx.msk [tilespmem:v10+s11+$0x0], $0xffff  }
0x37c: {  	v14 =	vld.idx.msk [tilespmem:v14+s10+$0x0], $0xffff  }
0x37d: {  	v15 =	vld.idx.msk [tilespmem:v15+s10+$0x0], $0xffff;
	v11 =	vmul.f32 v11, v4  }
0x37e: {  	v63 =	vld.idx.msk [tilespmem:v5+s11+$0x0], $0xffff  }
0x37f: {  	s13 =	simm.s32 $0x154;
	v5 =	vadd.f32 $0.0e+00, v11;
	v11 =	vmul.f32 v13, v7  }
0x380: {  	v13 =	vmov s13  }
0x381: {  	v5 =	vadd.f32 v11, v5;
	v11 =	vmul.f32 v14, v10;
	v14 =	vshll.u32 v13, $0x3  }
0x382: {  	v13 =	vand.u32 $0x7F, v13;
	v14 =	vand.u32 $0xC00, v14  }
0x383: {  	v5 =	vadd.f32 v11, v5;
	v11 =	vmul.f32 v15, v63;
	v13 =	vor.u32 v13, v14  }
0x384: {  	v14 =	vadd.s32 v0, v13  }
0x385: {  	v15 =	vadd.s32 v1, v6;
	v5 =	vadd.f32 v11, v5;
	_ =	sdelay $0x1  }
0x386: {  	v11 =	vadd.s32 v1, v8;
	v5 =	vmax.f32 v5, $0.0e+00  }
0x387: {  	v5 =	vmin.f32 v5, $1.000000000e+00  }
0x388: {  	[tilespmem:v14+s10+$0x0] =	vst.idx.msk $0xffff, v5;
	v5 =	vadd.s32 v1, v9  }
0x389: {  	v14 =	vld.idx.msk [tilespmem:v15+s10+$0x0], $0xffff  }
0x38a: {  	v15 =	vadd.s32 v1, v12  }
0x38b: {  	v11 =	vld.idx.msk [tilespmem:v11+s10+$0x0], $0xffff;
	_ =	sdelay $0x1  }
0x38c: {  	v5 =	vld.idx.msk [tilespmem:v5+s10+$0x0], $0xffff  }
0x38d: {  	v14 =	vmul.f32 v14, v4  }
0x38e: {  	v15 =	vld.idx.msk [tilespmem:v15+s10+$0x0], $0xffff  }
0x38f: {  	v11 =	vmul.f32 v11, v7;
	v14 =	vadd.f32 $0.0e+00, v14;
	_ =	sdelay $0x1  }
0x390: {  	v11 =	vadd.f32 v11, v14;
	v5 =	vmul.f32 v5, v10;
	_ =	sdelay $0x1  }
0x391: {  	v5 =	vadd.f32 v5, v11;
	v11 =	vmul.f32 v15, v63  }
0x392: {  	v14 =	vadd.s32 v1, v13  }
0x393: {  	v15 =	vadd.s32 v2, v6;
	v5 =	vadd.f32 v11, v5;
	_ =	sdelay $0x1  }
0x394: {  	v11 =	vadd.s32 v2, v8;
	v5 =	vmax.f32 v5, $0.0e+00  }
0x395: {  	v5 =	vmin.f32 v5, $1.000000000e+00  }
0x396: {  	[tilespmem:v14+s10+$0x0] =	vst.idx.msk $0xffff, v5;
	v5 =	vadd.s32 v2, v9  }
0x397: {  	v14 =	vld.idx.msk [tilespmem:v15+s10+$0x0], $0xffff  }
0x398: {  	v15 =	vadd.s32 v2, v12  }
0x399: {  	v11 =	vld.idx.msk [tilespmem:v11+s10+$0x0], $0xffff;
	_ =	sdelay $0x1  }
0x39a: {  	v5 =	vld.idx.msk [tilespmem:v5+s10+$0x0], $0xffff  }
0x39b: {  	v14 =	vmul.f32 v14, v4  }
0x39c: {  	v15 =	vld.idx.msk [tilespmem:v15+s10+$0x0], $0xffff  }
0x39d: {  	v11 =	vmul.f32 v11, v7;
	v14 =	vadd.f32 $0.0e+00, v14;
	_ =	sdelay $0x1  }
0x39e: {  	v11 =	vadd.f32 v11, v14;
	v5 =	vmul.f32 v5, v10;
	_ =	sdelay $0x1  }
0x39f: {  	v5 =	vadd.f32 v5, v11;
	v11 =	vmul.f32 v15, v63  }
0x3a0: {  	v14 =	vadd.s32 v2, v13  }
0x3a1: {  	v6 =	vadd.s32 v3, v6;
	v5 =	vadd.f32 v11, v5;
	_ =	sdelay $0x1  }
0x3a2: {  	v8 =	vadd.s32 v3, v8;
	v5 =	vmax.f32 v5, $0.0e+00  }
0x3a3: {  	v5 =	vmin.f32 v5, $1.000000000e+00  }
0x3a4: {  	v9 =	vadd.s32 v3, v9;
	[tilespmem:v14+s10+$0x0] =	vst.idx.msk $0xffff, v5  }
0x3a5: {  	v5 =	vadd.s32 v3, v12;
	v6 =	vld.idx.msk [tilespmem:v6+s10+$0x0], $0xffff;
	_ =	sdelay $0x1  }
0x3a6: {  	v8 =	vld.idx.msk [tilespmem:v8+s10+$0x0], $0xffff;
	_ =	sdelay $0x1  }
0x3a7: {  	v9 =	vld.idx.msk [tilespmem:v9+s10+$0x0], $0xffff  }
0x3a8: {  	s28 =	simm.s32 $0x550;
	v11 =	vld.idx.msk [tilespmem:v5+s10+$0x0], $0xffff;
	v4 =	vmul.f32 v6, v4  }
0x3a9: {  	v5 =	vmov s28  }
0x3aa: {  	v6 =	vshll.u32 v5, $0x3;
	v7 =	vmul.f32 v8, v7;
	v12 =	vadd.f32 $0.0e+00, v4  }
0x3ab: {  	v6 =	vand.u32 $0x7C00, v6;
	v4 =	vand.u32 $0x7C, v5  }
0x3ac: {  	s29 =	simm.s32 $0x54D;
	v4 =	vor.u32 v4, v6;
	v6 =	vadd.f32 v7, v12;
	v7 =	vmul.f32 v9, v10  }
0x3ad: {  	s30 =	simm.s32 $0x54E;
	v8 =	vmov s29;
	v11 =	vmul.f32 v11, v63;
	v10 =	vadd.s32 v3, v13  }
0x3ae: {  	v9 =	vmov s30;
	v12 =	vshll.u32 v8, $0x3;
	v7 =	vadd.f32 v7, v6  }
0x3af: {  	v13 =	vand.u32 $0x7E, v9;
	v12 =	vand.u32 $0x3C00, v12;
	v6 =	vand.u32 $0x7D, v8  }
0x3b0: {  	s31 =	simm.s32 $0x54F;
	v14 =	vshll.u32 v9, $0x3;
	v6 =	vor.u32 v6, v12;
	v15 =	vadd.f32 v11, v7  }
0x3b1: {  	v11 =	vmov s31;
	v12 =	vadd.s32 v0, v6;
	v7 =	vand.u32 $0x3C00, v14  }
0x3b2: {  	s14 =	simm.s32 $0x54C;
	v7 =	vor.u32 v13, v7;
	v13 =	vshll.u32 v11, $0x3;
	v14 =	vmax.f32 v15, $0.0e+00  }
.LBB2_4:
0x3b3: {  	p0 =	sne.s32 s14, $0x4  }
0x3b4: {  	v15 =	vadd.s32 v0, v7;
	v13 =	vand.u32 $0x3C00, v13;
	v14 =	vmin.f32 v14, $1.000000000e+00;
	s13 =	sadd.s32 $0xFFFFFFFF, s13;
	s15 =	smov.u32 s14;
	s14 =	sadd.s32 $0xFFFFFFFC, s14  }
0x3b5: {  	v17 =	vand.u32 $0x7F, v11;
	v16 =	vmov s15;
	[tilespmem:v10+s10+$0x0] =	vst.idx.msk $0xffff, v14  }
0x3b6: {  	v13 =	vor.u32 v17, v13;
	v10 =	vshll.u32 v16, $0x3  }
0x3b7: {  	v14 =	vand.u32 $0x7C, v16;
	v17 =	vadd.s32 v0, v13;
	v10 =	vand.u32 $0x7C00, v10;
	v8 =	vld.idx.msk [tilespmem:v8+s11+$0x0], $0xffff  }
0x3b8: {  	v18 =	vadd.s32 v0, v4;
	v14 =	vor.u32 v14, v10;
	v12 =	vld.idx.msk [tilespmem:v12+s10+$0x0], $0xffff  }
0x3b9: {  	v10 =	vld.idx.msk [tilespmem:v9+s11+$0x0], $0xffff  }
0x3ba: {  	v15 =	vld.idx.msk [tilespmem:v15+s10+$0x0], $0xffff  }
0x3bb: {  	v9 =	vld.idx.msk [tilespmem:v11+s11+$0x0], $0xffff  }
0x3bc: {  	v17 =	vld.idx.msk [tilespmem:v17+s10+$0x0], $0xffff  }
0x3bd: {  	v18 =	vld.idx.msk [tilespmem:v18+s10+$0x0], $0xffff  }
0x3be: {  	v12 =	vmul.f32 v12, v8;
	v11 =	vld.idx.msk [tilespmem:v5+s11+$0x0], $0xffff;
	v5 =	vmov v16;
	_ =	sdelay $0x1  }
0x3bf: {  	v12 =	vadd.f32 $0.0e+00, v12;
	v15 =	vmul.f32 v15, v10  }
0x3c0: {  	v16 =	vmov s13  }
0x3c1: {  	v12 =	vadd.f32 v15, v12;
	v15 =	vmul.f32 v17, v9;
	v17 =	vshll.u32 v16, $0x3  }
0x3c2: {  	v16 =	vand.u32 $0x7F, v16;
	v17 =	vand.u32 $0xC00, v17  }
0x3c3: {  	v12 =	vadd.f32 v15, v12;
	v15 =	vmul.f32 v18, v11;
	v16 =	vor.u32 v16, v17  }
0x3c4: {  	v18 =	vadd.s32 v1, v6;
	v17 =	vadd.s32 v0, v16  }
0x3c5: {  	v12 =	vadd.f32 v15, v12  }
0x3c6: {  	v15 =	vadd.s32 v1, v7  }
0x3c7: {  	v12 =	vmax.f32 v12, $0.0e+00  }
0x3c8: {  	v12 =	vmin.f32 v12, $1.000000000e+00  }
0x3c9: {  	[tilespmem:v17+s10+$0x0] =	vst.idx.msk $0xffff, v12;
	v12 =	vadd.s32 v1, v13  }
0x3ca: {  	v17 =	vld.idx.msk [tilespmem:v18+s10+$0x0], $0xffff  }
0x3cb: {  	v18 =	vadd.s32 v1, v4  }
0x3cc: {  	v15 =	vld.idx.msk [tilespmem:v15+s10+$0x0], $0xffff;
	_ =	sdelay $0x1  }
0x3cd: {  	v12 =	vld.idx.msk [tilespmem:v12+s10+$0x0], $0xffff;
	_ =	sdelay $0x1  }
0x3ce: {  	v17 =	vmul.f32 v17, v8;
	v18 =	vld.idx.msk [tilespmem:v18+s10+$0x0], $0xffff;
	_ =	sdelay $0x1  }
0x3cf: {  	v17 =	vadd.f32 $0.0e+00, v17;
	v15 =	vmul.f32 v15, v10;
	_ =	sdelay $0x1  }
0x3d0: {  	v15 =	vadd.f32 v15, v17;
	v12 =	vmul.f32 v12, v9;
	_ =	sdelay $0x1  }
0x3d1: {  	v12 =	vadd.f32 v12, v15;
	v15 =	vmul.f32 v18, v11  }
0x3d2: {  	v17 =	vadd.s32 v1, v16;
	v18 =	vadd.s32 v2, v6  }
0x3d3: {  	v12 =	vadd.f32 v15, v12  }
0x3d4: {  	v15 =	vadd.s32 v2, v7  }
0x3d5: {  	v12 =	vmax.f32 v12, $0.0e+00  }
0x3d6: {  	v12 =	vmin.f32 v12, $1.000000000e+00  }
0x3d7: {  	[tilespmem:v17+s10+$0x0] =	vst.idx.msk $0xffff, v12;
	v12 =	vadd.s32 v2, v13  }
0x3d8: {  	v17 =	vld.idx.msk [tilespmem:v18+s10+$0x0], $0xffff  }
0x3d9: {  	v18 =	vadd.s32 v2, v4;
	v15 =	vld.idx.msk [tilespmem:v15+s10+$0x0], $0xffff;
	_ =	sdelay $0x2  }
0x3da: {  	v12 =	vld.idx.msk [tilespmem:v12+s10+$0x0], $0xffff;
	_ =	sdelay $0x1  }
0x3db: {  	v17 =	vmul.f32 v17, v8;
	v18 =	vld.idx.msk [tilespmem:v18+s10+$0x0], $0xffff;
	_ =	sdelay $0x1  }
0x3dc: {  	v15 =	vmul.f32 v15, v10;
	v17 =	vadd.f32 $0.0e+00, v17;
	_ =	sdelay $0x1  }
0x3dd: {  	v15 =	vadd.f32 v15, v17;
	v12 =	vmul.f32 v12, v9;
	_ =	sdelay $0x1  }
0x3de: {  	v12 =	vadd.f32 v12, v15;
	v15 =	vmul.f32 v18, v11  }
0x3df: {  	v6 =	vadd.s32 v3, v6;
	v17 =	vadd.s32 v2, v16  }
0x3e0: {  	v7 =	vadd.s32 v3, v7;
	v12 =	vadd.f32 v15, v12;
	_ =	sdelay $0x1  }
0x3e1: {  	v13 =	vadd.s32 v3, v13;
	v12 =	vmax.f32 v12, $0.0e+00  }
0x3e2: {  	v15 =	vadd.s32 v3, v4;
	v4 =	vmov v14;
	v12 =	vmin.f32 v12, $1.000000000e+00  }
0x3e3: {  	[tilespmem:v17+s10+$0x0] =	vst.idx.msk $0xffff, v12  }
0x3e4: {  	v6 =	vld.idx.msk [tilespmem:v6+s10+$0x0], $0xffff  }
0x3e5: {  	v7 =	vld.idx.msk [tilespmem:v7+s10+$0x0], $0xffff  }
0x3e6: {  	v12 =	vld.idx.msk [tilespmem:v13+s10+$0x0], $0xffff  }
0x3e7: {  	v13 =	vld.idx.msk [tilespmem:v15+s10+$0x0], $0xffff;
	_ =	sdelay $0x2  }
0x3e8: {  	v6 =	vmul.f32 v6, v8;
	_ =	sdelay $0x1  }
0x3e9: {  	v7 =	vmul.f32 v7, v10;
	v6 =	vadd.f32 $0.0e+00, v6;
	_ =	sdelay $0x1  }
0x3ea: {  	s16 =	sadd.s32 $0xFFFFFFFD, s15;
	v6 =	vadd.f32 v7, v6;
	v7 =	vmul.f32 v12, v9  }
0x3eb: {  	v8 =	vmov s16;
	s16 =	sadd.s32 $0xFFFFFFFE, s15;
	v10 =	vadd.s32 v3, v16;
	v11 =	vmul.f32 v13, v11  }
.Ltmp1:
0x3ec: {  	v9 =	vmov s16;
	v12 =	vshll.u32 v8, $0x3;
	v7 =	vadd.f32 v7, v6;
	(pc) =	sbr.rel @p0 .LBB2_4-.Ltmp1, $4  }
0x3ed: {  	s15 =	sadd.s32 $0xFFFFFFFF, s15;
	v13 =	vand.u32 $0x7E, v9;
	v12 =	vand.u32 $0x3C00, v12;
	v6 =	vand.u32 $0x7D, v8  }
0x3ee: {  	v14 =	vshll.u32 v9, $0x3;
	v6 =	vor.u32 v6, v12;
	v15 =	vadd.f32 v11, v7  }
0x3ef: {  	v11 =	vmov s15;
	v12 =	vadd.s32 v0, v6;
	v7 =	vand.u32 $0x3C00, v14  }
0x3f0: {  	v7 =	vor.u32 v13, v7;
	v13 =	vshll.u32 v11, $0x3;
	v14 =	vmax.f32 v15, $0.0e+00  }
0x3f1: {  	_ =	sdelay $0x1  }
0x3f2: {  	v15 =	vadd.s32 v0, v7  }
0x3f3: {  	v13 =	vand.u32 $0x3C00, v13;
	v14 =	vmin.f32 v14, $1.000000000e+00;
	v16 =	vand.u32 $0x7F, v11  }
0x3f4: {  	[tilespmem:v10+s10+$0x0] =	vst.idx.msk $0xffff, v14;
	v41 =	vor.u32 v16, v13  }
0x3f5: {  	v8 =	vld.idx.msk [tilespmem:v8+s11+$0x0], $0xffff;
	v13 =	vadd.s32 v0, v41  }
0x3f6: {  	v12 =	vld.idx.msk [tilespmem:v12+s10+$0x0], $0xffff  }
0x3f7: {  	v42 =	vadd.s32 v0, v4;
	v9 =	vld.idx.msk [tilespmem:v9+s11+$0x0], $0xffff  }
0x3f8: {  	v15 =	vld.idx.msk [tilespmem:v15+s10+$0x0], $0xffff  }
0x3f9: {  	v43 =	vld.idx.msk [tilespmem:v11+s11+$0x0], $0xffff  }
0x3fa: {  	v13 =	vld.idx.msk [tilespmem:v13+s10+$0x0], $0xffff  }
0x3fb: {  	v5 =	vld.idx.msk [tilespmem:v5+s11+$0x0], $0xffff;
	v12 =	vmul.f32 v12, v8  }
0x3fc: {  	v14 =	vld.idx.msk [tilespmem:v42+s10+$0x0], $0xffff  }
0x3fd: {  	s13 =	sadd.s32 $0xFFFFFFFF, s13;
	v12 =	vadd.f32 $0.0e+00, v12;
	v15 =	vmul.f32 v15, v9  }
0x3fe: {  	v44 =	vmov s13  }
0x3ff: {  	v45 =	vshll.u32 v44, $0x3;
	v12 =	vadd.f32 v15, v12;
	v13 =	vmul.f32 v13, v43  }
0x400: {  	v16 =	vand.u32 $0x7F, v44;
	v15 =	vand.u32 $0xC00, v45  }
0x401: {  	v46 =	vmul.f32 v14, v5;
	v47 =	vor.u32 v16, v15;
	v12 =	vadd.f32 v13, v12  }
0x402: {  	v15 =	vadd.s32 v0, v47  }
0x403: {  	v48 =	vadd.s32 v1, v6;
	v12 =	vadd.f32 v46, v12;
	_ =	sdelay $0x1  }
0x404: {  	v49 =	vadd.s32 v1, v7;
	v12 =	vmax.f32 v12, $0.0e+00  }
0x405: {  	v12 =	vmin.f32 v12, $1.000000000e+00  }
0x406: {  	v50 =	vadd.s32 v1, v41;
	[tilespmem:v15+s10+$0x0] =	vst.idx.msk $0xffff, v12  }
0x407: {  	v15 =	vld.idx.msk [tilespmem:v48+s10+$0x0], $0xffff  }
0x408: {  	v51 =	vadd.s32 v1, v4  }
0x409: {  	v13 =	vld.idx.msk [tilespmem:v49+s10+$0x0], $0xffff;
	_ =	sdelay $0x1  }
0x40a: {  	v12 =	vld.idx.msk [tilespmem:v50+s10+$0x0], $0xffff  }
0x40b: {  	v15 =	vmul.f32 v15, v8  }
0x40c: {  	v16 =	vld.idx.msk [tilespmem:v51+s10+$0x0], $0xffff  }
0x40d: {  	v13 =	vmul.f32 v13, v9;
	v15 =	vadd.f32 $0.0e+00, v15;
	_ =	sdelay $0x1  }
0x40e: {  	v12 =	vmul.f32 v12, v43;
	v13 =	vadd.f32 v13, v15;
	_ =	sdelay $0x1  }
0x40f: {  	v52 =	vmul.f32 v16, v5;
	v12 =	vadd.f32 v12, v13  }
0x410: {  	v53 =	vadd.s32 v1, v47  }
0x411: {  	v54 =	vadd.s32 v2, v6;
	v12 =	vadd.f32 v52, v12;
	_ =	sdelay $0x1  }
0x412: {  	v55 =	vadd.s32 v2, v7;
	v12 =	vmax.f32 v12, $0.0e+00  }
0x413: {  	v12 =	vmin.f32 v12, $1.000000000e+00  }
0x414: {  	v56 =	vadd.s32 v2, v41;
	[tilespmem:v53+s10+$0x0] =	vst.idx.msk $0xffff, v12  }
0x415: {  	v15 =	vld.idx.msk [tilespmem:v54+s10+$0x0], $0xffff  }
0x416: {  	v57 =	vadd.s32 v2, v4  }
0x417: {  	v13 =	vld.idx.msk [tilespmem:v55+s10+$0x0], $0xffff;
	_ =	sdelay $0x1  }
0x418: {  	v12 =	vld.idx.msk [tilespmem:v56+s10+$0x0], $0xffff  }
0x419: {  	v15 =	vmul.f32 v15, v8  }
0x41a: {  	v16 =	vld.idx.msk [tilespmem:v57+s10+$0x0], $0xffff  }
0x41b: {  	v13 =	vmul.f32 v13, v9;
	v15 =	vadd.f32 $0.0e+00, v15;
	_ =	sdelay $0x1  }
0x41c: {  	v12 =	vmul.f32 v12, v43;
	v13 =	vadd.f32 v13, v15;
	_ =	sdelay $0x1  }
0x41d: {  	v58 =	vmul.f32 v16, v5;
	v12 =	vadd.f32 v12, v13  }
0x41e: {  	v59 =	vadd.s32 v2, v47  }
0x41f: {  	v60 =	vadd.s32 v3, v6;
	v12 =	vadd.f32 v58, v12;
	_ =	sdelay $0x1  }
0x420: {  	v61 =	vadd.s32 v3, v7;
	v12 =	vmax.f32 v12, $0.0e+00  }
0x421: {  	v12 =	vmin.f32 v12, $1.000000000e+00  }
0x422: {  	v10 =	vadd.s32 v3, v41;
	[tilespmem:v59+s10+$0x0] =	vst.idx.msk $0xffff, v12  }
0x423: {  	v6 =	vld.idx.msk [tilespmem:v60+s10+$0x0], $0xffff  }
0x424: {  	v4 =	vadd.s32 v3, v4  }
0x425: {  	v7 =	vld.idx.msk [tilespmem:v61+s10+$0x0], $0xffff;
	_ =	sdelay $0x1  }
0x426: {  	v10 =	vld.idx.msk [tilespmem:v10+s10+$0x0], $0xffff  }
0x427: {  	v6 =	vmul.f32 v6, v8  }
0x428: {  	v4 =	vld.idx.msk [tilespmem:v4+s10+$0x0], $0xffff  }
0x429: {  	v7 =	vmul.f32 v7, v9;
	v6 =	vadd.f32 $0.0e+00, v6;
	_ =	sdelay $0x1  }
0x42a: {  	v62 =	vmul.f32 v10, v43;
	v6 =	vadd.f32 v7, v6;
	_ =	sdelay $0x1  }
0x42b: {  	v4 =	vmul.f32 v4, v5;
	v5 =	vadd.f32 v62, v6  }
0x42c: {  	v63 =	vadd.s32 v3, v47  }
0x42d: {  	v4 =	vadd.f32 v4, v5;
	_ =	sdelay $0x1  }
0x42e: {  	s12 =	sadd.s32 $0x1, s12;
	v4 =	vmax.f32 v4, $0.0e+00  }
0x42f: {  	p0 =	sne.s32 s12, s8;
	v4 =	vmin.f32 v4, $1.000000000e+00  }
.Ltmp2:
0x430: {  	[tilespmem:v63+s10+$0x0] =	vst.idx.msk $0xffff, v4;
	(pc) =	sbr.rel @p0 .LBB2_1-.Ltmp2, $4  }
0x431: {  	[hbm4b:s7+s3] =	stream.linear.scatter [tilespmem:s10], [sflag:$0x1], $0x16000, $0x38;
	[tilespmem:$0x16B00] =	vst v63  }
0x432: {  	_ =	swait.ge [sflag:s9], $0x16000  }
0x433: {  	[sflag:s9] =	ssyncset.done $0x0  }
0x434: {  	[sflag:s9] =	ssyncadd.s32 $0xFFFEA000  }
0x435: {  	_ =	sfence.sel $0x180000  }
0x436: {  	[bflag:$0x0] =	sbarrier.arrive $0xFFFF  }
0x437: {  	p0 =	sne.s32 s0, $0x0;
	_ =	strace $0x90000047  }
0x438: {  	s0 =	sadd.s32 @!p0 $0x100000, s1;
	[bflag:$0x2] =	sbarrier.arrive $0xFFFF  }
0x439: {  	[sflag:s0] =	ssyncadd.tile.s32 @!p0 $0x1;
	_ =	shalt  }
.Lfunc_end2:
_tile_overlayer_lowered:
.L_overlay_start_2:
0x43a: {  	(tag) =	ssettag $0x2  }
0x43b: {  	s0 =	rddreg [dreg:$0x0];
	s2 =	stileid.u32  }
0x43c: {  	s1 =	rddreg [dreg:$0x1];
	p0 =	sne.s32 s2, $0x0  }
0x43d: {  	s3 =	rddreg [dreg:$0x2];
	[bflag:$0x3] =	sbarrier.arrive $0xFFFF;
	s2 =	simm.s32 @!p0 $0x1C01  }
0x43e: {  	[timem:s3], [sflag:s2] =	dma.local @!p0 [hbm:s0], s1  }
0x43f: {  	s0 =	simm.s32 @!p0 $0x1  }
0x440: {  	_ =	swait.ge @!p0 [sflag:s0], s1  }
0x441: {  	s1 =	ssub.s32 @!p0 $0x0, s1;
	[sflag:s0] =	ssyncset.done @!p0 $0x0  }
0x442: {  	[sflag:s0] =	ssyncadd.s32 @!p0 s1  }
0x443: {  	[bflag:$0x3] =	sbarrier.arrive $0xFFFF  }
0x444: {  	_ =	shalt  }

</sc_bundles>
